<compile_context>
chip_gen: v7x
topology: tpu7x:2x2x1
jax: 0.10.2.dev20260603
libtpu: 0.0.44.dev20260713+nightly
codegen_flags: <defaults>
</compile_context>

<pallas_src>
import functools

import jax
import jax.numpy as jnp
from jax import lax
from jax.experimental import pallas as pl
from jax.experimental.pallas import tpu as pltpu
from jax.experimental.pallas import tpu_sc as plsc

B0, B1, DIM = 16384, 200, 32
NC, NS = 2, 16
NW = NC * NS
TPW = B0 // NW
LPW = TPW // 128
SI_D = DIM // 8
T_HALF = B1 // 2

_mesh = plsc.VectorSubcoreMesh(core_axis_name="c", subcore_axis_name="s")


@functools.partial(
    pl.kernel,
    mesh=_mesh,
    compiler_params=pltpu.CompilerParams(
        use_tc_tiling_on_sc=False, needs_layout_passes=False, disable_bounds_checks=True
    ),
    out_type=jax.ShapeDtypeStruct((B1, SI_D, 128, 8, 128), jnp.float32),
    scratch_types=[
        pltpu.VMEM((2, LPW, 8, 128), jnp.int32),
        pltpu.VMEM((2, TPW, DIM), jnp.float32),
        pltpu.VMEM((2, SI_D, LPW, 10, 129), jnp.float32),
        pltpu.SemaphoreType.DMA,
        pltpu.SemaphoreType.DMA,
        pltpu.SemaphoreType.DMA,
        pltpu.SemaphoreType.DMA,
    ],
)
def _emb_lookup(tok5, table, out5, idx_v, rows_v, plane_v, sem_i, sem_g0, sem_g1, sem_o):
    wid = lax.axis_index("s") * NC + lax.axis_index("c")
    li0 = wid * LPW
    iota = lax.iota(jnp.int32, 16)

    def fire_idx_group(g, gslot):
        pltpu.async_copy(tok5.at[g, pl.ds(li0, LPW)], idx_v.at[gslot], sem_i)

    def drain_idx_group(gslot):
        pltpu.make_async_copy(
            tok5.at[0, pl.ds(li0, LPW)], idx_v.at[gslot], sem_i
        ).wait()

    def fire_gathers(gslot, dr, slot, sem):
        for q in range(LPW):
            pltpu.async_copy(
                table.at[idx_v.at[gslot, q, dr]],
                rows_v.at[slot, pl.ds(q * 128, 128)],
                sem,
            )

    def drain_gathers(slot, sem):
        for q in range(LPW):
            pltpu.make_async_copy(
                table.at[idx_v.at[0, 0, 0]],
                rows_v.at[slot, pl.ds(0, 128)],
                sem,
            ).wait()

    def drain_writebacks(n):
        for _ in range(n):
            pltpu.make_async_copy(
                plane_v.at[0, 0, pl.ds(0, LPW), pl.ds(0, 8), pl.ds(0, 128)],
                out5.at[0, 0, pl.ds(0, LPW)],
                sem_o,
            ).wait()

    siv = [(iota + 16 * k) // 8 for k in range(2)]
    drv = [lax.rem(iota + 16 * k, 8) for k in range(2)]

    zeros16 = jnp.full((16,), 0, jnp.int32)
    livs = [zeros16 + li for li in range(LPW)]

    def transpose_chunk(slot):
        plane = plane_v.at[slot]

        @plsc.parallel_loop(0, 128, step=1, unroll=4)
        def brloop(br):
            br_s = zeros16 + br
            for li in range(LPW):
                j = li * 128 + br
                for k in range(2):
                    vec = rows_v[slot, j, pl.ds(k * 16, 16)]
                    plsc.store_scatter(plane, [siv[k], livs[li], drv[k], br_s], vec)

    def fire_writebacks(slot, b1):
        for si in range(SI_D):
            pltpu.async_copy(
                plane_v.at[slot, si, pl.ds(0, LPW), pl.ds(0, 8), pl.ds(0, 128)],
                out5.at[b1, si, pl.ds(li0, LPW)],
                sem_o,
            )

    fire_idx_group(0, 0)
    drain_idx_group(0)
    fire_gathers(0, 0, 0, sem_g0)

    def body(t, carry):
        b1a = 2 * t
        g = t // 4
        gslot = lax.rem(g, 2)
        dra = lax.rem(b1a, 8)
        at_group_start = lax.rem(t, 4) == 0

        @pl.when(at_group_start & (t < T_HALF - 4))
        def _():
            fire_idx_group(g + 1, 1 - gslot)

        fire_gathers(gslot, dra + 1, 1, sem_g1)

        @pl.when(t >= 1)
        def _():
            drain_writebacks(SI_D)

        drain_gathers(0, sem_g0)
        transpose_chunk(0)
        fire_writebacks(0, b1a)

        @pl.when(t < T_HALF - 1)
        def _():
            nxt = b1a + 2
            ng = nxt // 8
            ndr = lax.rem(nxt, 8)

            @pl.when(ndr == 0)
            def _():
                drain_idx_group(lax.rem(ng, 2))

            fire_gathers(lax.rem(ng, 2), ndr, 0, sem_g0)

        @pl.when(t >= 1)
        def _():
            drain_writebacks(SI_D)

        drain_gathers(1, sem_g1)
        transpose_chunk(1)
        fire_writebacks(1, b1a + 1)
        return carry

    lax.fori_loop(0, T_HALF, body, 0)
    drain_writebacks(2 * SI_D)


def kernel(token_ids, weight):
    tok5 = (
        jnp.asarray(token_ids, jnp.int32)
        .reshape(128, 128, B1 // 8, 8)
        .transpose(2, 0, 3, 1)
    )
    out5 = _emb_lookup(tok5, weight)
    return out5.transpose(2, 4, 0, 1, 3).reshape(B0, B1, DIM)

# --- scband reference (transcript-rebuilt; emitter-appended) ---
"""Pipeline reference for scband-embedding-8907762172377 (READ-ONLY COPY).

The authoritative reference and input builder live on the scoring server;
editing this copy changes nothing except your own understanding.
"""

import jax, jax.numpy as jnp
import numpy as np

NUM_EMBEDDINGS = 1000000
EMBEDDING_DIM = 32

def setup_inputs(seed: int = 0) -> dict:
    key = jax.random.key(seed)
    k_idx, k_w = jax.random.split(key)
    token_ids = jax.random.randint(k_idx, (16384, 200), 0, NUM_EMBEDDINGS, dtype=jnp.int64 if jax.config.jax_enable_x64 else jnp.int32)
    # trunc_normal_(mean=0, std=1, a=-3, b=3) approximated via truncated normal
    weight = jax.random.truncated_normal(k_w, -3.0, 3.0, (NUM_EMBEDDINGS, EMBEDDING_DIM), dtype=jnp.float32)
    return {"token_ids": token_ids, "weight": weight}

def reference(token_ids, weight):
    # Faithful translation of: return self.weight[token_ids]
    return jnp.take(weight, token_ids, axis=0)

if __name__ == "__main__":
    import jax
    _d = setup_inputs()
    print(jax.jit(kernel)(*tuple(_d.values())))

</pallas_src>

<mosaic_0001>
#map = affine_map<(d0, d1) -> (0, 0, 0, 0)>
#map1 = affine_map<(d0, d1) -> (0, 0)>
#map2 = affine_map<(d0, d1) -> (0, 0, 0, 0, 0)>
module attributes {stable_mosaic.version = 14 : i64} {
  func.func @_emb_lookup(%arg0: i32, %arg1: i32, %arg2: memref<25x128x8x128xi32, #tpu.memory_space<hbm>>, %arg3: memref<1000000x32xf32, #tpu.memory_space<hbm>>, %arg4: memref<200x4x128x8x128xf32, #tpu.memory_space<hbm>>, %arg5: memref<2x4x8x128xi32, #tpu.memory_space<vmem>>, %arg6: memref<2x512x32xf32, #tpu.memory_space<vmem>>, %arg7: memref<2x4x4x10x129xf32, #tpu.memory_space<vmem>>, %arg8: memref<!tpu.dma_semaphore, #tpu.memory_space<semaphore_mem>>, %arg9: memref<!tpu.dma_semaphore, #tpu.memory_space<semaphore_mem>>, %arg10: memref<!tpu.dma_semaphore, #tpu.memory_space<semaphore_mem>>, %arg11: memref<!tpu.dma_semaphore, #tpu.memory_space<semaphore_mem>>) attributes {dimension_semantics = [#tpu.dimension_semantics<core_parallel>, #tpu.dimension_semantics<subcore_parallel>], iteration_bounds = array<i64: 2, 16>, scalar_prefetch = 0 : i64, scratch_operands = 7 : i64, tpu.core_type = #tpu.core_type<sc_vector_subcore>, window_params = [{transform_indices = #map}, {transform_indices = #map1}, {transform_indices = #map2}]} {
    %mul3A = arith.constant 2 : i32
    %mul3A_0 = arith.muli %arg1, %mul3A : i32
    %add3A = arith.addi %mul3A_0, %arg0 : i32
    %mul3A_1 = arith.constant 4 : i32
    %mul3A_2 = arith.muli %add3A, %mul3A_1 : i32
    %iota3A = tpu.iota {dimensions = array<i32: 0>} : vector<16xi32>
    %add3A_3 = arith.constant 0 : i32
    %add3A_4 = vector.broadcast %add3A_3 : i32 to vector<16xi32>
    %add3A_5 = arith.addi %iota3A, %add3A_4 : vector<16xi32>
    %jit3A = arith.constant 8 : i32
    %div3A = vector.broadcast %jit3A : i32 to vector<16xi32>
    %div3A_6 = arith.divsi %add3A_5, %div3A : vector<16xi32>
    %sign3A = arith.constant 0 : i32
    %sign3A_7 = vector.broadcast %sign3A : i32 to vector<16xi32>
    %sign3A_8 = arith.cmpi sgt, %add3A_5, %sign3A_7 : vector<16xi32>
    %sign3A_9 = arith.extui %sign3A_8 : vector<16xi1> to vector<16xi32>
    %sign3A_10 = arith.constant 0 : i32
    %sign3A_11 = vector.broadcast %sign3A_10 : i32 to vector<16xi32>
    %sign3A_12 = arith.cmpi slt, %add3A_5, %sign3A_11 : vector<16xi32>
    %sign3A_13 = arith.extui %sign3A_12 : vector<16xi1> to vector<16xi32>
    %sign3A_14 = arith.subi %sign3A_9, %sign3A_13 : vector<16xi32>
    %sign3A_15 = arith.constant 0 : i32
    %sign3A_16 = arith.cmpi sgt, %jit3A, %sign3A_15 : i32
    %sign3A_17 = arith.extui %sign3A_16 : i1 to i32
    %sign3A_18 = arith.constant 0 : i32
    %sign3A_19 = arith.cmpi slt, %jit3A, %sign3A_18 : i32
    %sign3A_20 = arith.extui %sign3A_19 : i1 to i32
    %sign3A_21 = arith.subi %sign3A_17, %sign3A_20 : i32
    %ne3A = vector.broadcast %sign3A_21 : i32 to vector<16xi32>
    %ne3A_22 = arith.cmpi ne, %sign3A_14, %ne3A : vector<16xi32>
    %rem3A = vector.broadcast %jit3A : i32 to vector<16xi32>
    %rem3A_23 = arith.remsi %add3A_5, %rem3A : vector<16xi32>
    %ne3A_24 = arith.constant 0 : i32
    %ne3A_25 = vector.broadcast %ne3A_24 : i32 to vector<16xi32>
    %ne3A_26 = arith.cmpi ne, %rem3A_23, %ne3A_25 : vector<16xi32>
    %and3A = arith.andi %ne3A_22, %ne3A_26 : vector<16xi1>
    %sub3A = arith.constant 1 : i32
    %sub3A_27 = vector.broadcast %sub3A : i32 to vector<16xi32>
    %sub3A_28 = arith.subi %div3A_6, %sub3A_27 : vector<16xi32>
    %select_n3A = arith.select %and3A, %sub3A_28, %div3A_6 : vector<16xi1>, vector<16xi32>
    %add3A_29 = arith.constant 16 : i32
    %add3A_30 = vector.broadcast %add3A_29 : i32 to vector<16xi32>
    %add3A_31 = arith.addi %iota3A, %add3A_30 : vector<16xi32>
    %jit3A_32 = arith.constant 8 : i32
    %div3A_33 = vector.broadcast %jit3A_32 : i32 to vector<16xi32>
    %div3A_34 = arith.divsi %add3A_31, %div3A_33 : vector<16xi32>
    %sign3A_35 = arith.constant 0 : i32
    %sign3A_36 = vector.broadcast %sign3A_35 : i32 to vector<16xi32>
    %sign3A_37 = arith.cmpi sgt, %add3A_31, %sign3A_36 : vector<16xi32>
    %sign3A_38 = arith.extui %sign3A_37 : vector<16xi1> to vector<16xi32>
    %sign3A_39 = arith.constant 0 : i32
    %sign3A_40 = vector.broadcast %sign3A_39 : i32 to vector<16xi32>
    %sign3A_41 = arith.cmpi slt, %add3A_31, %sign3A_40 : vector<16xi32>
    %sign3A_42 = arith.extui %sign3A_41 : vector<16xi1> to vector<16xi32>
    %sign3A_43 = arith.subi %sign3A_38, %sign3A_42 : vector<16xi32>
    %sign3A_44 = arith.constant 0 : i32
    %sign3A_45 = arith.cmpi sgt, %jit3A_32, %sign3A_44 : i32
    %sign3A_46 = arith.extui %sign3A_45 : i1 to i32
    %sign3A_47 = arith.constant 0 : i32
    %sign3A_48 = arith.cmpi slt, %jit3A_32, %sign3A_47 : i32
    %sign3A_49 = arith.extui %sign3A_48 : i1 to i32
    %sign3A_50 = arith.subi %sign3A_46, %sign3A_49 : i32
    %ne3A_51 = vector.broadcast %sign3A_50 : i32 to vector<16xi32>
    %ne3A_52 = arith.cmpi ne, %sign3A_43, %ne3A_51 : vector<16xi32>
    %rem3A_53 = vector.broadcast %jit3A_32 : i32 to vector<16xi32>
    %rem3A_54 = arith.remsi %add3A_31, %rem3A_53 : vector<16xi32>
    %ne3A_55 = arith.constant 0 : i32
    %ne3A_56 = vector.broadcast %ne3A_55 : i32 to vector<16xi32>
    %ne3A_57 = arith.cmpi ne, %rem3A_54, %ne3A_56 : vector<16xi32>
    %and3A_58 = arith.andi %ne3A_52, %ne3A_57 : vector<16xi1>
    %sub3A_59 = arith.constant 1 : i32
    %sub3A_60 = vector.broadcast %sub3A_59 : i32 to vector<16xi32>
    %sub3A_61 = arith.subi %div3A_34, %sub3A_60 : vector<16xi32>
    %select_n3A_62 = arith.select %and3A_58, %sub3A_61, %div3A_34 : vector<16xi1>, vector<16xi32>
    %add3A_63 = arith.constant 0 : i32
    %add3A_64 = vector.broadcast %add3A_63 : i32 to vector<16xi32>
    %add3A_65 = arith.addi %iota3A, %add3A_64 : vector<16xi32>
    %rem3A_66 = arith.constant 8 : i32
    %rem3A_67 = vector.broadcast %rem3A_66 : i32 to vector<16xi32>
    %rem3A_68 = arith.remsi %add3A_65, %rem3A_67 : vector<16xi32>
    %add3A_69 = arith.constant 16 : i32
    %add3A_70 = vector.broadcast %add3A_69 : i32 to vector<16xi32>
    %add3A_71 = arith.addi %iota3A, %add3A_70 : vector<16xi32>
    %rem3A_72 = arith.constant 8 : i32
    %rem3A_73 = vector.broadcast %rem3A_72 : i32 to vector<16xi32>
    %rem3A_74 = arith.remsi %add3A_71, %rem3A_73 : vector<16xi32>
    %broadcast_in_dim3A = arith.constant 0 : i32
    %broadcast_in_dim3A_75 = vector.broadcast %broadcast_in_dim3A : i32 to vector<16xi32>
    %add3A_76 = arith.constant 0 : i32
    %add3A_77 = vector.broadcast %add3A_76 : i32 to vector<16xi32>
    %add3A_78 = arith.addi %broadcast_in_dim3A_75, %add3A_77 : vector<16xi32>
    %add3A_79 = arith.constant 1 : i32
    %add3A_80 = vector.broadcast %add3A_79 : i32 to vector<16xi32>
    %add3A_81 = arith.addi %broadcast_in_dim3A_75, %add3A_80 : vector<16xi32>
    %add3A_82 = arith.constant 2 : i32
    %add3A_83 = vector.broadcast %add3A_82 : i32 to vector<16xi32>
    %add3A_84 = arith.addi %broadcast_in_dim3A_75, %add3A_83 : vector<16xi32>
    %add3A_85 = arith.constant 3 : i32
    %add3A_86 = vector.broadcast %add3A_85 : i32 to vector<16xi32>
    %add3A_87 = arith.addi %broadcast_in_dim3A_75, %add3A_86 : vector<16xi32>
    %dma_start3A = arith.constant 0 : i32
    %dma_start3A_88 = arith.constant 0 : i32
    %dma_start3A_89 = arith.constant 0 : i32
    %dma_start3A_90 = arith.constant 0 : i32
    %dma_start3A_91 = arith.constant 0 : i32
    %dma_start3A_92 = tpu.memref_slice %arg5[%dma_start3A_88, %dma_start3A_89, %dma_start3A_90, %dma_start3A_91] : memref<2x4x8x128xi32, #tpu.memory_space<vmem>> -> memref<1x4x8x128xi32, #tpu.memory_space<vmem>>
    %dma_start3A_93 = tpu.memref_squeeze %dma_start3A_92 : memref<1x4x8x128xi32, #tpu.memory_space<vmem>> -> memref<4x8x128xi32, #tpu.memory_space<vmem>>
    %dma_start3A_94 = arith.constant 0 : i32
    %dma_start3A_95 = arith.constant 0 : i32
    %dma_start3A_96 = tpu.memref_slice %arg2[%dma_start3A, %mul3A_2, %dma_start3A_94, %dma_start3A_95] : memref<25x128x8x128xi32, #tpu.memory_space<hbm>> -> memref<1x4x8x128xi32, #tpu.memory_space<hbm>>
    %dma_start3A_97 = tpu.memref_squeeze %dma_start3A_96 : memref<1x4x8x128xi32, #tpu.memory_space<hbm>> -> memref<4x8x128xi32, #tpu.memory_space<hbm>>
    %dma_start3A_98 = arith.constant 0 : i32
    %dma_start3A_99 = arith.constant 0 : i32
    %dma_start3A_100 = arith.constant 0 : i32
    %dma_start3A_101 = tpu.memref_slice %arg5[%dma_start3A_88, %dma_start3A_98, %dma_start3A_99, %dma_start3A_100] : memref<2x4x8x128xi32, #tpu.memory_space<vmem>> -> memref<1x4x8x128xi32, #tpu.memory_space<vmem>>
    %dma_start3A_102 = tpu.memref_squeeze %dma_start3A_101 : memref<1x4x8x128xi32, #tpu.memory_space<vmem>> -> memref<4x8x128xi32, #tpu.memory_space<vmem>>
    %dma_start3A_103 = arith.constant 0 : i32
    %dma_start3A_104 = arith.constant 0 : i32
    %dma_start3A_105 = tpu.memref_slice %arg2[%dma_start3A, %mul3A_2, %dma_start3A_103, %dma_start3A_104] : memref<25x128x8x128xi32, #tpu.memory_space<hbm>> -> memref<1x4x8x128xi32, #tpu.memory_space<hbm>>
    %dma_start3A_106 = tpu.memref_squeeze %dma_start3A_105 : memref<1x4x8x128xi32, #tpu.memory_space<hbm>> -> memref<4x8x128xi32, #tpu.memory_space<hbm>>
    tpu.enqueue_dma source(%dma_start3A_106 : memref<4x8x128xi32, #tpu.memory_space<hbm>>) target(%dma_start3A_102 : memref<4x8x128xi32, #tpu.memory_space<vmem>>) target_semaphore(%arg8 : memref<!tpu.dma_semaphore, #tpu.memory_space<semaphore_mem>>)
    %dma_wait3A = arith.constant 0 : i32
    %dma_wait3A_107 = arith.constant 0 : i32
    %dma_wait3A_108 = arith.constant 0 : i32
    %dma_wait3A_109 = arith.constant 0 : i32
    %dma_wait3A_110 = arith.constant 0 : i32
    %dma_wait3A_111 = tpu.memref_slice %arg5[%dma_wait3A_107, %dma_wait3A_108, %dma_wait3A_109, %dma_wait3A_110] : memref<2x4x8x128xi32, #tpu.memory_space<vmem>> -> memref<1x4x8x128xi32, #tpu.memory_space<vmem>>
    %dma_wait3A_112 = tpu.memref_squeeze %dma_wait3A_111 : memref<1x4x8x128xi32, #tpu.memory_space<vmem>> -> memref<4x8x128xi32, #tpu.memory_space<vmem>>
    %dma_wait3A_113 = arith.constant 0 : i32
    %dma_wait3A_114 = arith.constant 0 : i32
    %dma_wait3A_115 = tpu.memref_slice %arg2[%dma_wait3A, %mul3A_2, %dma_wait3A_113, %dma_wait3A_114] : memref<25x128x8x128xi32, #tpu.memory_space<hbm>> -> memref<1x4x8x128xi32, #tpu.memory_space<hbm>>
    %dma_wait3A_116 = tpu.memref_squeeze %dma_wait3A_115 : memref<1x4x8x128xi32, #tpu.memory_space<hbm>> -> memref<4x8x128xi32, #tpu.memory_space<hbm>>
    %dma_wait3A_117 = arith.constant 0 : i32
    %dma_wait3A_118 = arith.constant 0 : i32
    %dma_wait3A_119 = arith.constant 0 : i32
    %dma_wait3A_120 = tpu.memref_slice %arg5[%dma_wait3A_107, %dma_wait3A_117, %dma_wait3A_118, %dma_wait3A_119] : memref<2x4x8x128xi32, #tpu.memory_space<vmem>> -> memref<1x4x8x128xi32, #tpu.memory_space<vmem>>
    %dma_wait3A_121 = tpu.memref_squeeze %dma_wait3A_120 : memref<1x4x8x128xi32, #tpu.memory_space<vmem>> -> memref<4x8x128xi32, #tpu.memory_space<vmem>>
    %dma_wait3A_122 = arith.constant 0 : i32
    %dma_wait3A_123 = arith.constant 0 : i32
    %dma_wait3A_124 = tpu.memref_slice %arg2[%dma_wait3A, %mul3A_2, %dma_wait3A_122, %dma_wait3A_123] : memref<25x128x8x128xi32, #tpu.memory_space<hbm>> -> memref<1x4x8x128xi32, #tpu.memory_space<hbm>>
    %dma_wait3A_125 = tpu.memref_squeeze %dma_wait3A_124 : memref<1x4x8x128xi32, #tpu.memory_space<hbm>> -> memref<4x8x128xi32, #tpu.memory_space<hbm>>
    tpu.wait_dma2 semaphore(%arg8 : memref<!tpu.dma_semaphore, #tpu.memory_space<semaphore_mem>>) src(%dma_wait3A_125 : memref<4x8x128xi32, #tpu.memory_space<hbm>>) dst(%dma_wait3A_121 : memref<4x8x128xi32, #tpu.memory_space<vmem>>)
    %dma_start3A_126 = arith.constant 0 : i32
    %dma_start3A_127 = arith.constant 0 : i32
    %dma_start3A_128 = arith.constant 0 : i32
    %dma_start3A_129 = arith.constant 0 : i32
    %dma_start3A_130 = arith.constant 0 : i32
    %dma_start3A_131 = arith.constant 0 : i32
    %dma_start3A_132 = tpu.memref_slice %arg6[%dma_start3A_129, %dma_start3A_130, %dma_start3A_131] : memref<2x512x32xf32, #tpu.memory_space<vmem>> -> memref<1x128x32xf32, #tpu.memory_space<vmem>>
    %dma_start3A_133 = tpu.memref_squeeze %dma_start3A_132 : memref<1x128x32xf32, #tpu.memory_space<vmem>> -> memref<128x32xf32, #tpu.memory_space<vmem>>
    %dma_start3A_134 = arith.constant 0 : i32
    %dma_start3A_135 = tpu.memref_slice %arg5[%dma_start3A_126, %dma_start3A_127, %dma_start3A_128, %dma_start3A_134] : memref<2x4x8x128xi32, #tpu.memory_space<vmem>> -> memref<1x1x1x128xi32, #tpu.memory_space<vmem>>
    %dma_start3A_136 = tpu.memref_squeeze %dma_start3A_135 : memref<1x1x1x128xi32, #tpu.memory_space<vmem>> -> memref<128xi32, #tpu.memory_space<vmem>>
    %dma_start3A_137 = arith.constant 0 : i32
    %dma_start3A_138 = arith.constant 0 : i32
    %dma_start3A_139 = tpu.memref_slice %arg3[%dma_start3A_137, %dma_start3A_138] : memref<1000000x32xf32, #tpu.memory_space<hbm>> -> memref<1000000x32xf32, #tpu.memory_space<hbm>>
    tpu.enqueue_indirect_dma source(%dma_start3A_139 : memref<1000000x32xf32, #tpu.memory_space<hbm>>) target(%dma_start3A_133 : memref<128x32xf32, #tpu.memory_space<vmem>>) offsets(%dma_start3A_136 : memref<128xi32, #tpu.memory_space<vmem>>) semaphore(%arg9 : memref<!tpu.dma_semaphore, #tpu.memory_space<semaphore_mem>>)
    %dma_start3A_140 = arith.constant 0 : i32
    %dma_start3A_141 = arith.constant 1 : i32
    %dma_start3A_142 = arith.constant 0 : i32
    %dma_start3A_143 = arith.constant 0 : i32
    %dma_start3A_144 = arith.constant 128 : i32
    %dma_start3A_145 = arith.constant 0 : i32
    %dma_start3A_146 = tpu.memref_slice %arg6[%dma_start3A_143, %dma_start3A_144, %dma_start3A_145] : memref<2x512x32xf32, #tpu.memory_space<vmem>> -> memref<1x128x32xf32, #tpu.memory_space<vmem>>
    %dma_start3A_147 = tpu.memref_squeeze %dma_start3A_146 : memref<1x128x32xf32, #tpu.memory_space<vmem>> -> memref<128x32xf32, #tpu.memory_space<vmem>>
    %dma_start3A_148 = arith.constant 0 : i32
    %dma_start3A_149 = tpu.memref_slice %arg5[%dma_start3A_140, %dma_start3A_141, %dma_start3A_142, %dma_start3A_148] : memref<2x4x8x128xi32, #tpu.memory_space<vmem>> -> memref<1x1x1x128xi32, #tpu.memory_space<vmem>>
    %dma_start3A_150 = tpu.memref_squeeze %dma_start3A_149 : memref<1x1x1x128xi32, #tpu.memory_space<vmem>> -> memref<128xi32, #tpu.memory_space<vmem>>
    %dma_start3A_151 = arith.constant 0 : i32
    %dma_start3A_152 = arith.constant 0 : i32
    %dma_start3A_153 = tpu.memref_slice %arg3[%dma_start3A_151, %dma_start3A_152] : memref<1000000x32xf32, #tpu.memory_space<hbm>> -> memref<1000000x32xf32, #tpu.memory_space<hbm>>
    tpu.enqueue_indirect_dma source(%dma_start3A_153 : memref<1000000x32xf32, #tpu.memory_space<hbm>>) target(%dma_start3A_147 : memref<128x32xf32, #tpu.memory_space<vmem>>) offsets(%dma_start3A_150 : memref<128xi32, #tpu.memory_space<vmem>>) semaphore(%arg9 : memref<!tpu.dma_semaphore, #tpu.memory_space<semaphore_mem>>)
    %dma_start3A_154 = arith.constant 0 : i32
    %dma_start3A_155 = arith.constant 2 : i32
    %dma_start3A_156 = arith.constant 0 : i32
    %dma_start3A_157 = arith.constant 0 : i32
    %dma_start3A_158 = arith.constant 256 : i32
    %dma_start3A_159 = arith.constant 0 : i32
    %dma_start3A_160 = tpu.memref_slice %arg6[%dma_start3A_157, %dma_start3A_158, %dma_start3A_159] : memref<2x512x32xf32, #tpu.memory_space<vmem>> -> memref<1x128x32xf32, #tpu.memory_space<vmem>>
    %dma_start3A_161 = tpu.memref_squeeze %dma_start3A_160 : memref<1x128x32xf32, #tpu.memory_space<vmem>> -> memref<128x32xf32, #tpu.memory_space<vmem>>
    %dma_start3A_162 = arith.constant 0 : i32
    %dma_start3A_163 = tpu.memref_slice %arg5[%dma_start3A_154, %dma_start3A_155, %dma_start3A_156, %dma_start3A_162] : memref<2x4x8x128xi32, #tpu.memory_space<vmem>> -> memref<1x1x1x128xi32, #tpu.memory_space<vmem>>
    %dma_start3A_164 = tpu.memref_squeeze %dma_start3A_163 : memref<1x1x1x128xi32, #tpu.memory_space<vmem>> -> memref<128xi32, #tpu.memory_space<vmem>>
    %dma_start3A_165 = arith.constant 0 : i32
    %dma_start3A_166 = arith.constant 0 : i32
    %dma_start3A_167 = tpu.memref_slice %arg3[%dma_start3A_165, %dma_start3A_166] : memref<1000000x32xf32, #tpu.memory_space<hbm>> -> memref<1000000x32xf32, #tpu.memory_space<hbm>>
    tpu.enqueue_indirect_dma source(%dma_start3A_167 : memref<1000000x32xf32, #tpu.memory_space<hbm>>) target(%dma_start3A_161 : memref<128x32xf32, #tpu.memory_space<vmem>>) offsets(%dma_start3A_164 : memref<128xi32, #tpu.memory_space<vmem>>) semaphore(%arg9 : memref<!tpu.dma_semaphore, #tpu.memory_space<semaphore_mem>>)
    %dma_start3A_168 = arith.constant 0 : i32
    %dma_start3A_169 = arith.constant 3 : i32
    %dma_start3A_170 = arith.constant 0 : i32
    %dma_start3A_171 = arith.constant 0 : i32
    %dma_start3A_172 = arith.constant 384 : i32
    %dma_start3A_173 = arith.constant 0 : i32
    %dma_start3A_174 = tpu.memref_slice %arg6[%dma_start3A_171, %dma_start3A_172, %dma_start3A_173] : memref<2x512x32xf32, #tpu.memory_space<vmem>> -> memref<1x128x32xf32, #tpu.memory_space<vmem>>
    %dma_start3A_175 = tpu.memref_squeeze %dma_start3A_174 : memref<1x128x32xf32, #tpu.memory_space<vmem>> -> memref<128x32xf32, #tpu.memory_space<vmem>>
    %dma_start3A_176 = arith.constant 0 : i32
    %dma_start3A_177 = tpu.memref_slice %arg5[%dma_start3A_168, %dma_start3A_169, %dma_start3A_170, %dma_start3A_176] : memref<2x4x8x128xi32, #tpu.memory_space<vmem>> -> memref<1x1x1x128xi32, #tpu.memory_space<vmem>>
    %dma_start3A_178 = tpu.memref_squeeze %dma_start3A_177 : memref<1x1x1x128xi32, #tpu.memory_space<vmem>> -> memref<128xi32, #tpu.memory_space<vmem>>
    %dma_start3A_179 = arith.constant 0 : i32
    %dma_start3A_180 = arith.constant 0 : i32
    %dma_start3A_181 = tpu.memref_slice %arg3[%dma_start3A_179, %dma_start3A_180] : memref<1000000x32xf32, #tpu.memory_space<hbm>> -> memref<1000000x32xf32, #tpu.memory_space<hbm>>
    tpu.enqueue_indirect_dma source(%dma_start3A_181 : memref<1000000x32xf32, #tpu.memory_space<hbm>>) target(%dma_start3A_175 : memref<128x32xf32, #tpu.memory_space<vmem>>) offsets(%dma_start3A_178 : memref<128xi32, #tpu.memory_space<vmem>>) semaphore(%arg9 : memref<!tpu.dma_semaphore, #tpu.memory_space<semaphore_mem>>)
    %scan3A = arith.constant 0 : i32
    %scan3A_182 = arith.constant 0 : i32
    %scan3A_183 = arith.constant 100 : i32
    %scan3A_184 = arith.addi %scan3A_182, %scan3A_183 : i32
    %scan3A_185 = arith.constant 1 : i32
    scf.for %scan3A_379 = %scan3A_182 to %scan3A_184 step %scan3A_185  : i32 {
      %mul3A_380 = arith.constant 2 : i32
      %mul3A_381 = arith.muli %mul3A_380, %scan3A_379 : i32
      %jit3A_382 = arith.constant 4 : i32
      %div3A_383 = arith.divsi %scan3A_379, %jit3A_382 : i32
      %sign3A_384 = arith.constant 0 : i32
      %sign3A_385 = arith.cmpi sgt, %scan3A_379, %sign3A_384 : i32
      %sign3A_386 = arith.extui %sign3A_385 : i1 to i32
      %sign3A_387 = arith.constant 0 : i32
      %sign3A_388 = arith.cmpi slt, %scan3A_379, %sign3A_387 : i32
      %sign3A_389 = arith.extui %sign3A_388 : i1 to i32
      %sign3A_390 = arith.subi %sign3A_386, %sign3A_389 : i32
      %sign3A_391 = arith.constant 0 : i32
      %sign3A_392 = arith.cmpi sgt, %jit3A_382, %sign3A_391 : i32
      %sign3A_393 = arith.extui %sign3A_392 : i1 to i32
      %sign3A_394 = arith.constant 0 : i32
      %sign3A_395 = arith.cmpi slt, %jit3A_382, %sign3A_394 : i32
      %sign3A_396 = arith.extui %sign3A_395 : i1 to i32
      %sign3A_397 = arith.subi %sign3A_393, %sign3A_396 : i32
      %ne3A_398 = arith.cmpi ne, %sign3A_390, %sign3A_397 : i32
      %rem3A_399 = arith.remsi %scan3A_379, %jit3A_382 : i32
      %ne3A_400 = arith.constant 0 : i32
      %ne3A_401 = arith.cmpi ne, %rem3A_399, %ne3A_400 : i32
      %and3A_402 = arith.andi %ne3A_398, %ne3A_401 : i1
      %sub3A_403 = arith.constant 1 : i32
      %sub3A_404 = arith.subi %div3A_383, %sub3A_403 : i32
      %select_n3A_405 = arith.select %and3A_402, %sub3A_404, %div3A_383 : i32
      %rem3A_406 = arith.constant 2 : i32
      %rem3A_407 = arith.remsi %select_n3A_405, %rem3A_406 : i32
      %rem3A_408 = arith.constant 8 : i32
      %rem3A_409 = arith.remsi %mul3A_381, %rem3A_408 : i32
      %rem3A_410 = arith.constant 4 : i32
      %rem3A_411 = arith.remsi %scan3A_379, %rem3A_410 : i32
      %eq3A = arith.constant 0 : i32
      %eq3A_412 = arith.cmpi eq, %rem3A_411, %eq3A : i32
      %lt3A = arith.constant 96 : i32
      %lt3A_413 = arith.cmpi slt, %scan3A_379, %lt3A : i32
      %and3A_414 = arith.andi %eq3A_412, %lt3A_413 : i1
      %convert_element_type3A = arith.extui %and3A_414 : i1 to i32
      %cond3A = arith.constant 0 : i32
      %cond3A_415 = arith.cmpi ne, %convert_element_type3A, %cond3A : i32
      scf.if %cond3A_415 {
        %add3A_769 = arith.constant 1 : i32
        %add3A_770 = arith.addi %select_n3A_405, %add3A_769 : i32
        %sub3A_771 = arith.constant 1 : i32
        %sub3A_772 = arith.subi %sub3A_771, %rem3A_407 : i32
        %dma_start3A_773 = arith.constant 0 : i32
        %dma_start3A_774 = arith.constant 0 : i32
        %dma_start3A_775 = arith.constant 0 : i32
        %dma_start3A_776 = tpu.memref_slice %arg5[%sub3A_772, %dma_start3A_773, %dma_start3A_774, %dma_start3A_775] : memref<2x4x8x128xi32, #tpu.memory_space<vmem>> -> memref<1x4x8x128xi32, #tpu.memory_space<vmem>>
        %dma_start3A_777 = tpu.memref_squeeze %dma_start3A_776 : memref<1x4x8x128xi32, #tpu.memory_space<vmem>> -> memref<4x8x128xi32, #tpu.memory_space<vmem>>
        %dma_start3A_778 = arith.constant 0 : i32
        %dma_start3A_779 = arith.constant 0 : i32
        %dma_start3A_780 = tpu.memref_slice %arg2[%add3A_770, %mul3A_2, %dma_start3A_778, %dma_start3A_779] : memref<25x128x8x128xi32, #tpu.memory_space<hbm>> -> memref<1x4x8x128xi32, #tpu.memory_space<hbm>>
        %dma_start3A_781 = tpu.memref_squeeze %dma_start3A_780 : memref<1x4x8x128xi32, #tpu.memory_space<hbm>> -> memref<4x8x128xi32, #tpu.memory_space<hbm>>
        %dma_start3A_782 = arith.constant 0 : i32
        %dma_start3A_783 = arith.constant 0 : i32
        %dma_start3A_784 = arith.constant 0 : i32
        %dma_start3A_785 = tpu.memref_slice %arg5[%sub3A_772, %dma_start3A_782, %dma_start3A_783, %dma_start3A_784] : memref<2x4x8x128xi32, #tpu.memory_space<vmem>> -> memref<1x4x8x128xi32, #tpu.memory_space<vmem>>
        %dma_start3A_786 = tpu.memref_squeeze %dma_start3A_785 : memref<1x4x8x128xi32, #tpu.memory_space<vmem>> -> memref<4x8x128xi32, #tpu.memory_space<vmem>>
        %dma_start3A_787 = arith.constant 0 : i32
        %dma_start3A_788 = arith.constant 0 : i32
        %dma_start3A_789 = tpu.memref_slice %arg2[%add3A_770, %mul3A_2, %dma_start3A_787, %dma_start3A_788] : memref<25x128x8x128xi32, #tpu.memory_space<hbm>> -> memref<1x4x8x128xi32, #tpu.memory_space<hbm>>
        %dma_start3A_790 = tpu.memref_squeeze %dma_start3A_789 : memref<1x4x8x128xi32, #tpu.memory_space<hbm>> -> memref<4x8x128xi32, #tpu.memory_space<hbm>>
        tpu.enqueue_dma source(%dma_start3A_790 : memref<4x8x128xi32, #tpu.memory_space<hbm>>) target(%dma_start3A_786 : memref<4x8x128xi32, #tpu.memory_space<vmem>>) target_semaphore(%arg8 : memref<!tpu.dma_semaphore, #tpu.memory_space<semaphore_mem>>)
      } else {
      }
      %add3A_416 = arith.constant 1 : i32
      %add3A_417 = arith.addi %rem3A_409, %add3A_416 : i32
      %dma_start3A_418 = arith.constant 0 : i32
      %dma_start3A_419 = arith.constant 1 : i32
      %dma_start3A_420 = arith.constant 0 : i32
      %dma_start3A_421 = arith.constant 0 : i32
      %dma_start3A_422 = tpu.memref_slice %arg6[%dma_start3A_419, %dma_start3A_420, %dma_start3A_421] : memref<2x512x32xf32, #tpu.memory_space<vmem>> -> memref<1x128x32xf32, #tpu.memory_space<vmem>>
      %dma_start3A_423 = tpu.memref_squeeze %dma_start3A_422 : memref<1x128x32xf32, #tpu.memory_space<vmem>> -> memref<128x32xf32, #tpu.memory_space<vmem>>
      %dma_start3A_424 = arith.constant 0 : i32
      %dma_start3A_425 = tpu.memref_slice %arg5[%rem3A_407, %dma_start3A_418, %add3A_417, %dma_start3A_424] : memref<2x4x8x128xi32, #tpu.memory_space<vmem>> -> memref<1x1x1x128xi32, #tpu.memory_space<vmem>>
      %dma_start3A_426 = tpu.memref_squeeze %dma_start3A_425 : memref<1x1x1x128xi32, #tpu.memory_space<vmem>> -> memref<128xi32, #tpu.memory_space<vmem>>
      %dma_start3A_427 = arith.constant 0 : i32
      %dma_start3A_428 = arith.constant 0 : i32
      %dma_start3A_429 = tpu.memref_slice %arg3[%dma_start3A_427, %dma_start3A_428] : memref<1000000x32xf32, #tpu.memory_space<hbm>> -> memref<1000000x32xf32, #tpu.memory_space<hbm>>
      tpu.enqueue_indirect_dma source(%dma_start3A_429 : memref<1000000x32xf32, #tpu.memory_space<hbm>>) target(%dma_start3A_423 : memref<128x32xf32, #tpu.memory_space<vmem>>) offsets(%dma_start3A_426 : memref<128xi32, #tpu.memory_space<vmem>>) semaphore(%arg10 : memref<!tpu.dma_semaphore, #tpu.memory_space<semaphore_mem>>)
      %dma_start3A_430 = arith.constant 1 : i32
      %dma_start3A_431 = arith.constant 1 : i32
      %dma_start3A_432 = arith.constant 128 : i32
      %dma_start3A_433 = arith.constant 0 : i32
      %dma_start3A_434 = tpu.memref_slice %arg6[%dma_start3A_431, %dma_start3A_432, %dma_start3A_433] : memref<2x512x32xf32, #tpu.memory_space<vmem>> -> memref<1x128x32xf32, #tpu.memory_space<vmem>>
      %dma_start3A_435 = tpu.memref_squeeze %dma_start3A_434 : memref<1x128x32xf32, #tpu.memory_space<vmem>> -> memref<128x32xf32, #tpu.memory_space<vmem>>
      %dma_start3A_436 = arith.constant 0 : i32
      %dma_start3A_437 = tpu.memref_slice %arg5[%rem3A_407, %dma_start3A_430, %add3A_417, %dma_start3A_436] : memref<2x4x8x128xi32, #tpu.memory_space<vmem>> -> memref<1x1x1x128xi32, #tpu.memory_space<vmem>>
      %dma_start3A_438 = tpu.memref_squeeze %dma_start3A_437 : memref<1x1x1x128xi32, #tpu.memory_space<vmem>> -> memref<128xi32, #tpu.memory_space<vmem>>
      %dma_start3A_439 = arith.constant 0 : i32
      %dma_start3A_440 = arith.constant 0 : i32
      %dma_start3A_441 = tpu.memref_slice %arg3[%dma_start3A_439, %dma_start3A_440] : memref<1000000x32xf32, #tpu.memory_space<hbm>> -> memref<1000000x32xf32, #tpu.memory_space<hbm>>
      tpu.enqueue_indirect_dma source(%dma_start3A_441 : memref<1000000x32xf32, #tpu.memory_space<hbm>>) target(%dma_start3A_435 : memref<128x32xf32, #tpu.memory_space<vmem>>) offsets(%dma_start3A_438 : memref<128xi32, #tpu.memory_space<vmem>>) semaphore(%arg10 : memref<!tpu.dma_semaphore, #tpu.memory_space<semaphore_mem>>)
      %dma_start3A_442 = arith.constant 2 : i32
      %dma_start3A_443 = arith.constant 1 : i32
      %dma_start3A_444 = arith.constant 256 : i32
      %dma_start3A_445 = arith.constant 0 : i32
      %dma_start3A_446 = tpu.memref_slice %arg6[%dma_start3A_443, %dma_start3A_444, %dma_start3A_445] : memref<2x512x32xf32, #tpu.memory_space<vmem>> -> memref<1x128x32xf32, #tpu.memory_space<vmem>>
      %dma_start3A_447 = tpu.memref_squeeze %dma_start3A_446 : memref<1x128x32xf32, #tpu.memory_space<vmem>> -> memref<128x32xf32, #tpu.memory_space<vmem>>
      %dma_start3A_448 = arith.constant 0 : i32
      %dma_start3A_449 = tpu.memref_slice %arg5[%rem3A_407, %dma_start3A_442, %add3A_417, %dma_start3A_448] : memref<2x4x8x128xi32, #tpu.memory_space<vmem>> -> memref<1x1x1x128xi32, #tpu.memory_space<vmem>>
      %dma_start3A_450 = tpu.memref_squeeze %dma_start3A_449 : memref<1x1x1x128xi32, #tpu.memory_space<vmem>> -> memref<128xi32, #tpu.memory_space<vmem>>
      %dma_start3A_451 = arith.constant 0 : i32
      %dma_start3A_452 = arith.constant 0 : i32
      %dma_start3A_453 = tpu.memref_slice %arg3[%dma_start3A_451, %dma_start3A_452] : memref<1000000x32xf32, #tpu.memory_space<hbm>> -> memref<1000000x32xf32, #tpu.memory_space<hbm>>
      tpu.enqueue_indirect_dma source(%dma_start3A_453 : memref<1000000x32xf32, #tpu.memory_space<hbm>>) target(%dma_start3A_447 : memref<128x32xf32, #tpu.memory_space<vmem>>) offsets(%dma_start3A_450 : memref<128xi32, #tpu.memory_space<vmem>>) semaphore(%arg10 : memref<!tpu.dma_semaphore, #tpu.memory_space<semaphore_mem>>)
      %dma_start3A_454 = arith.constant 3 : i32
      %dma_start3A_455 = arith.constant 1 : i32
      %dma_start3A_456 = arith.constant 384 : i32
      %dma_start3A_457 = arith.constant 0 : i32
      %dma_start3A_458 = tpu.memref_slice %arg6[%dma_start3A_455, %dma_start3A_456, %dma_start3A_457] : memref<2x512x32xf32, #tpu.memory_space<vmem>> -> memref<1x128x32xf32, #tpu.memory_space<vmem>>
      %dma_start3A_459 = tpu.memref_squeeze %dma_start3A_458 : memref<1x128x32xf32, #tpu.memory_space<vmem>> -> memref<128x32xf32, #tpu.memory_space<vmem>>
      %dma_start3A_460 = arith.constant 0 : i32
      %dma_start3A_461 = tpu.memref_slice %arg5[%rem3A_407, %dma_start3A_454, %add3A_417, %dma_start3A_460] : memref<2x4x8x128xi32, #tpu.memory_space<vmem>> -> memref<1x1x1x128xi32, #tpu.memory_space<vmem>>
      %dma_start3A_462 = tpu.memref_squeeze %dma_start3A_461 : memref<1x1x1x128xi32, #tpu.memory_space<vmem>> -> memref<128xi32, #tpu.memory_space<vmem>>
      %dma_start3A_463 = arith.constant 0 : i32
      %dma_start3A_464 = arith.constant 0 : i32
      %dma_start3A_465 = tpu.memref_slice %arg3[%dma_start3A_463, %dma_start3A_464] : memref<1000000x32xf32, #tpu.memory_space<hbm>> -> memref<1000000x32xf32, #tpu.memory_space<hbm>>
      tpu.enqueue_indirect_dma source(%dma_start3A_465 : memref<1000000x32xf32, #tpu.memory_space<hbm>>) target(%dma_start3A_459 : memref<128x32xf32, #tpu.memory_space<vmem>>) offsets(%dma_start3A_462 : memref<128xi32, #tpu.memory_space<vmem>>) semaphore(%arg10 : memref<!tpu.dma_semaphore, #tpu.memory_space<semaphore_mem>>)
      %ge3A = arith.constant 1 : i32
      %ge3A_466 = arith.cmpi sge, %scan3A_379, %ge3A : i32
      %convert_element_type3A_467 = arith.extui %ge3A_466 : i1 to i32
      %cond3A_468 = arith.constant 0 : i32
      %cond3A_469 = arith.cmpi ne, %convert_element_type3A_467, %cond3A_468 : i32
      scf.if %cond3A_469 {
        %dma_wait3A_769 = arith.constant 0 : i32
        %dma_wait3A_770 = arith.constant 0 : i32
        %dma_wait3A_771 = arith.constant 0 : i32
        %dma_wait3A_772 = arith.constant 0 : i32
        %dma_wait3A_773 = arith.constant 0 : i32
        %dma_wait3A_774 = arith.constant 0 : i32
        %dma_wait3A_775 = arith.constant 0 : i32
        %dma_wait3A_776 = tpu.memref_slice %arg7[%dma_wait3A_769, %dma_wait3A_770, %dma_wait3A_773, %dma_wait3A_774, %dma_wait3A_775] : memref<2x4x4x10x129xf32, #tpu.memory_space<vmem>> -> memref<1x1x4x8x128xf32, #tpu.memory_space<vmem>>
        %dma_wait3A_777 = tpu.memref_squeeze %dma_wait3A_776 : memref<1x1x4x8x128xf32, #tpu.memory_space<vmem>> -> memref<4x8x128xf32, #tpu.memory_space<vmem>>
        %dma_wait3A_778 = arith.constant 0 : i32
        %dma_wait3A_779 = arith.constant 0 : i32
        %dma_wait3A_780 = arith.constant 0 : i32
        %dma_wait3A_781 = tpu.memref_slice %arg4[%dma_wait3A_771, %dma_wait3A_772, %dma_wait3A_778, %dma_wait3A_779, %dma_wait3A_780] : memref<200x4x128x8x128xf32, #tpu.memory_space<hbm>> -> memref<1x1x4x8x128xf32, #tpu.memory_space<hbm>>
        %dma_wait3A_782 = tpu.memref_squeeze %dma_wait3A_781 : memref<1x1x4x8x128xf32, #tpu.memory_space<hbm>> -> memref<4x8x128xf32, #tpu.memory_space<hbm>>
        %dma_wait3A_783 = arith.constant 0 : i32
        %dma_wait3A_784 = arith.constant 0 : i32
        %dma_wait3A_785 = arith.constant 0 : i32
        %dma_wait3A_786 = tpu.memref_slice %arg4[%dma_wait3A_771, %dma_wait3A_772, %dma_wait3A_783, %dma_wait3A_784, %dma_wait3A_785] : memref<200x4x128x8x128xf32, #tpu.memory_space<hbm>> -> memref<1x1x4x8x128xf32, #tpu.memory_space<hbm>>
        %dma_wait3A_787 = tpu.memref_squeeze %dma_wait3A_786 : memref<1x1x4x8x128xf32, #tpu.memory_space<hbm>> -> memref<4x8x128xf32, #tpu.memory_space<hbm>>
        %dma_wait3A_788 = arith.constant 0 : i32
        %dma_wait3A_789 = arith.constant 0 : i32
        %dma_wait3A_790 = arith.constant 0 : i32
        %dma_wait3A_791 = tpu.memref_slice %arg7[%dma_wait3A_769, %dma_wait3A_770, %dma_wait3A_788, %dma_wait3A_789, %dma_wait3A_790] : memref<2x4x4x10x129xf32, #tpu.memory_space<vmem>> -> memref<1x1x4x8x128xf32, #tpu.memory_space<vmem>>
        %dma_wait3A_792 = tpu.memref_squeeze %dma_wait3A_791 : memref<1x1x4x8x128xf32, #tpu.memory_space<vmem>> -> memref<4x8x128xf32, #tpu.memory_space<vmem>>
        tpu.wait_dma2 semaphore(%arg11 : memref<!tpu.dma_semaphore, #tpu.memory_space<semaphore_mem>>) src(%dma_wait3A_792 : memref<4x8x128xf32, #tpu.memory_space<vmem>>) dst(%dma_wait3A_787 : memref<4x8x128xf32, #tpu.memory_space<hbm>>)
        %dma_wait3A_793 = arith.constant 0 : i32
        %dma_wait3A_794 = arith.constant 0 : i32
        %dma_wait3A_795 = arith.constant 0 : i32
        %dma_wait3A_796 = arith.constant 0 : i32
        %dma_wait3A_797 = arith.constant 0 : i32
        %dma_wait3A_798 = arith.constant 0 : i32
        %dma_wait3A_799 = arith.constant 0 : i32
        %dma_wait3A_800 = tpu.memref_slice %arg7[%dma_wait3A_793, %dma_wait3A_794, %dma_wait3A_797, %dma_wait3A_798, %dma_wait3A_799] : memref<2x4x4x10x129xf32, #tpu.memory_space<vmem>> -> memref<1x1x4x8x128xf32, #tpu.memory_space<vmem>>
        %dma_wait3A_801 = tpu.memref_squeeze %dma_wait3A_800 : memref<1x1x4x8x128xf32, #tpu.memory_space<vmem>> -> memref<4x8x128xf32, #tpu.memory_space<vmem>>
        %dma_wait3A_802 = arith.constant 0 : i32
        %dma_wait3A_803 = arith.constant 0 : i32
        %dma_wait3A_804 = arith.constant 0 : i32
        %dma_wait3A_805 = tpu.memref_slice %arg4[%dma_wait3A_795, %dma_wait3A_796, %dma_wait3A_802, %dma_wait3A_803, %dma_wait3A_804] : memref<200x4x128x8x128xf32, #tpu.memory_space<hbm>> -> memref<1x1x4x8x128xf32, #tpu.memory_space<hbm>>
        %dma_wait3A_806 = tpu.memref_squeeze %dma_wait3A_805 : memref<1x1x4x8x128xf32, #tpu.memory_space<hbm>> -> memref<4x8x128xf32, #tpu.memory_space<hbm>>
        %dma_wait3A_807 = arith.constant 0 : i32
        %dma_wait3A_808 = arith.constant 0 : i32
        %dma_wait3A_809 = arith.constant 0 : i32
        %dma_wait3A_810 = tpu.memref_slice %arg4[%dma_wait3A_795, %dma_wait3A_796, %dma_wait3A_807, %dma_wait3A_808, %dma_wait3A_809] : memref<200x4x128x8x128xf32, #tpu.memory_space<hbm>> -> memref<1x1x4x8x128xf32, #tpu.memory_space<hbm>>
        %dma_wait3A_811 = tpu.memref_squeeze %dma_wait3A_810 : memref<1x1x4x8x128xf32, #tpu.memory_space<hbm>> -> memref<4x8x128xf32, #tpu.memory_space<hbm>>
        %dma_wait3A_812 = arith.constant 0 : i32
        %dma_wait3A_813 = arith.constant 0 : i32
        %dma_wait3A_814 = arith.constant 0 : i32
        %dma_wait3A_815 = tpu.memref_slice %arg7[%dma_wait3A_793, %dma_wait3A_794, %dma_wait3A_812, %dma_wait3A_813, %dma_wait3A_814] : memref<2x4x4x10x129xf32, #tpu.memory_space<vmem>> -> memref<1x1x4x8x128xf32, #tpu.memory_space<vmem>>
        %dma_wait3A_816 = tpu.memref_squeeze %dma_wait3A_815 : memref<1x1x4x8x128xf32, #tpu.memory_space<vmem>> -> memref<4x8x128xf32, #tpu.memory_space<vmem>>
        tpu.wait_dma2 semaphore(%arg11 : memref<!tpu.dma_semaphore, #tpu.memory_space<semaphore_mem>>) src(%dma_wait3A_816 : memref<4x8x128xf32, #tpu.memory_space<vmem>>) dst(%dma_wait3A_811 : memref<4x8x128xf32, #tpu.memory_space<hbm>>)
        %dma_wait3A_817 = arith.constant 0 : i32
        %dma_wait3A_818 = arith.constant 0 : i32
        %dma_wait3A_819 = arith.constant 0 : i32
        %dma_wait3A_820 = arith.constant 0 : i32
        %dma_wait3A_821 = arith.constant 0 : i32
        %dma_wait3A_822 = arith.constant 0 : i32
        %dma_wait3A_823 = arith.constant 0 : i32
        %dma_wait3A_824 = tpu.memref_slice %arg7[%dma_wait3A_817, %dma_wait3A_818, %dma_wait3A_821, %dma_wait3A_822, %dma_wait3A_823] : memref<2x4x4x10x129xf32, #tpu.memory_space<vmem>> -> memref<1x1x4x8x128xf32, #tpu.memory_space<vmem>>
        %dma_wait3A_825 = tpu.memref_squeeze %dma_wait3A_824 : memref<1x1x4x8x128xf32, #tpu.memory_space<vmem>> -> memref<4x8x128xf32, #tpu.memory_space<vmem>>
        %dma_wait3A_826 = arith.constant 0 : i32
        %dma_wait3A_827 = arith.constant 0 : i32
        %dma_wait3A_828 = arith.constant 0 : i32
        %dma_wait3A_829 = tpu.memref_slice %arg4[%dma_wait3A_819, %dma_wait3A_820, %dma_wait3A_826, %dma_wait3A_827, %dma_wait3A_828] : memref<200x4x128x8x128xf32, #tpu.memory_space<hbm>> -> memref<1x1x4x8x128xf32, #tpu.memory_space<hbm>>
        %dma_wait3A_830 = tpu.memref_squeeze %dma_wait3A_829 : memref<1x1x4x8x128xf32, #tpu.memory_space<hbm>> -> memref<4x8x128xf32, #tpu.memory_space<hbm>>
        %dma_wait3A_831 = arith.constant 0 : i32
        %dma_wait3A_832 = arith.constant 0 : i32
        %dma_wait3A_833 = arith.constant 0 : i32
        %dma_wait3A_834 = tpu.memref_slice %arg4[%dma_wait3A_819, %dma_wait3A_820, %dma_wait3A_831, %dma_wait3A_832, %dma_wait3A_833] : memref<200x4x128x8x128xf32, #tpu.memory_space<hbm>> -> memref<1x1x4x8x128xf32, #tpu.memory_space<hbm>>
        %dma_wait3A_835 = tpu.memref_squeeze %dma_wait3A_834 : memref<1x1x4x8x128xf32, #tpu.memory_space<hbm>> -> memref<4x8x128xf32, #tpu.memory_space<hbm>>
        %dma_wait3A_836 = arith.constant 0 : i32
        %dma_wait3A_837 = arith.constant 0 : i32
        %dma_wait3A_838 = arith.constant 0 : i32
        %dma_wait3A_839 = tpu.memref_slice %arg7[%dma_wait3A_817, %dma_wait3A_818, %dma_wait3A_836, %dma_wait3A_837, %dma_wait3A_838] : memref<2x4x4x10x129xf32, #tpu.memory_space<vmem>> -> memref<1x1x4x8x128xf32, #tpu.memory_space<vmem>>
        %dma_wait3A_840 = tpu.memref_squeeze %dma_wait3A_839 : memref<1x1x4x8x128xf32, #tpu.memory_space<vmem>> -> memref<4x8x128xf32, #tpu.memory_space<vmem>>
        tpu.wait_dma2 semaphore(%arg11 : memref<!tpu.dma_semaphore, #tpu.memory_space<semaphore_mem>>) src(%dma_wait3A_840 : memref<4x8x128xf32, #tpu.memory_space<vmem>>) dst(%dma_wait3A_835 : memref<4x8x128xf32, #tpu.memory_space<hbm>>)
        %dma_wait3A_841 = arith.constant 0 : i32
        %dma_wait3A_842 = arith.constant 0 : i32
        %dma_wait3A_843 = arith.constant 0 : i32
        %dma_wait3A_844 = arith.constant 0 : i32
        %dma_wait3A_845 = arith.constant 0 : i32
        %dma_wait3A_846 = arith.constant 0 : i32
        %dma_wait3A_847 = arith.constant 0 : i32
        %dma_wait3A_848 = tpu.memref_slice %arg7[%dma_wait3A_841, %dma_wait3A_842, %dma_wait3A_845, %dma_wait3A_846, %dma_wait3A_847] : memref<2x4x4x10x129xf32, #tpu.memory_space<vmem>> -> memref<1x1x4x8x128xf32, #tpu.memory_space<vmem>>
        %dma_wait3A_849 = tpu.memref_squeeze %dma_wait3A_848 : memref<1x1x4x8x128xf32, #tpu.memory_space<vmem>> -> memref<4x8x128xf32, #tpu.memory_space<vmem>>
        %dma_wait3A_850 = arith.constant 0 : i32
        %dma_wait3A_851 = arith.constant 0 : i32
        %dma_wait3A_852 = arith.constant 0 : i32
        %dma_wait3A_853 = tpu.memref_slice %arg4[%dma_wait3A_843, %dma_wait3A_844, %dma_wait3A_850, %dma_wait3A_851, %dma_wait3A_852] : memref<200x4x128x8x128xf32, #tpu.memory_space<hbm>> -> memref<1x1x4x8x128xf32, #tpu.memory_space<hbm>>
        %dma_wait3A_854 = tpu.memref_squeeze %dma_wait3A_853 : memref<1x1x4x8x128xf32, #tpu.memory_space<hbm>> -> memref<4x8x128xf32, #tpu.memory_space<hbm>>
        %dma_wait3A_855 = arith.constant 0 : i32
        %dma_wait3A_856 = arith.constant 0 : i32
        %dma_wait3A_857 = arith.constant 0 : i32
        %dma_wait3A_858 = tpu.memref_slice %arg4[%dma_wait3A_843, %dma_wait3A_844, %dma_wait3A_855, %dma_wait3A_856, %dma_wait3A_857] : memref<200x4x128x8x128xf32, #tpu.memory_space<hbm>> -> memref<1x1x4x8x128xf32, #tpu.memory_space<hbm>>
        %dma_wait3A_859 = tpu.memref_squeeze %dma_wait3A_858 : memref<1x1x4x8x128xf32, #tpu.memory_space<hbm>> -> memref<4x8x128xf32, #tpu.memory_space<hbm>>
        %dma_wait3A_860 = arith.constant 0 : i32
        %dma_wait3A_861 = arith.constant 0 : i32
        %dma_wait3A_862 = arith.constant 0 : i32
        %dma_wait3A_863 = tpu.memref_slice %arg7[%dma_wait3A_841, %dma_wait3A_842, %dma_wait3A_860, %dma_wait3A_861, %dma_wait3A_862] : memref<2x4x4x10x129xf32, #tpu.memory_space<vmem>> -> memref<1x1x4x8x128xf32, #tpu.memory_space<vmem>>
        %dma_wait3A_864 = tpu.memref_squeeze %dma_wait3A_863 : memref<1x1x4x8x128xf32, #tpu.memory_space<vmem>> -> memref<4x8x128xf32, #tpu.memory_space<vmem>>
        tpu.wait_dma2 semaphore(%arg11 : memref<!tpu.dma_semaphore, #tpu.memory_space<semaphore_mem>>) src(%dma_wait3A_864 : memref<4x8x128xf32, #tpu.memory_space<vmem>>) dst(%dma_wait3A_859 : memref<4x8x128xf32, #tpu.memory_space<hbm>>)
      } else {
      }
      %dma_wait3A_470 = arith.constant 0 : i32
      %dma_wait3A_471 = arith.constant 0 : i32
      %dma_wait3A_472 = arith.constant 0 : i32
      %dma_wait3A_473 = arith.constant 0 : i32
      %dma_wait3A_474 = arith.constant 0 : i32
      %dma_wait3A_475 = arith.constant 0 : i32
      %dma_wait3A_476 = tpu.memref_slice %arg6[%dma_wait3A_473, %dma_wait3A_474, %dma_wait3A_475] : memref<2x512x32xf32, #tpu.memory_space<vmem>> -> memref<1x128x32xf32, #tpu.memory_space<vmem>>
      %dma_wait3A_477 = tpu.memref_squeeze %dma_wait3A_476 : memref<1x128x32xf32, #tpu.memory_space<vmem>> -> memref<128x32xf32, #tpu.memory_space<vmem>>
      %dma_wait3A_478 = arith.constant 0 : i32
      %dma_wait3A_479 = tpu.memref_slice %arg5[%dma_wait3A_470, %dma_wait3A_471, %dma_wait3A_472, %dma_wait3A_478] : memref<2x4x8x128xi32, #tpu.memory_space<vmem>> -> memref<1x1x1x128xi32, #tpu.memory_space<vmem>>
      %dma_wait3A_480 = tpu.memref_squeeze %dma_wait3A_479 : memref<1x1x1x128xi32, #tpu.memory_space<vmem>> -> memref<128xi32, #tpu.memory_space<vmem>>
      %dma_wait3A_481 = arith.constant 0 : i32
      %dma_wait3A_482 = arith.constant 0 : i32
      %dma_wait3A_483 = tpu.memref_slice %arg3[%dma_wait3A_481, %dma_wait3A_482] : memref<1000000x32xf32, #tpu.memory_space<hbm>> -> memref<1000000x32xf32, #tpu.memory_space<hbm>>
      tpu.wait_indirect_dma semaphore(%arg9 : memref<!tpu.dma_semaphore, #tpu.memory_space<semaphore_mem>>) src(%dma_wait3A_483 : memref<1000000x32xf32, #tpu.memory_space<hbm>>) dst(%dma_wait3A_477 : memref<128x32xf32, #tpu.memory_space<vmem>>)
      %dma_wait3A_484 = arith.constant 0 : i32
      %dma_wait3A_485 = arith.constant 0 : i32
      %dma_wait3A_486 = arith.constant 0 : i32
      %dma_wait3A_487 = arith.constant 0 : i32
      %dma_wait3A_488 = arith.constant 0 : i32
      %dma_wait3A_489 = arith.constant 0 : i32
      %dma_wait3A_490 = tpu.memref_slice %arg6[%dma_wait3A_487, %dma_wait3A_488, %dma_wait3A_489] : memref<2x512x32xf32, #tpu.memory_space<vmem>> -> memref<1x128x32xf32, #tpu.memory_space<vmem>>
      %dma_wait3A_491 = tpu.memref_squeeze %dma_wait3A_490 : memref<1x128x32xf32, #tpu.memory_space<vmem>> -> memref<128x32xf32, #tpu.memory_space<vmem>>
      %dma_wait3A_492 = arith.constant 0 : i32
      %dma_wait3A_493 = tpu.memref_slice %arg5[%dma_wait3A_484, %dma_wait3A_485, %dma_wait3A_486, %dma_wait3A_492] : memref<2x4x8x128xi32, #tpu.memory_space<vmem>> -> memref<1x1x1x128xi32, #tpu.memory_space<vmem>>
      %dma_wait3A_494 = tpu.memref_squeeze %dma_wait3A_493 : memref<1x1x1x128xi32, #tpu.memory_space<vmem>> -> memref<128xi32, #tpu.memory_space<vmem>>
      %dma_wait3A_495 = arith.constant 0 : i32
      %dma_wait3A_496 = arith.constant 0 : i32
      %dma_wait3A_497 = tpu.memref_slice %arg3[%dma_wait3A_495, %dma_wait3A_496] : memref<1000000x32xf32, #tpu.memory_space<hbm>> -> memref<1000000x32xf32, #tpu.memory_space<hbm>>
      tpu.wait_indirect_dma semaphore(%arg9 : memref<!tpu.dma_semaphore, #tpu.memory_space<semaphore_mem>>) src(%dma_wait3A_497 : memref<1000000x32xf32, #tpu.memory_space<hbm>>) dst(%dma_wait3A_491 : memref<128x32xf32, #tpu.memory_space<vmem>>)
      %dma_wait3A_498 = arith.constant 0 : i32
      %dma_wait3A_499 = arith.constant 0 : i32
      %dma_wait3A_500 = arith.constant 0 : i32
      %dma_wait3A_501 = arith.constant 0 : i32
      %dma_wait3A_502 = arith.constant 0 : i32
      %dma_wait3A_503 = arith.constant 0 : i32
      %dma_wait3A_504 = tpu.memref_slice %arg6[%dma_wait3A_501, %dma_wait3A_502, %dma_wait3A_503] : memref<2x512x32xf32, #tpu.memory_space<vmem>> -> memref<1x128x32xf32, #tpu.memory_space<vmem>>
      %dma_wait3A_505 = tpu.memref_squeeze %dma_wait3A_504 : memref<1x128x32xf32, #tpu.memory_space<vmem>> -> memref<128x32xf32, #tpu.memory_space<vmem>>
      %dma_wait3A_506 = arith.constant 0 : i32
      %dma_wait3A_507 = tpu.memref_slice %arg5[%dma_wait3A_498, %dma_wait3A_499, %dma_wait3A_500, %dma_wait3A_506] : memref<2x4x8x128xi32, #tpu.memory_space<vmem>> -> memref<1x1x1x128xi32, #tpu.memory_space<vmem>>
      %dma_wait3A_508 = tpu.memref_squeeze %dma_wait3A_507 : memref<1x1x1x128xi32, #tpu.memory_space<vmem>> -> memref<128xi32, #tpu.memory_space<vmem>>
      %dma_wait3A_509 = arith.constant 0 : i32
      %dma_wait3A_510 = arith.constant 0 : i32
      %dma_wait3A_511 = tpu.memref_slice %arg3[%dma_wait3A_509, %dma_wait3A_510] : memref<1000000x32xf32, #tpu.memory_space<hbm>> -> memref<1000000x32xf32, #tpu.memory_space<hbm>>
      tpu.wait_indirect_dma semaphore(%arg9 : memref<!tpu.dma_semaphore, #tpu.memory_space<semaphore_mem>>) src(%dma_wait3A_511 : memref<1000000x32xf32, #tpu.memory_space<hbm>>) dst(%dma_wait3A_505 : memref<128x32xf32, #tpu.memory_space<vmem>>)
      %dma_wait3A_512 = arith.constant 0 : i32
      %dma_wait3A_513 = arith.constant 0 : i32
      %dma_wait3A_514 = arith.constant 0 : i32
      %dma_wait3A_515 = arith.constant 0 : i32
      %dma_wait3A_516 = arith.constant 0 : i32
      %dma_wait3A_517 = arith.constant 0 : i32
      %dma_wait3A_518 = tpu.memref_slice %arg6[%dma_wait3A_515, %dma_wait3A_516, %dma_wait3A_517] : memref<2x512x32xf32, #tpu.memory_space<vmem>> -> memref<1x128x32xf32, #tpu.memory_space<vmem>>
      %dma_wait3A_519 = tpu.memref_squeeze %dma_wait3A_518 : memref<1x128x32xf32, #tpu.memory_space<vmem>> -> memref<128x32xf32, #tpu.memory_space<vmem>>
      %dma_wait3A_520 = arith.constant 0 : i32
      %dma_wait3A_521 = tpu.memref_slice %arg5[%dma_wait3A_512, %dma_wait3A_513, %dma_wait3A_514, %dma_wait3A_520] : memref<2x4x8x128xi32, #tpu.memory_space<vmem>> -> memref<1x1x1x128xi32, #tpu.memory_space<vmem>>
      %dma_wait3A_522 = tpu.memref_squeeze %dma_wait3A_521 : memref<1x1x1x128xi32, #tpu.memory_space<vmem>> -> memref<128xi32, #tpu.memory_space<vmem>>
      %dma_wait3A_523 = arith.constant 0 : i32
      %dma_wait3A_524 = arith.constant 0 : i32
      %dma_wait3A_525 = tpu.memref_slice %arg3[%dma_wait3A_523, %dma_wait3A_524] : memref<1000000x32xf32, #tpu.memory_space<hbm>> -> memref<1000000x32xf32, #tpu.memory_space<hbm>>
      tpu.wait_indirect_dma semaphore(%arg9 : memref<!tpu.dma_semaphore, #tpu.memory_space<semaphore_mem>>) src(%dma_wait3A_525 : memref<1000000x32xf32, #tpu.memory_space<hbm>>) dst(%dma_wait3A_519 : memref<128x32xf32, #tpu.memory_space<vmem>>)
      %parallel_loop3A = arith.constant 0 : i32
      %parallel_loop3A_526 = arith.constant 128 : i32
      %parallel_loop3A_527 = arith.constant 1 : i32
      %parallel_loop3A_528 = arith.constant 0 : i32
      scf.for %parallel_loop3A_769 = %parallel_loop3A to %parallel_loop3A_526 step %parallel_loop3A_527  : i32 {
        %parallel_loop3A_770 = vector.broadcast %parallel_loop3A_769 : i32 to vector<16xi32>
        %parallel_loop3A_771 = arith.addi %broadcast_in_dim3A_75, %parallel_loop3A_770 : vector<16xi32>
        %parallel_loop3A_772 = arith.constant 0 : i32
        %parallel_loop3A_773 = arith.addi %parallel_loop3A_772, %parallel_loop3A_769 : i32
        %parallel_loop3A_774 = arith.constant 0 : i32
        %parallel_loop3A_775 = arith.index_cast %parallel_loop3A_774 : i32 to index
        %parallel_loop3A_776 = arith.index_cast %parallel_loop3A_773 : i32 to index
        %parallel_loop3A_777 = arith.constant 0 : index
        %parallel_loop3A_778 = tpu.vector_load %arg6[%parallel_loop3A_775, %parallel_loop3A_776, %parallel_loop3A_777] {strides = array<i32>} : memref<2x512x32xf32, #tpu.memory_space<vmem>>, vector<16xf32>,
        %parallel_loop3A_779 = arith.constant 0 : i32
        %parallel_loop3A_780 = arith.constant 0 : i32
        %parallel_loop3A_781 = arith.constant 0 : i32
        %parallel_loop3A_782 = arith.constant 0 : i32
        %parallel_loop3A_783 = tpu.memref_slice %arg7[%parallel_loop3A_528, %parallel_loop3A_779, %parallel_loop3A_780, %parallel_loop3A_781, %parallel_loop3A_782] : memref<2x4x4x10x129xf32, #tpu.memory_space<vmem>> -> memref<1x4x4x10x129xf32, #tpu.memory_space<vmem>>
        %parallel_loop3A_784 = tpu.memref_squeeze %parallel_loop3A_783 : memref<1x4x4x10x129xf32, #tpu.memory_space<vmem>> -> memref<4x4x10x129xf32, #tpu.memory_space<vmem>>
        tpu.vector_store_idx %parallel_loop3A_784[%select_n3A, %add3A_78, %rem3A_68, %parallel_loop3A_771], %parallel_loop3A_778 : memref<4x4x10x129xf32, #tpu.memory_space<vmem>>[vector<16xi32>, vector<16xi32>, vector<16xi32>, vector<16xi32>], vector<16xf32>,
        %parallel_loop3A_785 = arith.constant 0 : i32
        %parallel_loop3A_786 = arith.index_cast %parallel_loop3A_785 : i32 to index
        %parallel_loop3A_787 = arith.index_cast %parallel_loop3A_773 : i32 to index
        %parallel_loop3A_788 = arith.constant 16 : index
        %parallel_loop3A_789 = tpu.vector_load %arg6[%parallel_loop3A_786, %parallel_loop3A_787, %parallel_loop3A_788] {strides = array<i32>} : memref<2x512x32xf32, #tpu.memory_space<vmem>>, vector<16xf32>,
        %parallel_loop3A_790 = arith.constant 0 : i32
        %parallel_loop3A_791 = arith.constant 0 : i32
        %parallel_loop3A_792 = arith.constant 0 : i32
        %parallel_loop3A_793 = arith.constant 0 : i32
        %parallel_loop3A_794 = tpu.memref_slice %arg7[%parallel_loop3A_528, %parallel_loop3A_790, %parallel_loop3A_791, %parallel_loop3A_792, %parallel_loop3A_793] : memref<2x4x4x10x129xf32, #tpu.memory_space<vmem>> -> memref<1x4x4x10x129xf32, #tpu.memory_space<vmem>>
        %parallel_loop3A_795 = tpu.memref_squeeze %parallel_loop3A_794 : memref<1x4x4x10x129xf32, #tpu.memory_space<vmem>> -> memref<4x4x10x129xf32, #tpu.memory_space<vmem>>
        tpu.vector_store_idx %parallel_loop3A_795[%select_n3A_62, %add3A_78, %rem3A_74, %parallel_loop3A_771], %parallel_loop3A_789 : memref<4x4x10x129xf32, #tpu.memory_space<vmem>>[vector<16xi32>, vector<16xi32>, vector<16xi32>, vector<16xi32>], vector<16xf32>,
        %parallel_loop3A_796 = arith.constant 128 : i32
        %parallel_loop3A_797 = arith.addi %parallel_loop3A_796, %parallel_loop3A_769 : i32
        %parallel_loop3A_798 = arith.constant 0 : i32
        %parallel_loop3A_799 = arith.index_cast %parallel_loop3A_798 : i32 to index
        %parallel_loop3A_800 = arith.index_cast %parallel_loop3A_797 : i32 to index
        %parallel_loop3A_801 = arith.constant 0 : index
        %parallel_loop3A_802 = tpu.vector_load %arg6[%parallel_loop3A_799, %parallel_loop3A_800, %parallel_loop3A_801] {strides = array<i32>} : memref<2x512x32xf32, #tpu.memory_space<vmem>>, vector<16xf32>,
        %parallel_loop3A_803 = arith.constant 0 : i32
        %parallel_loop3A_804 = arith.constant 0 : i32
        %parallel_loop3A_805 = arith.constant 0 : i32
        %parallel_loop3A_806 = arith.constant 0 : i32
        %parallel_loop3A_807 = tpu.memref_slice %arg7[%parallel_loop3A_528, %parallel_loop3A_803, %parallel_loop3A_804, %parallel_loop3A_805, %parallel_loop3A_806] : memref<2x4x4x10x129xf32, #tpu.memory_space<vmem>> -> memref<1x4x4x10x129xf32, #tpu.memory_space<vmem>>
        %parallel_loop3A_808 = tpu.memref_squeeze %parallel_loop3A_807 : memref<1x4x4x10x129xf32, #tpu.memory_space<vmem>> -> memref<4x4x10x129xf32, #tpu.memory_space<vmem>>
        tpu.vector_store_idx %parallel_loop3A_808[%select_n3A, %add3A_81, %rem3A_68, %parallel_loop3A_771], %parallel_loop3A_802 : memref<4x4x10x129xf32, #tpu.memory_space<vmem>>[vector<16xi32>, vector<16xi32>, vector<16xi32>, vector<16xi32>], vector<16xf32>,
        %parallel_loop3A_809 = arith.constant 0 : i32
        %parallel_loop3A_810 = arith.index_cast %parallel_loop3A_809 : i32 to index
        %parallel_loop3A_811 = arith.index_cast %parallel_loop3A_797 : i32 to index
        %parallel_loop3A_812 = arith.constant 16 : index
        %parallel_loop3A_813 = tpu.vector_load %arg6[%parallel_loop3A_810, %parallel_loop3A_811, %parallel_loop3A_812] {strides = array<i32>} : memref<2x512x32xf32, #tpu.memory_space<vmem>>, vector<16xf32>,
        %parallel_loop3A_814 = arith.constant 0 : i32
        %parallel_loop3A_815 = arith.constant 0 : i32
        %parallel_loop3A_816 = arith.constant 0 : i32
        %parallel_loop3A_817 = arith.constant 0 : i32
        %parallel_loop3A_818 = tpu.memref_slice %arg7[%parallel_loop3A_528, %parallel_loop3A_814, %parallel_loop3A_815, %parallel_loop3A_816, %parallel_loop3A_817] : memref<2x4x4x10x129xf32, #tpu.memory_space<vmem>> -> memref<1x4x4x10x129xf32, #tpu.memory_space<vmem>>
        %parallel_loop3A_819 = tpu.memref_squeeze %parallel_loop3A_818 : memref<1x4x4x10x129xf32, #tpu.memory_space<vmem>> -> memref<4x4x10x129xf32, #tpu.memory_space<vmem>>
        tpu.vector_store_idx %parallel_loop3A_819[%select_n3A_62, %add3A_81, %rem3A_74, %parallel_loop3A_771], %parallel_loop3A_813 : memref<4x4x10x129xf32, #tpu.memory_space<vmem>>[vector<16xi32>, vector<16xi32>, vector<16xi32>, vector<16xi32>], vector<16xf32>,
        %parallel_loop3A_820 = arith.constant 256 : i32
        %parallel_loop3A_821 = arith.addi %parallel_loop3A_820, %parallel_loop3A_769 : i32
        %parallel_loop3A_822 = arith.constant 0 : i32
        %parallel_loop3A_823 = arith.index_cast %parallel_loop3A_822 : i32 to index
        %parallel_loop3A_824 = arith.index_cast %parallel_loop3A_821 : i32 to index
        %parallel_loop3A_825 = arith.constant 0 : index
        %parallel_loop3A_826 = tpu.vector_load %arg6[%parallel_loop3A_823, %parallel_loop3A_824, %parallel_loop3A_825] {strides = array<i32>} : memref<2x512x32xf32, #tpu.memory_space<vmem>>, vector<16xf32>,
        %parallel_loop3A_827 = arith.constant 0 : i32
        %parallel_loop3A_828 = arith.constant 0 : i32
        %parallel_loop3A_829 = arith.constant 0 : i32
        %parallel_loop3A_830 = arith.constant 0 : i32
        %parallel_loop3A_831 = tpu.memref_slice %arg7[%parallel_loop3A_528, %parallel_loop3A_827, %parallel_loop3A_828, %parallel_loop3A_829, %parallel_loop3A_830] : memref<2x4x4x10x129xf32, #tpu.memory_space<vmem>> -> memref<1x4x4x10x129xf32, #tpu.memory_space<vmem>>
        %parallel_loop3A_832 = tpu.memref_squeeze %parallel_loop3A_831 : memref<1x4x4x10x129xf32, #tpu.memory_space<vmem>> -> memref<4x4x10x129xf32, #tpu.memory_space<vmem>>
        tpu.vector_store_idx %parallel_loop3A_832[%select_n3A, %add3A_84, %rem3A_68, %parallel_loop3A_771], %parallel_loop3A_826 : memref<4x4x10x129xf32, #tpu.memory_space<vmem>>[vector<16xi32>, vector<16xi32>, vector<16xi32>, vector<16xi32>], vector<16xf32>,
        %parallel_loop3A_833 = arith.constant 0 : i32
        %parallel_loop3A_834 = arith.index_cast %parallel_loop3A_833 : i32 to index
        %parallel_loop3A_835 = arith.index_cast %parallel_loop3A_821 : i32 to index
        %parallel_loop3A_836 = arith.constant 16 : index
        %parallel_loop3A_837 = tpu.vector_load %arg6[%parallel_loop3A_834, %parallel_loop3A_835, %parallel_loop3A_836] {strides = array<i32>} : memref<2x512x32xf32, #tpu.memory_space<vmem>>, vector<16xf32>,
        %parallel_loop3A_838 = arith.constant 0 : i32
        %parallel_loop3A_839 = arith.constant 0 : i32
        %parallel_loop3A_840 = arith.constant 0 : i32
        %parallel_loop3A_841 = arith.constant 0 : i32
        %parallel_loop3A_842 = tpu.memref_slice %arg7[%parallel_loop3A_528, %parallel_loop3A_838, %parallel_loop3A_839, %parallel_loop3A_840, %parallel_loop3A_841] : memref<2x4x4x10x129xf32, #tpu.memory_space<vmem>> -> memref<1x4x4x10x129xf32, #tpu.memory_space<vmem>>
        %parallel_loop3A_843 = tpu.memref_squeeze %parallel_loop3A_842 : memref<1x4x4x10x129xf32, #tpu.memory_space<vmem>> -> memref<4x4x10x129xf32, #tpu.memory_space<vmem>>
        tpu.vector_store_idx %parallel_loop3A_843[%select_n3A_62, %add3A_84, %rem3A_74, %parallel_loop3A_771], %parallel_loop3A_837 : memref<4x4x10x129xf32, #tpu.memory_space<vmem>>[vector<16xi32>, vector<16xi32>, vector<16xi32>, vector<16xi32>], vector<16xf32>,
        %parallel_loop3A_844 = arith.constant 384 : i32
        %parallel_loop3A_845 = arith.addi %parallel_loop3A_844, %parallel_loop3A_769 : i32
        %parallel_loop3A_846 = arith.constant 0 : i32
        %parallel_loop3A_847 = arith.index_cast %parallel_loop3A_846 : i32 to index
        %parallel_loop3A_848 = arith.index_cast %parallel_loop3A_845 : i32 to index
        %parallel_loop3A_849 = arith.constant 0 : index
        %parallel_loop3A_850 = tpu.vector_load %arg6[%parallel_loop3A_847, %parallel_loop3A_848, %parallel_loop3A_849] {strides = array<i32>} : memref<2x512x32xf32, #tpu.memory_space<vmem>>, vector<16xf32>,
        %parallel_loop3A_851 = arith.constant 0 : i32
        %parallel_loop3A_852 = arith.constant 0 : i32
        %parallel_loop3A_853 = arith.constant 0 : i32
        %parallel_loop3A_854 = arith.constant 0 : i32
        %parallel_loop3A_855 = tpu.memref_slice %arg7[%parallel_loop3A_528, %parallel_loop3A_851, %parallel_loop3A_852, %parallel_loop3A_853, %parallel_loop3A_854] : memref<2x4x4x10x129xf32, #tpu.memory_space<vmem>> -> memref<1x4x4x10x129xf32, #tpu.memory_space<vmem>>
        %parallel_loop3A_856 = tpu.memref_squeeze %parallel_loop3A_855 : memref<1x4x4x10x129xf32, #tpu.memory_space<vmem>> -> memref<4x4x10x129xf32, #tpu.memory_space<vmem>>
        tpu.vector_store_idx %parallel_loop3A_856[%select_n3A, %add3A_87, %rem3A_68, %parallel_loop3A_771], %parallel_loop3A_850 : memref<4x4x10x129xf32, #tpu.memory_space<vmem>>[vector<16xi32>, vector<16xi32>, vector<16xi32>, vector<16xi32>], vector<16xf32>,
        %parallel_loop3A_857 = arith.constant 0 : i32
        %parallel_loop3A_858 = arith.index_cast %parallel_loop3A_857 : i32 to index
        %parallel_loop3A_859 = arith.index_cast %parallel_loop3A_845 : i32 to index
        %parallel_loop3A_860 = arith.constant 16 : index
        %parallel_loop3A_861 = tpu.vector_load %arg6[%parallel_loop3A_858, %parallel_loop3A_859, %parallel_loop3A_860] {strides = array<i32>} : memref<2x512x32xf32, #tpu.memory_space<vmem>>, vector<16xf32>,
        %parallel_loop3A_862 = arith.constant 0 : i32
        %parallel_loop3A_863 = arith.constant 0 : i32
        %parallel_loop3A_864 = arith.constant 0 : i32
        %parallel_loop3A_865 = arith.constant 0 : i32
        %parallel_loop3A_866 = tpu.memref_slice %arg7[%parallel_loop3A_528, %parallel_loop3A_862, %parallel_loop3A_863, %parallel_loop3A_864, %parallel_loop3A_865] : memref<2x4x4x10x129xf32, #tpu.memory_space<vmem>> -> memref<1x4x4x10x129xf32, #tpu.memory_space<vmem>>
        %parallel_loop3A_867 = tpu.memref_squeeze %parallel_loop3A_866 : memref<1x4x4x10x129xf32, #tpu.memory_space<vmem>> -> memref<4x4x10x129xf32, #tpu.memory_space<vmem>>
        tpu.vector_store_idx %parallel_loop3A_867[%select_n3A_62, %add3A_87, %rem3A_74, %parallel_loop3A_771], %parallel_loop3A_861 : memref<4x4x10x129xf32, #tpu.memory_space<vmem>>[vector<16xi32>, vector<16xi32>, vector<16xi32>, vector<16xi32>], vector<16xf32>,
      } {sc.loop_unroll_factor = 4 : i64, sc.parallel_access}
      %dma_start3A_529 = arith.constant 0 : i32
      %dma_start3A_530 = arith.constant 0 : i32
      %dma_start3A_531 = arith.constant 0 : i32
      %dma_start3A_532 = arith.constant 0 : i32
      %dma_start3A_533 = arith.constant 0 : i32
      %dma_start3A_534 = arith.constant 0 : i32
      %dma_start3A_535 = tpu.memref_slice %arg7[%dma_start3A_529, %dma_start3A_530, %dma_start3A_532, %dma_start3A_533, %dma_start3A_534] : memref<2x4x4x10x129xf32, #tpu.memory_space<vmem>> -> memref<1x1x4x8x128xf32, #tpu.memory_space<vmem>>
      %dma_start3A_536 = tpu.memref_squeeze %dma_start3A_535 : memref<1x1x4x8x128xf32, #tpu.memory_space<vmem>> -> memref<4x8x128xf32, #tpu.memory_space<vmem>>
      %dma_start3A_537 = arith.constant 0 : i32
      %dma_start3A_538 = arith.constant 0 : i32
      %dma_start3A_539 = tpu.memref_slice %arg4[%mul3A_381, %dma_start3A_531, %mul3A_2, %dma_start3A_537, %dma_start3A_538] : memref<200x4x128x8x128xf32, #tpu.memory_space<hbm>> -> memref<1x1x4x8x128xf32, #tpu.memory_space<hbm>>
      %dma_start3A_540 = tpu.memref_squeeze %dma_start3A_539 : memref<1x1x4x8x128xf32, #tpu.memory_space<hbm>> -> memref<4x8x128xf32, #tpu.memory_space<hbm>>
      %dma_start3A_541 = arith.constant 0 : i32
      %dma_start3A_542 = arith.constant 0 : i32
      %dma_start3A_543 = tpu.memref_slice %arg4[%mul3A_381, %dma_start3A_531, %mul3A_2, %dma_start3A_541, %dma_start3A_542] : memref<200x4x128x8x128xf32, #tpu.memory_space<hbm>> -> memref<1x1x4x8x128xf32, #tpu.memory_space<hbm>>
      %dma_start3A_544 = tpu.memref_squeeze %dma_start3A_543 : memref<1x1x4x8x128xf32, #tpu.memory_space<hbm>> -> memref<4x8x128xf32, #tpu.memory_space<hbm>>
      %dma_start3A_545 = arith.constant 0 : i32
      %dma_start3A_546 = arith.constant 0 : i32
      %dma_start3A_547 = arith.constant 0 : i32
      %dma_start3A_548 = tpu.memref_slice %arg7[%dma_start3A_529, %dma_start3A_530, %dma_start3A_545, %dma_start3A_546, %dma_start3A_547] : memref<2x4x4x10x129xf32, #tpu.memory_space<vmem>> -> memref<1x1x4x8x128xf32, #tpu.memory_space<vmem>>
      %dma_start3A_549 = tpu.memref_squeeze %dma_start3A_548 : memref<1x1x4x8x128xf32, #tpu.memory_space<vmem>> -> memref<4x8x128xf32, #tpu.memory_space<vmem>>
      tpu.enqueue_dma source(%dma_start3A_549 : memref<4x8x128xf32, #tpu.memory_space<vmem>>) target(%dma_start3A_544 : memref<4x8x128xf32, #tpu.memory_space<hbm>>) target_semaphore(%arg11 : memref<!tpu.dma_semaphore, #tpu.memory_space<semaphore_mem>>)
      %dma_start3A_550 = arith.constant 0 : i32
      %dma_start3A_551 = arith.constant 1 : i32
      %dma_start3A_552 = arith.constant 1 : i32
      %dma_start3A_553 = arith.constant 0 : i32
      %dma_start3A_554 = arith.constant 0 : i32
      %dma_start3A_555 = arith.constant 0 : i32
      %dma_start3A_556 = tpu.memref_slice %arg7[%dma_start3A_550, %dma_start3A_551, %dma_start3A_553, %dma_start3A_554, %dma_start3A_555] : memref<2x4x4x10x129xf32, #tpu.memory_space<vmem>> -> memref<1x1x4x8x128xf32, #tpu.memory_space<vmem>>
      %dma_start3A_557 = tpu.memref_squeeze %dma_start3A_556 : memref<1x1x4x8x128xf32, #tpu.memory_space<vmem>> -> memref<4x8x128xf32, #tpu.memory_space<vmem>>
      %dma_start3A_558 = arith.constant 0 : i32
      %dma_start3A_559 = arith.constant 0 : i32
      %dma_start3A_560 = tpu.memref_slice %arg4[%mul3A_381, %dma_start3A_552, %mul3A_2, %dma_start3A_558, %dma_start3A_559] : memref<200x4x128x8x128xf32, #tpu.memory_space<hbm>> -> memref<1x1x4x8x128xf32, #tpu.memory_space<hbm>>
      %dma_start3A_561 = tpu.memref_squeeze %dma_start3A_560 : memref<1x1x4x8x128xf32, #tpu.memory_space<hbm>> -> memref<4x8x128xf32, #tpu.memory_space<hbm>>
      %dma_start3A_562 = arith.constant 0 : i32
      %dma_start3A_563 = arith.constant 0 : i32
      %dma_start3A_564 = tpu.memref_slice %arg4[%mul3A_381, %dma_start3A_552, %mul3A_2, %dma_start3A_562, %dma_start3A_563] : memref<200x4x128x8x128xf32, #tpu.memory_space<hbm>> -> memref<1x1x4x8x128xf32, #tpu.memory_space<hbm>>
      %dma_start3A_565 = tpu.memref_squeeze %dma_start3A_564 : memref<1x1x4x8x128xf32, #tpu.memory_space<hbm>> -> memref<4x8x128xf32, #tpu.memory_space<hbm>>
      %dma_start3A_566 = arith.constant 0 : i32
      %dma_start3A_567 = arith.constant 0 : i32
      %dma_start3A_568 = arith.constant 0 : i32
      %dma_start3A_569 = tpu.memref_slice %arg7[%dma_start3A_550, %dma_start3A_551, %dma_start3A_566, %dma_start3A_567, %dma_start3A_568] : memref<2x4x4x10x129xf32, #tpu.memory_space<vmem>> -> memref<1x1x4x8x128xf32, #tpu.memory_space<vmem>>
      %dma_start3A_570 = tpu.memref_squeeze %dma_start3A_569 : memref<1x1x4x8x128xf32, #tpu.memory_space<vmem>> -> memref<4x8x128xf32, #tpu.memory_space<vmem>>
      tpu.enqueue_dma source(%dma_start3A_570 : memref<4x8x128xf32, #tpu.memory_space<vmem>>) target(%dma_start3A_565 : memref<4x8x128xf32, #tpu.memory_space<hbm>>) target_semaphore(%arg11 : memref<!tpu.dma_semaphore, #tpu.memory_space<semaphore_mem>>)
      %dma_start3A_571 = arith.constant 0 : i32
      %dma_start3A_572 = arith.constant 2 : i32
      %dma_start3A_573 = arith.constant 2 : i32
      %dma_start3A_574 = arith.constant 0 : i32
      %dma_start3A_575 = arith.constant 0 : i32
      %dma_start3A_576 = arith.constant 0 : i32
      %dma_start3A_577 = tpu.memref_slice %arg7[%dma_start3A_571, %dma_start3A_572, %dma_start3A_574, %dma_start3A_575, %dma_start3A_576] : memref<2x4x4x10x129xf32, #tpu.memory_space<vmem>> -> memref<1x1x4x8x128xf32, #tpu.memory_space<vmem>>
      %dma_start3A_578 = tpu.memref_squeeze %dma_start3A_577 : memref<1x1x4x8x128xf32, #tpu.memory_space<vmem>> -> memref<4x8x128xf32, #tpu.memory_space<vmem>>
      %dma_start3A_579 = arith.constant 0 : i32
      %dma_start3A_580 = arith.constant 0 : i32
      %dma_start3A_581 = tpu.memref_slice %arg4[%mul3A_381, %dma_start3A_573, %mul3A_2, %dma_start3A_579, %dma_start3A_580] : memref<200x4x128x8x128xf32, #tpu.memory_space<hbm>> -> memref<1x1x4x8x128xf32, #tpu.memory_space<hbm>>
      %dma_start3A_582 = tpu.memref_squeeze %dma_start3A_581 : memref<1x1x4x8x128xf32, #tpu.memory_space<hbm>> -> memref<4x8x128xf32, #tpu.memory_space<hbm>>
      %dma_start3A_583 = arith.constant 0 : i32
      %dma_start3A_584 = arith.constant 0 : i32
      %dma_start3A_585 = tpu.memref_slice %arg4[%mul3A_381, %dma_start3A_573, %mul3A_2, %dma_start3A_583, %dma_start3A_584] : memref<200x4x128x8x128xf32, #tpu.memory_space<hbm>> -> memref<1x1x4x8x128xf32, #tpu.memory_space<hbm>>
      %dma_start3A_586 = tpu.memref_squeeze %dma_start3A_585 : memref<1x1x4x8x128xf32, #tpu.memory_space<hbm>> -> memref<4x8x128xf32, #tpu.memory_space<hbm>>
      %dma_start3A_587 = arith.constant 0 : i32
      %dma_start3A_588 = arith.constant 0 : i32
      %dma_start3A_589 = arith.constant 0 : i32
      %dma_start3A_590 = tpu.memref_slice %arg7[%dma_start3A_571, %dma_start3A_572, %dma_start3A_587, %dma_start3A_588, %dma_start3A_589] : memref<2x4x4x10x129xf32, #tpu.memory_space<vmem>> -> memref<1x1x4x8x128xf32, #tpu.memory_space<vmem>>
      %dma_start3A_591 = tpu.memref_squeeze %dma_start3A_590 : memref<1x1x4x8x128xf32, #tpu.memory_space<vmem>> -> memref<4x8x128xf32, #tpu.memory_space<vmem>>
      tpu.enqueue_dma source(%dma_start3A_591 : memref<4x8x128xf32, #tpu.memory_space<vmem>>) target(%dma_start3A_586 : memref<4x8x128xf32, #tpu.memory_space<hbm>>) target_semaphore(%arg11 : memref<!tpu.dma_semaphore, #tpu.memory_space<semaphore_mem>>)
      %dma_start3A_592 = arith.constant 0 : i32
      %dma_start3A_593 = arith.constant 3 : i32
      %dma_start3A_594 = arith.constant 3 : i32
      %dma_start3A_595 = arith.constant 0 : i32
      %dma_start3A_596 = arith.constant 0 : i32
      %dma_start3A_597 = arith.constant 0 : i32
      %dma_start3A_598 = tpu.memref_slice %arg7[%dma_start3A_592, %dma_start3A_593, %dma_start3A_595, %dma_start3A_596, %dma_start3A_597] : memref<2x4x4x10x129xf32, #tpu.memory_space<vmem>> -> memref<1x1x4x8x128xf32, #tpu.memory_space<vmem>>
      %dma_start3A_599 = tpu.memref_squeeze %dma_start3A_598 : memref<1x1x4x8x128xf32, #tpu.memory_space<vmem>> -> memref<4x8x128xf32, #tpu.memory_space<vmem>>
      %dma_start3A_600 = arith.constant 0 : i32
      %dma_start3A_601 = arith.constant 0 : i32
      %dma_start3A_602 = tpu.memref_slice %arg4[%mul3A_381, %dma_start3A_594, %mul3A_2, %dma_start3A_600, %dma_start3A_601] : memref<200x4x128x8x128xf32, #tpu.memory_space<hbm>> -> memref<1x1x4x8x128xf32, #tpu.memory_space<hbm>>
      %dma_start3A_603 = tpu.memref_squeeze %dma_start3A_602 : memref<1x1x4x8x128xf32, #tpu.memory_space<hbm>> -> memref<4x8x128xf32, #tpu.memory_space<hbm>>
      %dma_start3A_604 = arith.constant 0 : i32
      %dma_start3A_605 = arith.constant 0 : i32
      %dma_start3A_606 = tpu.memref_slice %arg4[%mul3A_381, %dma_start3A_594, %mul3A_2, %dma_start3A_604, %dma_start3A_605] : memref<200x4x128x8x128xf32, #tpu.memory_space<hbm>> -> memref<1x1x4x8x128xf32, #tpu.memory_space<hbm>>
      %dma_start3A_607 = tpu.memref_squeeze %dma_start3A_606 : memref<1x1x4x8x128xf32, #tpu.memory_space<hbm>> -> memref<4x8x128xf32, #tpu.memory_space<hbm>>
      %dma_start3A_608 = arith.constant 0 : i32
      %dma_start3A_609 = arith.constant 0 : i32
      %dma_start3A_610 = arith.constant 0 : i32
      %dma_start3A_611 = tpu.memref_slice %arg7[%dma_start3A_592, %dma_start3A_593, %dma_start3A_608, %dma_start3A_609, %dma_start3A_610] : memref<2x4x4x10x129xf32, #tpu.memory_space<vmem>> -> memref<1x1x4x8x128xf32, #tpu.memory_space<vmem>>
      %dma_start3A_612 = tpu.memref_squeeze %dma_start3A_611 : memref<1x1x4x8x128xf32, #tpu.memory_space<vmem>> -> memref<4x8x128xf32, #tpu.memory_space<vmem>>
      tpu.enqueue_dma source(%dma_start3A_612 : memref<4x8x128xf32, #tpu.memory_space<vmem>>) target(%dma_start3A_607 : memref<4x8x128xf32, #tpu.memory_space<hbm>>) target_semaphore(%arg11 : memref<!tpu.dma_semaphore, #tpu.memory_space<semaphore_mem>>)
      %lt3A_613 = arith.constant 99 : i32
      %lt3A_614 = arith.cmpi slt, %scan3A_379, %lt3A_613 : i32
      %convert_element_type3A_615 = arith.extui %lt3A_614 : i1 to i32
      %cond3A_616 = arith.constant 0 : i32
      %cond3A_617 = arith.cmpi ne, %convert_element_type3A_615, %cond3A_616 : i32
      scf.if %cond3A_617 {
        %add3A_769 = arith.constant 2 : i32
        %add3A_770 = arith.addi %mul3A_381, %add3A_769 : i32
        %jit3A_771 = arith.constant 8 : i32
        %div3A_772 = arith.divsi %add3A_770, %jit3A_771 : i32
        %sign3A_773 = arith.constant 0 : i32
        %sign3A_774 = arith.cmpi sgt, %add3A_770, %sign3A_773 : i32
        %sign3A_775 = arith.extui %sign3A_774 : i1 to i32
        %sign3A_776 = arith.constant 0 : i32
        %sign3A_777 = arith.cmpi slt, %add3A_770, %sign3A_776 : i32
        %sign3A_778 = arith.extui %sign3A_777 : i1 to i32
        %sign3A_779 = arith.subi %sign3A_775, %sign3A_778 : i32
        %sign3A_780 = arith.constant 0 : i32
        %sign3A_781 = arith.cmpi sgt, %jit3A_771, %sign3A_780 : i32
        %sign3A_782 = arith.extui %sign3A_781 : i1 to i32
        %sign3A_783 = arith.constant 0 : i32
        %sign3A_784 = arith.cmpi slt, %jit3A_771, %sign3A_783 : i32
        %sign3A_785 = arith.extui %sign3A_784 : i1 to i32
        %sign3A_786 = arith.subi %sign3A_782, %sign3A_785 : i32
        %ne3A_787 = arith.cmpi ne, %sign3A_779, %sign3A_786 : i32
        %rem3A_788 = arith.remsi %add3A_770, %jit3A_771 : i32
        %ne3A_789 = arith.constant 0 : i32
        %ne3A_790 = arith.cmpi ne, %rem3A_788, %ne3A_789 : i32
        %and3A_791 = arith.andi %ne3A_787, %ne3A_790 : i1
        %sub3A_792 = arith.constant 1 : i32
        %sub3A_793 = arith.subi %div3A_772, %sub3A_792 : i32
        %select_n3A_794 = arith.select %and3A_791, %sub3A_793, %div3A_772 : i32
        %rem3A_795 = arith.constant 8 : i32
        %rem3A_796 = arith.remsi %add3A_770, %rem3A_795 : i32
        %eq3A_797 = arith.constant 0 : i32
        %eq3A_798 = arith.cmpi eq, %rem3A_796, %eq3A_797 : i32
        %convert_element_type3A_799 = arith.extui %eq3A_798 : i1 to i32
        %cond3A_800 = arith.constant 0 : i32
        %cond3A_801 = arith.cmpi ne, %convert_element_type3A_799, %cond3A_800 : i32
        scf.if %cond3A_801 {
          %rem3A_852 = arith.constant 2 : i32
          %rem3A_853 = arith.remsi %select_n3A_794, %rem3A_852 : i32
          %dma_wait3A_854 = arith.constant 0 : i32
          %dma_wait3A_855 = arith.constant 0 : i32
          %dma_wait3A_856 = arith.constant 0 : i32
          %dma_wait3A_857 = arith.constant 0 : i32
          %dma_wait3A_858 = tpu.memref_slice %arg5[%rem3A_853, %dma_wait3A_855, %dma_wait3A_856, %dma_wait3A_857] : memref<2x4x8x128xi32, #tpu.memory_space<vmem>> -> memref<1x4x8x128xi32, #tpu.memory_space<vmem>>
          %dma_wait3A_859 = tpu.memref_squeeze %dma_wait3A_858 : memref<1x4x8x128xi32, #tpu.memory_space<vmem>> -> memref<4x8x128xi32, #tpu.memory_space<vmem>>
          %dma_wait3A_860 = arith.constant 0 : i32
          %dma_wait3A_861 = arith.constant 0 : i32
          %dma_wait3A_862 = tpu.memref_slice %arg2[%dma_wait3A_854, %mul3A_2, %dma_wait3A_860, %dma_wait3A_861] : memref<25x128x8x128xi32, #tpu.memory_space<hbm>> -> memref<1x4x8x128xi32, #tpu.memory_space<hbm>>
          %dma_wait3A_863 = tpu.memref_squeeze %dma_wait3A_862 : memref<1x4x8x128xi32, #tpu.memory_space<hbm>> -> memref<4x8x128xi32, #tpu.memory_space<hbm>>
          %dma_wait3A_864 = arith.constant 0 : i32
          %dma_wait3A_865 = arith.constant 0 : i32
          %dma_wait3A_866 = arith.constant 0 : i32
          %dma_wait3A_867 = tpu.memref_slice %arg5[%rem3A_853, %dma_wait3A_864, %dma_wait3A_865, %dma_wait3A_866] : memref<2x4x8x128xi32, #tpu.memory_space<vmem>> -> memref<1x4x8x128xi32, #tpu.memory_space<vmem>>
          %dma_wait3A_868 = tpu.memref_squeeze %dma_wait3A_867 : memref<1x4x8x128xi32, #tpu.memory_space<vmem>> -> memref<4x8x128xi32, #tpu.memory_space<vmem>>
          %dma_wait3A_869 = arith.constant 0 : i32
          %dma_wait3A_870 = arith.constant 0 : i32
          %dma_wait3A_871 = tpu.memref_slice %arg2[%dma_wait3A_854, %mul3A_2, %dma_wait3A_869, %dma_wait3A_870] : memref<25x128x8x128xi32, #tpu.memory_space<hbm>> -> memref<1x4x8x128xi32, #tpu.memory_space<hbm>>
          %dma_wait3A_872 = tpu.memref_squeeze %dma_wait3A_871 : memref<1x4x8x128xi32, #tpu.memory_space<hbm>> -> memref<4x8x128xi32, #tpu.memory_space<hbm>>
          tpu.wait_dma2 semaphore(%arg8 : memref<!tpu.dma_semaphore, #tpu.memory_space<semaphore_mem>>) src(%dma_wait3A_872 : memref<4x8x128xi32, #tpu.memory_space<hbm>>) dst(%dma_wait3A_868 : memref<4x8x128xi32, #tpu.memory_space<vmem>>)
        } else {
        }
        %rem3A_802 = arith.constant 2 : i32
        %rem3A_803 = arith.remsi %select_n3A_794, %rem3A_802 : i32
        %dma_start3A_804 = arith.constant 0 : i32
        %dma_start3A_805 = arith.constant 0 : i32
        %dma_start3A_806 = arith.constant 0 : i32
        %dma_start3A_807 = arith.constant 0 : i32
        %dma_start3A_808 = tpu.memref_slice %arg6[%dma_start3A_805, %dma_start3A_806, %dma_start3A_807] : memref<2x512x32xf32, #tpu.memory_space<vmem>> -> memref<1x128x32xf32, #tpu.memory_space<vmem>>
        %dma_start3A_809 = tpu.memref_squeeze %dma_start3A_808 : memref<1x128x32xf32, #tpu.memory_space<vmem>> -> memref<128x32xf32, #tpu.memory_space<vmem>>
        %dma_start3A_810 = arith.constant 0 : i32
        %dma_start3A_811 = tpu.memref_slice %arg5[%rem3A_803, %dma_start3A_804, %rem3A_796, %dma_start3A_810] : memref<2x4x8x128xi32, #tpu.memory_space<vmem>> -> memref<1x1x1x128xi32, #tpu.memory_space<vmem>>
        %dma_start3A_812 = tpu.memref_squeeze %dma_start3A_811 : memref<1x1x1x128xi32, #tpu.memory_space<vmem>> -> memref<128xi32, #tpu.memory_space<vmem>>
        %dma_start3A_813 = arith.constant 0 : i32
        %dma_start3A_814 = arith.constant 0 : i32
        %dma_start3A_815 = tpu.memref_slice %arg3[%dma_start3A_813, %dma_start3A_814] : memref<1000000x32xf32, #tpu.memory_space<hbm>> -> memref<1000000x32xf32, #tpu.memory_space<hbm>>
        tpu.enqueue_indirect_dma source(%dma_start3A_815 : memref<1000000x32xf32, #tpu.memory_space<hbm>>) target(%dma_start3A_809 : memref<128x32xf32, #tpu.memory_space<vmem>>) offsets(%dma_start3A_812 : memref<128xi32, #tpu.memory_space<vmem>>) semaphore(%arg9 : memref<!tpu.dma_semaphore, #tpu.memory_space<semaphore_mem>>)
        %dma_start3A_816 = arith.constant 1 : i32
        %dma_start3A_817 = arith.constant 0 : i32
        %dma_start3A_818 = arith.constant 128 : i32
        %dma_start3A_819 = arith.constant 0 : i32
        %dma_start3A_820 = tpu.memref_slice %arg6[%dma_start3A_817, %dma_start3A_818, %dma_start3A_819] : memref<2x512x32xf32, #tpu.memory_space<vmem>> -> memref<1x128x32xf32, #tpu.memory_space<vmem>>
        %dma_start3A_821 = tpu.memref_squeeze %dma_start3A_820 : memref<1x128x32xf32, #tpu.memory_space<vmem>> -> memref<128x32xf32, #tpu.memory_space<vmem>>
        %dma_start3A_822 = arith.constant 0 : i32
        %dma_start3A_823 = tpu.memref_slice %arg5[%rem3A_803, %dma_start3A_816, %rem3A_796, %dma_start3A_822] : memref<2x4x8x128xi32, #tpu.memory_space<vmem>> -> memref<1x1x1x128xi32, #tpu.memory_space<vmem>>
        %dma_start3A_824 = tpu.memref_squeeze %dma_start3A_823 : memref<1x1x1x128xi32, #tpu.memory_space<vmem>> -> memref<128xi32, #tpu.memory_space<vmem>>
        %dma_start3A_825 = arith.constant 0 : i32
        %dma_start3A_826 = arith.constant 0 : i32
        %dma_start3A_827 = tpu.memref_slice %arg3[%dma_start3A_825, %dma_start3A_826] : memref<1000000x32xf32, #tpu.memory_space<hbm>> -> memref<1000000x32xf32, #tpu.memory_space<hbm>>
        tpu.enqueue_indirect_dma source(%dma_start3A_827 : memref<1000000x32xf32, #tpu.memory_space<hbm>>) target(%dma_start3A_821 : memref<128x32xf32, #tpu.memory_space<vmem>>) offsets(%dma_start3A_824 : memref<128xi32, #tpu.memory_space<vmem>>) semaphore(%arg9 : memref<!tpu.dma_semaphore, #tpu.memory_space<semaphore_mem>>)
        %dma_start3A_828 = arith.constant 2 : i32
        %dma_start3A_829 = arith.constant 0 : i32
        %dma_start3A_830 = arith.constant 256 : i32
        %dma_start3A_831 = arith.constant 0 : i32
        %dma_start3A_832 = tpu.memref_slice %arg6[%dma_start3A_829, %dma_start3A_830, %dma_start3A_831] : memref<2x512x32xf32, #tpu.memory_space<vmem>> -> memref<1x128x32xf32, #tpu.memory_space<vmem>>
        %dma_start3A_833 = tpu.memref_squeeze %dma_start3A_832 : memref<1x128x32xf32, #tpu.memory_space<vmem>> -> memref<128x32xf32, #tpu.memory_space<vmem>>
        %dma_start3A_834 = arith.constant 0 : i32
        %dma_start3A_835 = tpu.memref_slice %arg5[%rem3A_803, %dma_start3A_828, %rem3A_796, %dma_start3A_834] : memref<2x4x8x128xi32, #tpu.memory_space<vmem>> -> memref<1x1x1x128xi32, #tpu.memory_space<vmem>>
        %dma_start3A_836 = tpu.memref_squeeze %dma_start3A_835 : memref<1x1x1x128xi32, #tpu.memory_space<vmem>> -> memref<128xi32, #tpu.memory_space<vmem>>
        %dma_start3A_837 = arith.constant 0 : i32
        %dma_start3A_838 = arith.constant 0 : i32
        %dma_start3A_839 = tpu.memref_slice %arg3[%dma_start3A_837, %dma_start3A_838] : memref<1000000x32xf32, #tpu.memory_space<hbm>> -> memref<1000000x32xf32, #tpu.memory_space<hbm>>
        tpu.enqueue_indirect_dma source(%dma_start3A_839 : memref<1000000x32xf32, #tpu.memory_space<hbm>>) target(%dma_start3A_833 : memref<128x32xf32, #tpu.memory_space<vmem>>) offsets(%dma_start3A_836 : memref<128xi32, #tpu.memory_space<vmem>>) semaphore(%arg9 : memref<!tpu.dma_semaphore, #tpu.memory_space<semaphore_mem>>)
        %dma_start3A_840 = arith.constant 3 : i32
        %dma_start3A_841 = arith.constant 0 : i32
        %dma_start3A_842 = arith.constant 384 : i32
        %dma_start3A_843 = arith.constant 0 : i32
        %dma_start3A_844 = tpu.memref_slice %arg6[%dma_start3A_841, %dma_start3A_842, %dma_start3A_843] : memref<2x512x32xf32, #tpu.memory_space<vmem>> -> memref<1x128x32xf32, #tpu.memory_space<vmem>>
        %dma_start3A_845 = tpu.memref_squeeze %dma_start3A_844 : memref<1x128x32xf32, #tpu.memory_space<vmem>> -> memref<128x32xf32, #tpu.memory_space<vmem>>
        %dma_start3A_846 = arith.constant 0 : i32
        %dma_start3A_847 = tpu.memref_slice %arg5[%rem3A_803, %dma_start3A_840, %rem3A_796, %dma_start3A_846] : memref<2x4x8x128xi32, #tpu.memory_space<vmem>> -> memref<1x1x1x128xi32, #tpu.memory_space<vmem>>
        %dma_start3A_848 = tpu.memref_squeeze %dma_start3A_847 : memref<1x1x1x128xi32, #tpu.memory_space<vmem>> -> memref<128xi32, #tpu.memory_space<vmem>>
        %dma_start3A_849 = arith.constant 0 : i32
        %dma_start3A_850 = arith.constant 0 : i32
        %dma_start3A_851 = tpu.memref_slice %arg3[%dma_start3A_849, %dma_start3A_850] : memref<1000000x32xf32, #tpu.memory_space<hbm>> -> memref<1000000x32xf32, #tpu.memory_space<hbm>>
        tpu.enqueue_indirect_dma source(%dma_start3A_851 : memref<1000000x32xf32, #tpu.memory_space<hbm>>) target(%dma_start3A_845 : memref<128x32xf32, #tpu.memory_space<vmem>>) offsets(%dma_start3A_848 : memref<128xi32, #tpu.memory_space<vmem>>) semaphore(%arg9 : memref<!tpu.dma_semaphore, #tpu.memory_space<semaphore_mem>>)
      } else {
      }
      %ge3A_618 = arith.constant 1 : i32
      %ge3A_619 = arith.cmpi sge, %scan3A_379, %ge3A_618 : i32
      %convert_element_type3A_620 = arith.extui %ge3A_619 : i1 to i32
      %cond3A_621 = arith.constant 0 : i32
      %cond3A_622 = arith.cmpi ne, %convert_element_type3A_620, %cond3A_621 : i32
      scf.if %cond3A_622 {
        %dma_wait3A_769 = arith.constant 0 : i32
        %dma_wait3A_770 = arith.constant 0 : i32
        %dma_wait3A_771 = arith.constant 0 : i32
        %dma_wait3A_772 = arith.constant 0 : i32
        %dma_wait3A_773 = arith.constant 0 : i32
        %dma_wait3A_774 = arith.constant 0 : i32
        %dma_wait3A_775 = arith.constant 0 : i32
        %dma_wait3A_776 = tpu.memref_slice %arg7[%dma_wait3A_769, %dma_wait3A_770, %dma_wait3A_773, %dma_wait3A_774, %dma_wait3A_775] : memref<2x4x4x10x129xf32, #tpu.memory_space<vmem>> -> memref<1x1x4x8x128xf32, #tpu.memory_space<vmem>>
        %dma_wait3A_777 = tpu.memref_squeeze %dma_wait3A_776 : memref<1x1x4x8x128xf32, #tpu.memory_space<vmem>> -> memref<4x8x128xf32, #tpu.memory_space<vmem>>
        %dma_wait3A_778 = arith.constant 0 : i32
        %dma_wait3A_779 = arith.constant 0 : i32
        %dma_wait3A_780 = arith.constant 0 : i32
        %dma_wait3A_781 = tpu.memref_slice %arg4[%dma_wait3A_771, %dma_wait3A_772, %dma_wait3A_778, %dma_wait3A_779, %dma_wait3A_780] : memref<200x4x128x8x128xf32, #tpu.memory_space<hbm>> -> memref<1x1x4x8x128xf32, #tpu.memory_space<hbm>>
        %dma_wait3A_782 = tpu.memref_squeeze %dma_wait3A_781 : memref<1x1x4x8x128xf32, #tpu.memory_space<hbm>> -> memref<4x8x128xf32, #tpu.memory_space<hbm>>
        %dma_wait3A_783 = arith.constant 0 : i32
        %dma_wait3A_784 = arith.constant 0 : i32
        %dma_wait3A_785 = arith.constant 0 : i32
        %dma_wait3A_786 = tpu.memref_slice %arg4[%dma_wait3A_771, %dma_wait3A_772, %dma_wait3A_783, %dma_wait3A_784, %dma_wait3A_785] : memref<200x4x128x8x128xf32, #tpu.memory_space<hbm>> -> memref<1x1x4x8x128xf32, #tpu.memory_space<hbm>>
        %dma_wait3A_787 = tpu.memref_squeeze %dma_wait3A_786 : memref<1x1x4x8x128xf32, #tpu.memory_space<hbm>> -> memref<4x8x128xf32, #tpu.memory_space<hbm>>
        %dma_wait3A_788 = arith.constant 0 : i32
        %dma_wait3A_789 = arith.constant 0 : i32
        %dma_wait3A_790 = arith.constant 0 : i32
        %dma_wait3A_791 = tpu.memref_slice %arg7[%dma_wait3A_769, %dma_wait3A_770, %dma_wait3A_788, %dma_wait3A_789, %dma_wait3A_790] : memref<2x4x4x10x129xf32, #tpu.memory_space<vmem>> -> memref<1x1x4x8x128xf32, #tpu.memory_space<vmem>>
        %dma_wait3A_792 = tpu.memref_squeeze %dma_wait3A_791 : memref<1x1x4x8x128xf32, #tpu.memory_space<vmem>> -> memref<4x8x128xf32, #tpu.memory_space<vmem>>
        tpu.wait_dma2 semaphore(%arg11 : memref<!tpu.dma_semaphore, #tpu.memory_space<semaphore_mem>>) src(%dma_wait3A_792 : memref<4x8x128xf32, #tpu.memory_space<vmem>>) dst(%dma_wait3A_787 : memref<4x8x128xf32, #tpu.memory_space<hbm>>)
        %dma_wait3A_793 = arith.constant 0 : i32
        %dma_wait3A_794 = arith.constant 0 : i32
        %dma_wait3A_795 = arith.constant 0 : i32
        %dma_wait3A_796 = arith.constant 0 : i32
        %dma_wait3A_797 = arith.constant 0 : i32
        %dma_wait3A_798 = arith.constant 0 : i32
        %dma_wait3A_799 = arith.constant 0 : i32
        %dma_wait3A_800 = tpu.memref_slice %arg7[%dma_wait3A_793, %dma_wait3A_794, %dma_wait3A_797, %dma_wait3A_798, %dma_wait3A_799] : memref<2x4x4x10x129xf32, #tpu.memory_space<vmem>> -> memref<1x1x4x8x128xf32, #tpu.memory_space<vmem>>
        %dma_wait3A_801 = tpu.memref_squeeze %dma_wait3A_800 : memref<1x1x4x8x128xf32, #tpu.memory_space<vmem>> -> memref<4x8x128xf32, #tpu.memory_space<vmem>>
        %dma_wait3A_802 = arith.constant 0 : i32
        %dma_wait3A_803 = arith.constant 0 : i32
        %dma_wait3A_804 = arith.constant 0 : i32
        %dma_wait3A_805 = tpu.memref_slice %arg4[%dma_wait3A_795, %dma_wait3A_796, %dma_wait3A_802, %dma_wait3A_803, %dma_wait3A_804] : memref<200x4x128x8x128xf32, #tpu.memory_space<hbm>> -> memref<1x1x4x8x128xf32, #tpu.memory_space<hbm>>
        %dma_wait3A_806 = tpu.memref_squeeze %dma_wait3A_805 : memref<1x1x4x8x128xf32, #tpu.memory_space<hbm>> -> memref<4x8x128xf32, #tpu.memory_space<hbm>>
        %dma_wait3A_807 = arith.constant 0 : i32
        %dma_wait3A_808 = arith.constant 0 : i32
        %dma_wait3A_809 = arith.constant 0 : i32
        %dma_wait3A_810 = tpu.memref_slice %arg4[%dma_wait3A_795, %dma_wait3A_796, %dma_wait3A_807, %dma_wait3A_808, %dma_wait3A_809] : memref<200x4x128x8x128xf32, #tpu.memory_space<hbm>> -> memref<1x1x4x8x128xf32, #tpu.memory_space<hbm>>
        %dma_wait3A_811 = tpu.memref_squeeze %dma_wait3A_810 : memref<1x1x4x8x128xf32, #tpu.memory_space<hbm>> -> memref<4x8x128xf32, #tpu.memory_space<hbm>>
        %dma_wait3A_812 = arith.constant 0 : i32
        %dma_wait3A_813 = arith.constant 0 : i32
        %dma_wait3A_814 = arith.constant 0 : i32
        %dma_wait3A_815 = tpu.memref_slice %arg7[%dma_wait3A_793, %dma_wait3A_794, %dma_wait3A_812, %dma_wait3A_813, %dma_wait3A_814] : memref<2x4x4x10x129xf32, #tpu.memory_space<vmem>> -> memref<1x1x4x8x128xf32, #tpu.memory_space<vmem>>
        %dma_wait3A_816 = tpu.memref_squeeze %dma_wait3A_815 : memref<1x1x4x8x128xf32, #tpu.memory_space<vmem>> -> memref<4x8x128xf32, #tpu.memory_space<vmem>>
        tpu.wait_dma2 semaphore(%arg11 : memref<!tpu.dma_semaphore, #tpu.memory_space<semaphore_mem>>) src(%dma_wait3A_816 : memref<4x8x128xf32, #tpu.memory_space<vmem>>) dst(%dma_wait3A_811 : memref<4x8x128xf32, #tpu.memory_space<hbm>>)
        %dma_wait3A_817 = arith.constant 0 : i32
        %dma_wait3A_818 = arith.constant 0 : i32
        %dma_wait3A_819 = arith.constant 0 : i32
        %dma_wait3A_820 = arith.constant 0 : i32
        %dma_wait3A_821 = arith.constant 0 : i32
        %dma_wait3A_822 = arith.constant 0 : i32
        %dma_wait3A_823 = arith.constant 0 : i32
        %dma_wait3A_824 = tpu.memref_slice %arg7[%dma_wait3A_817, %dma_wait3A_818, %dma_wait3A_821, %dma_wait3A_822, %dma_wait3A_823] : memref<2x4x4x10x129xf32, #tpu.memory_space<vmem>> -> memref<1x1x4x8x128xf32, #tpu.memory_space<vmem>>
        %dma_wait3A_825 = tpu.memref_squeeze %dma_wait3A_824 : memref<1x1x4x8x128xf32, #tpu.memory_space<vmem>> -> memref<4x8x128xf32, #tpu.memory_space<vmem>>
        %dma_wait3A_826 = arith.constant 0 : i32
        %dma_wait3A_827 = arith.constant 0 : i32
        %dma_wait3A_828 = arith.constant 0 : i32
        %dma_wait3A_829 = tpu.memref_slice %arg4[%dma_wait3A_819, %dma_wait3A_820, %dma_wait3A_826, %dma_wait3A_827, %dma_wait3A_828] : memref<200x4x128x8x128xf32, #tpu.memory_space<hbm>> -> memref<1x1x4x8x128xf32, #tpu.memory_space<hbm>>
        %dma_wait3A_830 = tpu.memref_squeeze %dma_wait3A_829 : memref<1x1x4x8x128xf32, #tpu.memory_space<hbm>> -> memref<4x8x128xf32, #tpu.memory_space<hbm>>
        %dma_wait3A_831 = arith.constant 0 : i32
        %dma_wait3A_832 = arith.constant 0 : i32
        %dma_wait3A_833 = arith.constant 0 : i32
        %dma_wait3A_834 = tpu.memref_slice %arg4[%dma_wait3A_819, %dma_wait3A_820, %dma_wait3A_831, %dma_wait3A_832, %dma_wait3A_833] : memref<200x4x128x8x128xf32, #tpu.memory_space<hbm>> -> memref<1x1x4x8x128xf32, #tpu.memory_space<hbm>>
        %dma_wait3A_835 = tpu.memref_squeeze %dma_wait3A_834 : memref<1x1x4x8x128xf32, #tpu.memory_space<hbm>> -> memref<4x8x128xf32, #tpu.memory_space<hbm>>
        %dma_wait3A_836 = arith.constant 0 : i32
        %dma_wait3A_837 = arith.constant 0 : i32
        %dma_wait3A_838 = arith.constant 0 : i32
        %dma_wait3A_839 = tpu.memref_slice %arg7[%dma_wait3A_817, %dma_wait3A_818, %dma_wait3A_836, %dma_wait3A_837, %dma_wait3A_838] : memref<2x4x4x10x129xf32, #tpu.memory_space<vmem>> -> memref<1x1x4x8x128xf32, #tpu.memory_space<vmem>>
        %dma_wait3A_840 = tpu.memref_squeeze %dma_wait3A_839 : memref<1x1x4x8x128xf32, #tpu.memory_space<vmem>> -> memref<4x8x128xf32, #tpu.memory_space<vmem>>
        tpu.wait_dma2 semaphore(%arg11 : memref<!tpu.dma_semaphore, #tpu.memory_space<semaphore_mem>>) src(%dma_wait3A_840 : memref<4x8x128xf32, #tpu.memory_space<vmem>>) dst(%dma_wait3A_835 : memref<4x8x128xf32, #tpu.memory_space<hbm>>)
        %dma_wait3A_841 = arith.constant 0 : i32
        %dma_wait3A_842 = arith.constant 0 : i32
        %dma_wait3A_843 = arith.constant 0 : i32
        %dma_wait3A_844 = arith.constant 0 : i32
        %dma_wait3A_845 = arith.constant 0 : i32
        %dma_wait3A_846 = arith.constant 0 : i32
        %dma_wait3A_847 = arith.constant 0 : i32
        %dma_wait3A_848 = tpu.memref_slice %arg7[%dma_wait3A_841, %dma_wait3A_842, %dma_wait3A_845, %dma_wait3A_846, %dma_wait3A_847] : memref<2x4x4x10x129xf32, #tpu.memory_space<vmem>> -> memref<1x1x4x8x128xf32, #tpu.memory_space<vmem>>
        %dma_wait3A_849 = tpu.memref_squeeze %dma_wait3A_848 : memref<1x1x4x8x128xf32, #tpu.memory_space<vmem>> -> memref<4x8x128xf32, #tpu.memory_space<vmem>>
        %dma_wait3A_850 = arith.constant 0 : i32
        %dma_wait3A_851 = arith.constant 0 : i32
        %dma_wait3A_852 = arith.constant 0 : i32
        %dma_wait3A_853 = tpu.memref_slice %arg4[%dma_wait3A_843, %dma_wait3A_844, %dma_wait3A_850, %dma_wait3A_851, %dma_wait3A_852] : memref<200x4x128x8x128xf32, #tpu.memory_space<hbm>> -> memref<1x1x4x8x128xf32, #tpu.memory_space<hbm>>
        %dma_wait3A_854 = tpu.memref_squeeze %dma_wait3A_853 : memref<1x1x4x8x128xf32, #tpu.memory_space<hbm>> -> memref<4x8x128xf32, #tpu.memory_space<hbm>>
        %dma_wait3A_855 = arith.constant 0 : i32
        %dma_wait3A_856 = arith.constant 0 : i32
        %dma_wait3A_857 = arith.constant 0 : i32
        %dma_wait3A_858 = tpu.memref_slice %arg4[%dma_wait3A_843, %dma_wait3A_844, %dma_wait3A_855, %dma_wait3A_856, %dma_wait3A_857] : memref<200x4x128x8x128xf32, #tpu.memory_space<hbm>> -> memref<1x1x4x8x128xf32, #tpu.memory_space<hbm>>
        %dma_wait3A_859 = tpu.memref_squeeze %dma_wait3A_858 : memref<1x1x4x8x128xf32, #tpu.memory_space<hbm>> -> memref<4x8x128xf32, #tpu.memory_space<hbm>>
        %dma_wait3A_860 = arith.constant 0 : i32
        %dma_wait3A_861 = arith.constant 0 : i32
        %dma_wait3A_862 = arith.constant 0 : i32
        %dma_wait3A_863 = tpu.memref_slice %arg7[%dma_wait3A_841, %dma_wait3A_842, %dma_wait3A_860, %dma_wait3A_861, %dma_wait3A_862] : memref<2x4x4x10x129xf32, #tpu.memory_space<vmem>> -> memref<1x1x4x8x128xf32, #tpu.memory_space<vmem>>
        %dma_wait3A_864 = tpu.memref_squeeze %dma_wait3A_863 : memref<1x1x4x8x128xf32, #tpu.memory_space<vmem>> -> memref<4x8x128xf32, #tpu.memory_space<vmem>>
        tpu.wait_dma2 semaphore(%arg11 : memref<!tpu.dma_semaphore, #tpu.memory_space<semaphore_mem>>) src(%dma_wait3A_864 : memref<4x8x128xf32, #tpu.memory_space<vmem>>) dst(%dma_wait3A_859 : memref<4x8x128xf32, #tpu.memory_space<hbm>>)
      } else {
      }
      %dma_wait3A_623 = arith.constant 0 : i32
      %dma_wait3A_624 = arith.constant 0 : i32
      %dma_wait3A_625 = arith.constant 0 : i32
      %dma_wait3A_626 = arith.constant 1 : i32
      %dma_wait3A_627 = arith.constant 0 : i32
      %dma_wait3A_628 = arith.constant 0 : i32
      %dma_wait3A_629 = tpu.memref_slice %arg6[%dma_wait3A_626, %dma_wait3A_627, %dma_wait3A_628] : memref<2x512x32xf32, #tpu.memory_space<vmem>> -> memref<1x128x32xf32, #tpu.memory_space<vmem>>
      %dma_wait3A_630 = tpu.memref_squeeze %dma_wait3A_629 : memref<1x128x32xf32, #tpu.memory_space<vmem>> -> memref<128x32xf32, #tpu.memory_space<vmem>>
      %dma_wait3A_631 = arith.constant 0 : i32
      %dma_wait3A_632 = tpu.memref_slice %arg5[%dma_wait3A_623, %dma_wait3A_624, %dma_wait3A_625, %dma_wait3A_631] : memref<2x4x8x128xi32, #tpu.memory_space<vmem>> -> memref<1x1x1x128xi32, #tpu.memory_space<vmem>>
      %dma_wait3A_633 = tpu.memref_squeeze %dma_wait3A_632 : memref<1x1x1x128xi32, #tpu.memory_space<vmem>> -> memref<128xi32, #tpu.memory_space<vmem>>
      %dma_wait3A_634 = arith.constant 0 : i32
      %dma_wait3A_635 = arith.constant 0 : i32
      %dma_wait3A_636 = tpu.memref_slice %arg3[%dma_wait3A_634, %dma_wait3A_635] : memref<1000000x32xf32, #tpu.memory_space<hbm>> -> memref<1000000x32xf32, #tpu.memory_space<hbm>>
      tpu.wait_indirect_dma semaphore(%arg10 : memref<!tpu.dma_semaphore, #tpu.memory_space<semaphore_mem>>) src(%dma_wait3A_636 : memref<1000000x32xf32, #tpu.memory_space<hbm>>) dst(%dma_wait3A_630 : memref<128x32xf32, #tpu.memory_space<vmem>>)
      %dma_wait3A_637 = arith.constant 0 : i32
      %dma_wait3A_638 = arith.constant 0 : i32
      %dma_wait3A_639 = arith.constant 0 : i32
      %dma_wait3A_640 = arith.constant 1 : i32
      %dma_wait3A_641 = arith.constant 0 : i32
      %dma_wait3A_642 = arith.constant 0 : i32
      %dma_wait3A_643 = tpu.memref_slice %arg6[%dma_wait3A_640, %dma_wait3A_641, %dma_wait3A_642] : memref<2x512x32xf32, #tpu.memory_space<vmem>> -> memref<1x128x32xf32, #tpu.memory_space<vmem>>
      %dma_wait3A_644 = tpu.memref_squeeze %dma_wait3A_643 : memref<1x128x32xf32, #tpu.memory_space<vmem>> -> memref<128x32xf32, #tpu.memory_space<vmem>>
      %dma_wait3A_645 = arith.constant 0 : i32
      %dma_wait3A_646 = tpu.memref_slice %arg5[%dma_wait3A_637, %dma_wait3A_638, %dma_wait3A_639, %dma_wait3A_645] : memref<2x4x8x128xi32, #tpu.memory_space<vmem>> -> memref<1x1x1x128xi32, #tpu.memory_space<vmem>>
      %dma_wait3A_647 = tpu.memref_squeeze %dma_wait3A_646 : memref<1x1x1x128xi32, #tpu.memory_space<vmem>> -> memref<128xi32, #tpu.memory_space<vmem>>
      %dma_wait3A_648 = arith.constant 0 : i32
      %dma_wait3A_649 = arith.constant 0 : i32
      %dma_wait3A_650 = tpu.memref_slice %arg3[%dma_wait3A_648, %dma_wait3A_649] : memref<1000000x32xf32, #tpu.memory_space<hbm>> -> memref<1000000x32xf32, #tpu.memory_space<hbm>>
      tpu.wait_indirect_dma semaphore(%arg10 : memref<!tpu.dma_semaphore, #tpu.memory_space<semaphore_mem>>) src(%dma_wait3A_650 : memref<1000000x32xf32, #tpu.memory_space<hbm>>) dst(%dma_wait3A_644 : memref<128x32xf32, #tpu.memory_space<vmem>>)
      %dma_wait3A_651 = arith.constant 0 : i32
      %dma_wait3A_652 = arith.constant 0 : i32
      %dma_wait3A_653 = arith.constant 0 : i32
      %dma_wait3A_654 = arith.constant 1 : i32
      %dma_wait3A_655 = arith.constant 0 : i32
      %dma_wait3A_656 = arith.constant 0 : i32
      %dma_wait3A_657 = tpu.memref_slice %arg6[%dma_wait3A_654, %dma_wait3A_655, %dma_wait3A_656] : memref<2x512x32xf32, #tpu.memory_space<vmem>> -> memref<1x128x32xf32, #tpu.memory_space<vmem>>
      %dma_wait3A_658 = tpu.memref_squeeze %dma_wait3A_657 : memref<1x128x32xf32, #tpu.memory_space<vmem>> -> memref<128x32xf32, #tpu.memory_space<vmem>>
      %dma_wait3A_659 = arith.constant 0 : i32
      %dma_wait3A_660 = tpu.memref_slice %arg5[%dma_wait3A_651, %dma_wait3A_652, %dma_wait3A_653, %dma_wait3A_659] : memref<2x4x8x128xi32, #tpu.memory_space<vmem>> -> memref<1x1x1x128xi32, #tpu.memory_space<vmem>>
      %dma_wait3A_661 = tpu.memref_squeeze %dma_wait3A_660 : memref<1x1x1x128xi32, #tpu.memory_space<vmem>> -> memref<128xi32, #tpu.memory_space<vmem>>
      %dma_wait3A_662 = arith.constant 0 : i32
      %dma_wait3A_663 = arith.constant 0 : i32
      %dma_wait3A_664 = tpu.memref_slice %arg3[%dma_wait3A_662, %dma_wait3A_663] : memref<1000000x32xf32, #tpu.memory_space<hbm>> -> memref<1000000x32xf32, #tpu.memory_space<hbm>>
      tpu.wait_indirect_dma semaphore(%arg10 : memref<!tpu.dma_semaphore, #tpu.memory_space<semaphore_mem>>) src(%dma_wait3A_664 : memref<1000000x32xf32, #tpu.memory_space<hbm>>) dst(%dma_wait3A_658 : memref<128x32xf32, #tpu.memory_space<vmem>>)
      %dma_wait3A_665 = arith.constant 0 : i32
      %dma_wait3A_666 = arith.constant 0 : i32
      %dma_wait3A_667 = arith.constant 0 : i32
      %dma_wait3A_668 = arith.constant 1 : i32
      %dma_wait3A_669 = arith.constant 0 : i32
      %dma_wait3A_670 = arith.constant 0 : i32
      %dma_wait3A_671 = tpu.memref_slice %arg6[%dma_wait3A_668, %dma_wait3A_669, %dma_wait3A_670] : memref<2x512x32xf32, #tpu.memory_space<vmem>> -> memref<1x128x32xf32, #tpu.memory_space<vmem>>
      %dma_wait3A_672 = tpu.memref_squeeze %dma_wait3A_671 : memref<1x128x32xf32, #tpu.memory_space<vmem>> -> memref<128x32xf32, #tpu.memory_space<vmem>>
      %dma_wait3A_673 = arith.constant 0 : i32
      %dma_wait3A_674 = tpu.memref_slice %arg5[%dma_wait3A_665, %dma_wait3A_666, %dma_wait3A_667, %dma_wait3A_673] : memref<2x4x8x128xi32, #tpu.memory_space<vmem>> -> memref<1x1x1x128xi32, #tpu.memory_space<vmem>>
      %dma_wait3A_675 = tpu.memref_squeeze %dma_wait3A_674 : memref<1x1x1x128xi32, #tpu.memory_space<vmem>> -> memref<128xi32, #tpu.memory_space<vmem>>
      %dma_wait3A_676 = arith.constant 0 : i32
      %dma_wait3A_677 = arith.constant 0 : i32
      %dma_wait3A_678 = tpu.memref_slice %arg3[%dma_wait3A_676, %dma_wait3A_677] : memref<1000000x32xf32, #tpu.memory_space<hbm>> -> memref<1000000x32xf32, #tpu.memory_space<hbm>>
      tpu.wait_indirect_dma semaphore(%arg10 : memref<!tpu.dma_semaphore, #tpu.memory_space<semaphore_mem>>) src(%dma_wait3A_678 : memref<1000000x32xf32, #tpu.memory_space<hbm>>) dst(%dma_wait3A_672 : memref<128x32xf32, #tpu.memory_space<vmem>>)
      %parallel_loop3A_679 = arith.constant 0 : i32
      %parallel_loop3A_680 = arith.constant 128 : i32
      %parallel_loop3A_681 = arith.constant 1 : i32
      %parallel_loop3A_682 = arith.constant 1 : i32
      scf.for %parallel_loop3A_769 = %parallel_loop3A_679 to %parallel_loop3A_680 step %parallel_loop3A_681  : i32 {
        %parallel_loop3A_770 = vector.broadcast %parallel_loop3A_769 : i32 to vector<16xi32>
        %parallel_loop3A_771 = arith.addi %broadcast_in_dim3A_75, %parallel_loop3A_770 : vector<16xi32>
        %parallel_loop3A_772 = arith.constant 0 : i32
        %parallel_loop3A_773 = arith.addi %parallel_loop3A_772, %parallel_loop3A_769 : i32
        %parallel_loop3A_774 = arith.constant 1 : i32
        %parallel_loop3A_775 = arith.index_cast %parallel_loop3A_774 : i32 to index
        %parallel_loop3A_776 = arith.index_cast %parallel_loop3A_773 : i32 to index
        %parallel_loop3A_777 = arith.constant 0 : index
        %parallel_loop3A_778 = tpu.vector_load %arg6[%parallel_loop3A_775, %parallel_loop3A_776, %parallel_loop3A_777] {strides = array<i32>} : memref<2x512x32xf32, #tpu.memory_space<vmem>>, vector<16xf32>,
        %parallel_loop3A_779 = arith.constant 0 : i32
        %parallel_loop3A_780 = arith.constant 0 : i32
        %parallel_loop3A_781 = arith.constant 0 : i32
        %parallel_loop3A_782 = arith.constant 0 : i32
        %parallel_loop3A_783 = tpu.memref_slice %arg7[%parallel_loop3A_682, %parallel_loop3A_779, %parallel_loop3A_780, %parallel_loop3A_781, %parallel_loop3A_782] : memref<2x4x4x10x129xf32, #tpu.memory_space<vmem>> -> memref<1x4x4x10x129xf32, #tpu.memory_space<vmem>>
        %parallel_loop3A_784 = tpu.memref_squeeze %parallel_loop3A_783 : memref<1x4x4x10x129xf32, #tpu.memory_space<vmem>> -> memref<4x4x10x129xf32, #tpu.memory_space<vmem>>
        tpu.vector_store_idx %parallel_loop3A_784[%select_n3A, %add3A_78, %rem3A_68, %parallel_loop3A_771], %parallel_loop3A_778 : memref<4x4x10x129xf32, #tpu.memory_space<vmem>>[vector<16xi32>, vector<16xi32>, vector<16xi32>, vector<16xi32>], vector<16xf32>,
        %parallel_loop3A_785 = arith.constant 1 : i32
        %parallel_loop3A_786 = arith.index_cast %parallel_loop3A_785 : i32 to index
        %parallel_loop3A_787 = arith.index_cast %parallel_loop3A_773 : i32 to index
        %parallel_loop3A_788 = arith.constant 16 : index
        %parallel_loop3A_789 = tpu.vector_load %arg6[%parallel_loop3A_786, %parallel_loop3A_787, %parallel_loop3A_788] {strides = array<i32>} : memref<2x512x32xf32, #tpu.memory_space<vmem>>, vector<16xf32>,
        %parallel_loop3A_790 = arith.constant 0 : i32
        %parallel_loop3A_791 = arith.constant 0 : i32
        %parallel_loop3A_792 = arith.constant 0 : i32
        %parallel_loop3A_793 = arith.constant 0 : i32
        %parallel_loop3A_794 = tpu.memref_slice %arg7[%parallel_loop3A_682, %parallel_loop3A_790, %parallel_loop3A_791, %parallel_loop3A_792, %parallel_loop3A_793] : memref<2x4x4x10x129xf32, #tpu.memory_space<vmem>> -> memref<1x4x4x10x129xf32, #tpu.memory_space<vmem>>
        %parallel_loop3A_795 = tpu.memref_squeeze %parallel_loop3A_794 : memref<1x4x4x10x129xf32, #tpu.memory_space<vmem>> -> memref<4x4x10x129xf32, #tpu.memory_space<vmem>>
        tpu.vector_store_idx %parallel_loop3A_795[%select_n3A_62, %add3A_78, %rem3A_74, %parallel_loop3A_771], %parallel_loop3A_789 : memref<4x4x10x129xf32, #tpu.memory_space<vmem>>[vector<16xi32>, vector<16xi32>, vector<16xi32>, vector<16xi32>], vector<16xf32>,
        %parallel_loop3A_796 = arith.constant 128 : i32
        %parallel_loop3A_797 = arith.addi %parallel_loop3A_796, %parallel_loop3A_769 : i32
        %parallel_loop3A_798 = arith.constant 1 : i32
        %parallel_loop3A_799 = arith.index_cast %parallel_loop3A_798 : i32 to index
        %parallel_loop3A_800 = arith.index_cast %parallel_loop3A_797 : i32 to index
        %parallel_loop3A_801 = arith.constant 0 : index
        %parallel_loop3A_802 = tpu.vector_load %arg6[%parallel_loop3A_799, %parallel_loop3A_800, %parallel_loop3A_801] {strides = array<i32>} : memref<2x512x32xf32, #tpu.memory_space<vmem>>, vector<16xf32>,
        %parallel_loop3A_803 = arith.constant 0 : i32
        %parallel_loop3A_804 = arith.constant 0 : i32
        %parallel_loop3A_805 = arith.constant 0 : i32
        %parallel_loop3A_806 = arith.constant 0 : i32
        %parallel_loop3A_807 = tpu.memref_slice %arg7[%parallel_loop3A_682, %parallel_loop3A_803, %parallel_loop3A_804, %parallel_loop3A_805, %parallel_loop3A_806] : memref<2x4x4x10x129xf32, #tpu.memory_space<vmem>> -> memref<1x4x4x10x129xf32, #tpu.memory_space<vmem>>
        %parallel_loop3A_808 = tpu.memref_squeeze %parallel_loop3A_807 : memref<1x4x4x10x129xf32, #tpu.memory_space<vmem>> -> memref<4x4x10x129xf32, #tpu.memory_space<vmem>>
        tpu.vector_store_idx %parallel_loop3A_808[%select_n3A, %add3A_81, %rem3A_68, %parallel_loop3A_771], %parallel_loop3A_802 : memref<4x4x10x129xf32, #tpu.memory_space<vmem>>[vector<16xi32>, vector<16xi32>, vector<16xi32>, vector<16xi32>], vector<16xf32>,
        %parallel_loop3A_809 = arith.constant 1 : i32
        %parallel_loop3A_810 = arith.index_cast %parallel_loop3A_809 : i32 to index
        %parallel_loop3A_811 = arith.index_cast %parallel_loop3A_797 : i32 to index
        %parallel_loop3A_812 = arith.constant 16 : index
        %parallel_loop3A_813 = tpu.vector_load %arg6[%parallel_loop3A_810, %parallel_loop3A_811, %parallel_loop3A_812] {strides = array<i32>} : memref<2x512x32xf32, #tpu.memory_space<vmem>>, vector<16xf32>,
        %parallel_loop3A_814 = arith.constant 0 : i32
        %parallel_loop3A_815 = arith.constant 0 : i32
        %parallel_loop3A_816 = arith.constant 0 : i32
        %parallel_loop3A_817 = arith.constant 0 : i32
        %parallel_loop3A_818 = tpu.memref_slice %arg7[%parallel_loop3A_682, %parallel_loop3A_814, %parallel_loop3A_815, %parallel_loop3A_816, %parallel_loop3A_817] : memref<2x4x4x10x129xf32, #tpu.memory_space<vmem>> -> memref<1x4x4x10x129xf32, #tpu.memory_space<vmem>>
        %parallel_loop3A_819 = tpu.memref_squeeze %parallel_loop3A_818 : memref<1x4x4x10x129xf32, #tpu.memory_space<vmem>> -> memref<4x4x10x129xf32, #tpu.memory_space<vmem>>
        tpu.vector_store_idx %parallel_loop3A_819[%select_n3A_62, %add3A_81, %rem3A_74, %parallel_loop3A_771], %parallel_loop3A_813 : memref<4x4x10x129xf32, #tpu.memory_space<vmem>>[vector<16xi32>, vector<16xi32>, vector<16xi32>, vector<16xi32>], vector<16xf32>,
        %parallel_loop3A_820 = arith.constant 256 : i32
        %parallel_loop3A_821 = arith.addi %parallel_loop3A_820, %parallel_loop3A_769 : i32
        %parallel_loop3A_822 = arith.constant 1 : i32
        %parallel_loop3A_823 = arith.index_cast %parallel_loop3A_822 : i32 to index
        %parallel_loop3A_824 = arith.index_cast %parallel_loop3A_821 : i32 to index
        %parallel_loop3A_825 = arith.constant 0 : index
        %parallel_loop3A_826 = tpu.vector_load %arg6[%parallel_loop3A_823, %parallel_loop3A_824, %parallel_loop3A_825] {strides = array<i32>} : memref<2x512x32xf32, #tpu.memory_space<vmem>>, vector<16xf32>,
        %parallel_loop3A_827 = arith.constant 0 : i32
        %parallel_loop3A_828 = arith.constant 0 : i32
        %parallel_loop3A_829 = arith.constant 0 : i32
        %parallel_loop3A_830 = arith.constant 0 : i32
        %parallel_loop3A_831 = tpu.memref_slice %arg7[%parallel_loop3A_682, %parallel_loop3A_827, %parallel_loop3A_828, %parallel_loop3A_829, %parallel_loop3A_830] : memref<2x4x4x10x129xf32, #tpu.memory_space<vmem>> -> memref<1x4x4x10x129xf32, #tpu.memory_space<vmem>>
        %parallel_loop3A_832 = tpu.memref_squeeze %parallel_loop3A_831 : memref<1x4x4x10x129xf32, #tpu.memory_space<vmem>> -> memref<4x4x10x129xf32, #tpu.memory_space<vmem>>
        tpu.vector_store_idx %parallel_loop3A_832[%select_n3A, %add3A_84, %rem3A_68, %parallel_loop3A_771], %parallel_loop3A_826 : memref<4x4x10x129xf32, #tpu.memory_space<vmem>>[vector<16xi32>, vector<16xi32>, vector<16xi32>, vector<16xi32>], vector<16xf32>,
        %parallel_loop3A_833 = arith.constant 1 : i32
        %parallel_loop3A_834 = arith.index_cast %parallel_loop3A_833 : i32 to index
        %parallel_loop3A_835 = arith.index_cast %parallel_loop3A_821 : i32 to index
        %parallel_loop3A_836 = arith.constant 16 : index
        %parallel_loop3A_837 = tpu.vector_load %arg6[%parallel_loop3A_834, %parallel_loop3A_835, %parallel_loop3A_836] {strides = array<i32>} : memref<2x512x32xf32, #tpu.memory_space<vmem>>, vector<16xf32>,
        %parallel_loop3A_838 = arith.constant 0 : i32
        %parallel_loop3A_839 = arith.constant 0 : i32
        %parallel_loop3A_840 = arith.constant 0 : i32
        %parallel_loop3A_841 = arith.constant 0 : i32
        %parallel_loop3A_842 = tpu.memref_slice %arg7[%parallel_loop3A_682, %parallel_loop3A_838, %parallel_loop3A_839, %parallel_loop3A_840, %parallel_loop3A_841] : memref<2x4x4x10x129xf32, #tpu.memory_space<vmem>> -> memref<1x4x4x10x129xf32, #tpu.memory_space<vmem>>
        %parallel_loop3A_843 = tpu.memref_squeeze %parallel_loop3A_842 : memref<1x4x4x10x129xf32, #tpu.memory_space<vmem>> -> memref<4x4x10x129xf32, #tpu.memory_space<vmem>>
        tpu.vector_store_idx %parallel_loop3A_843[%select_n3A_62, %add3A_84, %rem3A_74, %parallel_loop3A_771], %parallel_loop3A_837 : memref<4x4x10x129xf32, #tpu.memory_space<vmem>>[vector<16xi32>, vector<16xi32>, vector<16xi32>, vector<16xi32>], vector<16xf32>,
        %parallel_loop3A_844 = arith.constant 384 : i32
        %parallel_loop3A_845 = arith.addi %parallel_loop3A_844, %parallel_loop3A_769 : i32
        %parallel_loop3A_846 = arith.constant 1 : i32
        %parallel_loop3A_847 = arith.index_cast %parallel_loop3A_846 : i32 to index
        %parallel_loop3A_848 = arith.index_cast %parallel_loop3A_845 : i32 to index
        %parallel_loop3A_849 = arith.constant 0 : index
        %parallel_loop3A_850 = tpu.vector_load %arg6[%parallel_loop3A_847, %parallel_loop3A_848, %parallel_loop3A_849] {strides = array<i32>} : memref<2x512x32xf32, #tpu.memory_space<vmem>>, vector<16xf32>,
        %parallel_loop3A_851 = arith.constant 0 : i32
        %parallel_loop3A_852 = arith.constant 0 : i32
        %parallel_loop3A_853 = arith.constant 0 : i32
        %parallel_loop3A_854 = arith.constant 0 : i32
        %parallel_loop3A_855 = tpu.memref_slice %arg7[%parallel_loop3A_682, %parallel_loop3A_851, %parallel_loop3A_852, %parallel_loop3A_853, %parallel_loop3A_854] : memref<2x4x4x10x129xf32, #tpu.memory_space<vmem>> -> memref<1x4x4x10x129xf32, #tpu.memory_space<vmem>>
        %parallel_loop3A_856 = tpu.memref_squeeze %parallel_loop3A_855 : memref<1x4x4x10x129xf32, #tpu.memory_space<vmem>> -> memref<4x4x10x129xf32, #tpu.memory_space<vmem>>
        tpu.vector_store_idx %parallel_loop3A_856[%select_n3A, %add3A_87, %rem3A_68, %parallel_loop3A_771], %parallel_loop3A_850 : memref<4x4x10x129xf32, #tpu.memory_space<vmem>>[vector<16xi32>, vector<16xi32>, vector<16xi32>, vector<16xi32>], vector<16xf32>,
        %parallel_loop3A_857 = arith.constant 1 : i32
        %parallel_loop3A_858 = arith.index_cast %parallel_loop3A_857 : i32 to index
        %parallel_loop3A_859 = arith.index_cast %parallel_loop3A_845 : i32 to index
        %parallel_loop3A_860 = arith.constant 16 : index
        %parallel_loop3A_861 = tpu.vector_load %arg6[%parallel_loop3A_858, %parallel_loop3A_859, %parallel_loop3A_860] {strides = array<i32>} : memref<2x512x32xf32, #tpu.memory_space<vmem>>, vector<16xf32>,
        %parallel_loop3A_862 = arith.constant 0 : i32
        %parallel_loop3A_863 = arith.constant 0 : i32
        %parallel_loop3A_864 = arith.constant 0 : i32
        %parallel_loop3A_865 = arith.constant 0 : i32
        %parallel_loop3A_866 = tpu.memref_slice %arg7[%parallel_loop3A_682, %parallel_loop3A_862, %parallel_loop3A_863, %parallel_loop3A_864, %parallel_loop3A_865] : memref<2x4x4x10x129xf32, #tpu.memory_space<vmem>> -> memref<1x4x4x10x129xf32, #tpu.memory_space<vmem>>
        %parallel_loop3A_867 = tpu.memref_squeeze %parallel_loop3A_866 : memref<1x4x4x10x129xf32, #tpu.memory_space<vmem>> -> memref<4x4x10x129xf32, #tpu.memory_space<vmem>>
        tpu.vector_store_idx %parallel_loop3A_867[%select_n3A_62, %add3A_87, %rem3A_74, %parallel_loop3A_771], %parallel_loop3A_861 : memref<4x4x10x129xf32, #tpu.memory_space<vmem>>[vector<16xi32>, vector<16xi32>, vector<16xi32>, vector<16xi32>], vector<16xf32>,
      } {sc.loop_unroll_factor = 4 : i64, sc.parallel_access}
      %add3A_683 = arith.constant 1 : i32
      %add3A_684 = arith.addi %mul3A_381, %add3A_683 : i32
      %dma_start3A_685 = arith.constant 1 : i32
      %dma_start3A_686 = arith.constant 0 : i32
      %dma_start3A_687 = arith.constant 0 : i32
      %dma_start3A_688 = arith.constant 0 : i32
      %dma_start3A_689 = arith.constant 0 : i32
      %dma_start3A_690 = arith.constant 0 : i32
      %dma_start3A_691 = tpu.memref_slice %arg7[%dma_start3A_685, %dma_start3A_686, %dma_start3A_688, %dma_start3A_689, %dma_start3A_690] : memref<2x4x4x10x129xf32, #tpu.memory_space<vmem>> -> memref<1x1x4x8x128xf32, #tpu.memory_space<vmem>>
      %dma_start3A_692 = tpu.memref_squeeze %dma_start3A_691 : memref<1x1x4x8x128xf32, #tpu.memory_space<vmem>> -> memref<4x8x128xf32, #tpu.memory_space<vmem>>
      %dma_start3A_693 = arith.constant 0 : i32
      %dma_start3A_694 = arith.constant 0 : i32
      %dma_start3A_695 = tpu.memref_slice %arg4[%add3A_684, %dma_start3A_687, %mul3A_2, %dma_start3A_693, %dma_start3A_694] : memref<200x4x128x8x128xf32, #tpu.memory_space<hbm>> -> memref<1x1x4x8x128xf32, #tpu.memory_space<hbm>>
      %dma_start3A_696 = tpu.memref_squeeze %dma_start3A_695 : memref<1x1x4x8x128xf32, #tpu.memory_space<hbm>> -> memref<4x8x128xf32, #tpu.memory_space<hbm>>
      %dma_start3A_697 = arith.constant 0 : i32
      %dma_start3A_698 = arith.constant 0 : i32
      %dma_start3A_699 = tpu.memref_slice %arg4[%add3A_684, %dma_start3A_687, %mul3A_2, %dma_start3A_697, %dma_start3A_698] : memref<200x4x128x8x128xf32, #tpu.memory_space<hbm>> -> memref<1x1x4x8x128xf32, #tpu.memory_space<hbm>>
      %dma_start3A_700 = tpu.memref_squeeze %dma_start3A_699 : memref<1x1x4x8x128xf32, #tpu.memory_space<hbm>> -> memref<4x8x128xf32, #tpu.memory_space<hbm>>
      %dma_start3A_701 = arith.constant 0 : i32
      %dma_start3A_702 = arith.constant 0 : i32
      %dma_start3A_703 = arith.constant 0 : i32
      %dma_start3A_704 = tpu.memref_slice %arg7[%dma_start3A_685, %dma_start3A_686, %dma_start3A_701, %dma_start3A_702, %dma_start3A_703] : memref<2x4x4x10x129xf32, #tpu.memory_space<vmem>> -> memref<1x1x4x8x128xf32, #tpu.memory_space<vmem>>
      %dma_start3A_705 = tpu.memref_squeeze %dma_start3A_704 : memref<1x1x4x8x128xf32, #tpu.memory_space<vmem>> -> memref<4x8x128xf32, #tpu.memory_space<vmem>>
      tpu.enqueue_dma source(%dma_start3A_705 : memref<4x8x128xf32, #tpu.memory_space<vmem>>) target(%dma_start3A_700 : memref<4x8x128xf32, #tpu.memory_space<hbm>>) target_semaphore(%arg11 : memref<!tpu.dma_semaphore, #tpu.memory_space<semaphore_mem>>)
      %dma_start3A_706 = arith.constant 1 : i32
      %dma_start3A_707 = arith.constant 1 : i32
      %dma_start3A_708 = arith.constant 1 : i32
      %dma_start3A_709 = arith.constant 0 : i32
      %dma_start3A_710 = arith.constant 0 : i32
      %dma_start3A_711 = arith.constant 0 : i32
      %dma_start3A_712 = tpu.memref_slice %arg7[%dma_start3A_706, %dma_start3A_707, %dma_start3A_709, %dma_start3A_710, %dma_start3A_711] : memref<2x4x4x10x129xf32, #tpu.memory_space<vmem>> -> memref<1x1x4x8x128xf32, #tpu.memory_space<vmem>>
      %dma_start3A_713 = tpu.memref_squeeze %dma_start3A_712 : memref<1x1x4x8x128xf32, #tpu.memory_space<vmem>> -> memref<4x8x128xf32, #tpu.memory_space<vmem>>
      %dma_start3A_714 = arith.constant 0 : i32
      %dma_start3A_715 = arith.constant 0 : i32
      %dma_start3A_716 = tpu.memref_slice %arg4[%add3A_684, %dma_start3A_708, %mul3A_2, %dma_start3A_714, %dma_start3A_715] : memref<200x4x128x8x128xf32, #tpu.memory_space<hbm>> -> memref<1x1x4x8x128xf32, #tpu.memory_space<hbm>>
      %dma_start3A_717 = tpu.memref_squeeze %dma_start3A_716 : memref<1x1x4x8x128xf32, #tpu.memory_space<hbm>> -> memref<4x8x128xf32, #tpu.memory_space<hbm>>
      %dma_start3A_718 = arith.constant 0 : i32
      %dma_start3A_719 = arith.constant 0 : i32
      %dma_start3A_720 = tpu.memref_slice %arg4[%add3A_684, %dma_start3A_708, %mul3A_2, %dma_start3A_718, %dma_start3A_719] : memref<200x4x128x8x128xf32, #tpu.memory_space<hbm>> -> memref<1x1x4x8x128xf32, #tpu.memory_space<hbm>>
      %dma_start3A_721 = tpu.memref_squeeze %dma_start3A_720 : memref<1x1x4x8x128xf32, #tpu.memory_space<hbm>> -> memref<4x8x128xf32, #tpu.memory_space<hbm>>
      %dma_start3A_722 = arith.constant 0 : i32
      %dma_start3A_723 = arith.constant 0 : i32
      %dma_start3A_724 = arith.constant 0 : i32
      %dma_start3A_725 = tpu.memref_slice %arg7[%dma_start3A_706, %dma_start3A_707, %dma_start3A_722, %dma_start3A_723, %dma_start3A_724] : memref<2x4x4x10x129xf32, #tpu.memory_space<vmem>> -> memref<1x1x4x8x128xf32, #tpu.memory_space<vmem>>
      %dma_start3A_726 = tpu.memref_squeeze %dma_start3A_725 : memref<1x1x4x8x128xf32, #tpu.memory_space<vmem>> -> memref<4x8x128xf32, #tpu.memory_space<vmem>>
      tpu.enqueue_dma source(%dma_start3A_726 : memref<4x8x128xf32, #tpu.memory_space<vmem>>) target(%dma_start3A_721 : memref<4x8x128xf32, #tpu.memory_space<hbm>>) target_semaphore(%arg11 : memref<!tpu.dma_semaphore, #tpu.memory_space<semaphore_mem>>)
      %dma_start3A_727 = arith.constant 1 : i32
      %dma_start3A_728 = arith.constant 2 : i32
      %dma_start3A_729 = arith.constant 2 : i32
      %dma_start3A_730 = arith.constant 0 : i32
      %dma_start3A_731 = arith.constant 0 : i32
      %dma_start3A_732 = arith.constant 0 : i32
      %dma_start3A_733 = tpu.memref_slice %arg7[%dma_start3A_727, %dma_start3A_728, %dma_start3A_730, %dma_start3A_731, %dma_start3A_732] : memref<2x4x4x10x129xf32, #tpu.memory_space<vmem>> -> memref<1x1x4x8x128xf32, #tpu.memory_space<vmem>>
      %dma_start3A_734 = tpu.memref_squeeze %dma_start3A_733 : memref<1x1x4x8x128xf32, #tpu.memory_space<vmem>> -> memref<4x8x128xf32, #tpu.memory_space<vmem>>
      %dma_start3A_735 = arith.constant 0 : i32
      %dma_start3A_736 = arith.constant 0 : i32
      %dma_start3A_737 = tpu.memref_slice %arg4[%add3A_684, %dma_start3A_729, %mul3A_2, %dma_start3A_735, %dma_start3A_736] : memref<200x4x128x8x128xf32, #tpu.memory_space<hbm>> -> memref<1x1x4x8x128xf32, #tpu.memory_space<hbm>>
      %dma_start3A_738 = tpu.memref_squeeze %dma_start3A_737 : memref<1x1x4x8x128xf32, #tpu.memory_space<hbm>> -> memref<4x8x128xf32, #tpu.memory_space<hbm>>
      %dma_start3A_739 = arith.constant 0 : i32
      %dma_start3A_740 = arith.constant 0 : i32
      %dma_start3A_741 = tpu.memref_slice %arg4[%add3A_684, %dma_start3A_729, %mul3A_2, %dma_start3A_739, %dma_start3A_740] : memref<200x4x128x8x128xf32, #tpu.memory_space<hbm>> -> memref<1x1x4x8x128xf32, #tpu.memory_space<hbm>>
      %dma_start3A_742 = tpu.memref_squeeze %dma_start3A_741 : memref<1x1x4x8x128xf32, #tpu.memory_space<hbm>> -> memref<4x8x128xf32, #tpu.memory_space<hbm>>
      %dma_start3A_743 = arith.constant 0 : i32
      %dma_start3A_744 = arith.constant 0 : i32
      %dma_start3A_745 = arith.constant 0 : i32
      %dma_start3A_746 = tpu.memref_slice %arg7[%dma_start3A_727, %dma_start3A_728, %dma_start3A_743, %dma_start3A_744, %dma_start3A_745] : memref<2x4x4x10x129xf32, #tpu.memory_space<vmem>> -> memref<1x1x4x8x128xf32, #tpu.memory_space<vmem>>
      %dma_start3A_747 = tpu.memref_squeeze %dma_start3A_746 : memref<1x1x4x8x128xf32, #tpu.memory_space<vmem>> -> memref<4x8x128xf32, #tpu.memory_space<vmem>>
      tpu.enqueue_dma source(%dma_start3A_747 : memref<4x8x128xf32, #tpu.memory_space<vmem>>) target(%dma_start3A_742 : memref<4x8x128xf32, #tpu.memory_space<hbm>>) target_semaphore(%arg11 : memref<!tpu.dma_semaphore, #tpu.memory_space<semaphore_mem>>)
      %dma_start3A_748 = arith.constant 1 : i32
      %dma_start3A_749 = arith.constant 3 : i32
      %dma_start3A_750 = arith.constant 3 : i32
      %dma_start3A_751 = arith.constant 0 : i32
      %dma_start3A_752 = arith.constant 0 : i32
      %dma_start3A_753 = arith.constant 0 : i32
      %dma_start3A_754 = tpu.memref_slice %arg7[%dma_start3A_748, %dma_start3A_749, %dma_start3A_751, %dma_start3A_752, %dma_start3A_753] : memref<2x4x4x10x129xf32, #tpu.memory_space<vmem>> -> memref<1x1x4x8x128xf32, #tpu.memory_space<vmem>>
      %dma_start3A_755 = tpu.memref_squeeze %dma_start3A_754 : memref<1x1x4x8x128xf32, #tpu.memory_space<vmem>> -> memref<4x8x128xf32, #tpu.memory_space<vmem>>
      %dma_start3A_756 = arith.constant 0 : i32
      %dma_start3A_757 = arith.constant 0 : i32
      %dma_start3A_758 = tpu.memref_slice %arg4[%add3A_684, %dma_start3A_750, %mul3A_2, %dma_start3A_756, %dma_start3A_757] : memref<200x4x128x8x128xf32, #tpu.memory_space<hbm>> -> memref<1x1x4x8x128xf32, #tpu.memory_space<hbm>>
      %dma_start3A_759 = tpu.memref_squeeze %dma_start3A_758 : memref<1x1x4x8x128xf32, #tpu.memory_space<hbm>> -> memref<4x8x128xf32, #tpu.memory_space<hbm>>
      %dma_start3A_760 = arith.constant 0 : i32
      %dma_start3A_761 = arith.constant 0 : i32
      %dma_start3A_762 = tpu.memref_slice %arg4[%add3A_684, %dma_start3A_750, %mul3A_2, %dma_start3A_760, %dma_start3A_761] : memref<200x4x128x8x128xf32, #tpu.memory_space<hbm>> -> memref<1x1x4x8x128xf32, #tpu.memory_space<hbm>>
      %dma_start3A_763 = tpu.memref_squeeze %dma_start3A_762 : memref<1x1x4x8x128xf32, #tpu.memory_space<hbm>> -> memref<4x8x128xf32, #tpu.memory_space<hbm>>
      %dma_start3A_764 = arith.constant 0 : i32
      %dma_start3A_765 = arith.constant 0 : i32
      %dma_start3A_766 = arith.constant 0 : i32
      %dma_start3A_767 = tpu.memref_slice %arg7[%dma_start3A_748, %dma_start3A_749, %dma_start3A_764, %dma_start3A_765, %dma_start3A_766] : memref<2x4x4x10x129xf32, #tpu.memory_space<vmem>> -> memref<1x1x4x8x128xf32, #tpu.memory_space<vmem>>
      %dma_start3A_768 = tpu.memref_squeeze %dma_start3A_767 : memref<1x1x4x8x128xf32, #tpu.memory_space<vmem>> -> memref<4x8x128xf32, #tpu.memory_space<vmem>>
      tpu.enqueue_dma source(%dma_start3A_768 : memref<4x8x128xf32, #tpu.memory_space<vmem>>) target(%dma_start3A_763 : memref<4x8x128xf32, #tpu.memory_space<hbm>>) target_semaphore(%arg11 : memref<!tpu.dma_semaphore, #tpu.memory_space<semaphore_mem>>)
    }
    %scan3A_186 = arith.constant 100 : i32
    %dma_wait3A_187 = arith.constant 0 : i32
    %dma_wait3A_188 = arith.constant 0 : i32
    %dma_wait3A_189 = arith.constant 0 : i32
    %dma_wait3A_190 = arith.constant 0 : i32
    %dma_wait3A_191 = arith.constant 0 : i32
    %dma_wait3A_192 = arith.constant 0 : i32
    %dma_wait3A_193 = arith.constant 0 : i32
    %dma_wait3A_194 = tpu.memref_slice %arg7[%dma_wait3A_187, %dma_wait3A_188, %dma_wait3A_191, %dma_wait3A_192, %dma_wait3A_193] : memref<2x4x4x10x129xf32, #tpu.memory_space<vmem>> -> memref<1x1x4x8x128xf32, #tpu.memory_space<vmem>>
    %dma_wait3A_195 = tpu.memref_squeeze %dma_wait3A_194 : memref<1x1x4x8x128xf32, #tpu.memory_space<vmem>> -> memref<4x8x128xf32, #tpu.memory_space<vmem>>
    %dma_wait3A_196 = arith.constant 0 : i32
    %dma_wait3A_197 = arith.constant 0 : i32
    %dma_wait3A_198 = arith.constant 0 : i32
    %dma_wait3A_199 = tpu.memref_slice %arg4[%dma_wait3A_189, %dma_wait3A_190, %dma_wait3A_196, %dma_wait3A_197, %dma_wait3A_198] : memref<200x4x128x8x128xf32, #tpu.memory_space<hbm>> -> memref<1x1x4x8x128xf32, #tpu.memory_space<hbm>>
    %dma_wait3A_200 = tpu.memref_squeeze %dma_wait3A_199 : memref<1x1x4x8x128xf32, #tpu.memory_space<hbm>> -> memref<4x8x128xf32, #tpu.memory_space<hbm>>
    %dma_wait3A_201 = arith.constant 0 : i32
    %dma_wait3A_202 = arith.constant 0 : i32
    %dma_wait3A_203 = arith.constant 0 : i32
    %dma_wait3A_204 = tpu.memref_slice %arg4[%dma_wait3A_189, %dma_wait3A_190, %dma_wait3A_201, %dma_wait3A_202, %dma_wait3A_203] : memref<200x4x128x8x128xf32, #tpu.memory_space<hbm>> -> memref<1x1x4x8x128xf32, #tpu.memory_space<hbm>>
    %dma_wait3A_205 = tpu.memref_squeeze %dma_wait3A_204 : memref<1x1x4x8x128xf32, #tpu.memory_space<hbm>> -> memref<4x8x128xf32, #tpu.memory_space<hbm>>
    %dma_wait3A_206 = arith.constant 0 : i32
    %dma_wait3A_207 = arith.constant 0 : i32
    %dma_wait3A_208 = arith.constant 0 : i32
    %dma_wait3A_209 = tpu.memref_slice %arg7[%dma_wait3A_187, %dma_wait3A_188, %dma_wait3A_206, %dma_wait3A_207, %dma_wait3A_208] : memref<2x4x4x10x129xf32, #tpu.memory_space<vmem>> -> memref<1x1x4x8x128xf32, #tpu.memory_space<vmem>>
    %dma_wait3A_210 = tpu.memref_squeeze %dma_wait3A_209 : memref<1x1x4x8x128xf32, #tpu.memory_space<vmem>> -> memref<4x8x128xf32, #tpu.memory_space<vmem>>
    tpu.wait_dma2 semaphore(%arg11 : memref<!tpu.dma_semaphore, #tpu.memory_space<semaphore_mem>>) src(%dma_wait3A_210 : memref<4x8x128xf32, #tpu.memory_space<vmem>>) dst(%dma_wait3A_205 : memref<4x8x128xf32, #tpu.memory_space<hbm>>)
    %dma_wait3A_211 = arith.constant 0 : i32
    %dma_wait3A_212 = arith.constant 0 : i32
    %dma_wait3A_213 = arith.constant 0 : i32
    %dma_wait3A_214 = arith.constant 0 : i32
    %dma_wait3A_215 = arith.constant 0 : i32
    %dma_wait3A_216 = arith.constant 0 : i32
    %dma_wait3A_217 = arith.constant 0 : i32
    %dma_wait3A_218 = tpu.memref_slice %arg7[%dma_wait3A_211, %dma_wait3A_212, %dma_wait3A_215, %dma_wait3A_216, %dma_wait3A_217] : memref<2x4x4x10x129xf32, #tpu.memory_space<vmem>> -> memref<1x1x4x8x128xf32, #tpu.memory_space<vmem>>
    %dma_wait3A_219 = tpu.memref_squeeze %dma_wait3A_218 : memref<1x1x4x8x128xf32, #tpu.memory_space<vmem>> -> memref<4x8x128xf32, #tpu.memory_space<vmem>>
    %dma_wait3A_220 = arith.constant 0 : i32
    %dma_wait3A_221 = arith.constant 0 : i32
    %dma_wait3A_222 = arith.constant 0 : i32
    %dma_wait3A_223 = tpu.memref_slice %arg4[%dma_wait3A_213, %dma_wait3A_214, %dma_wait3A_220, %dma_wait3A_221, %dma_wait3A_222] : memref<200x4x128x8x128xf32, #tpu.memory_space<hbm>> -> memref<1x1x4x8x128xf32, #tpu.memory_space<hbm>>
    %dma_wait3A_224 = tpu.memref_squeeze %dma_wait3A_223 : memref<1x1x4x8x128xf32, #tpu.memory_space<hbm>> -> memref<4x8x128xf32, #tpu.memory_space<hbm>>
    %dma_wait3A_225 = arith.constant 0 : i32
    %dma_wait3A_226 = arith.constant 0 : i32
    %dma_wait3A_227 = arith.constant 0 : i32
    %dma_wait3A_228 = tpu.memref_slice %arg4[%dma_wait3A_213, %dma_wait3A_214, %dma_wait3A_225, %dma_wait3A_226, %dma_wait3A_227] : memref<200x4x128x8x128xf32, #tpu.memory_space<hbm>> -> memref<1x1x4x8x128xf32, #tpu.memory_space<hbm>>
    %dma_wait3A_229 = tpu.memref_squeeze %dma_wait3A_228 : memref<1x1x4x8x128xf32, #tpu.memory_space<hbm>> -> memref<4x8x128xf32, #tpu.memory_space<hbm>>
    %dma_wait3A_230 = arith.constant 0 : i32
    %dma_wait3A_231 = arith.constant 0 : i32
    %dma_wait3A_232 = arith.constant 0 : i32
    %dma_wait3A_233 = tpu.memref_slice %arg7[%dma_wait3A_211, %dma_wait3A_212, %dma_wait3A_230, %dma_wait3A_231, %dma_wait3A_232] : memref<2x4x4x10x129xf32, #tpu.memory_space<vmem>> -> memref<1x1x4x8x128xf32, #tpu.memory_space<vmem>>
    %dma_wait3A_234 = tpu.memref_squeeze %dma_wait3A_233 : memref<1x1x4x8x128xf32, #tpu.memory_space<vmem>> -> memref<4x8x128xf32, #tpu.memory_space<vmem>>
    tpu.wait_dma2 semaphore(%arg11 : memref<!tpu.dma_semaphore, #tpu.memory_space<semaphore_mem>>) src(%dma_wait3A_234 : memref<4x8x128xf32, #tpu.memory_space<vmem>>) dst(%dma_wait3A_229 : memref<4x8x128xf32, #tpu.memory_space<hbm>>)
    %dma_wait3A_235 = arith.constant 0 : i32
    %dma_wait3A_236 = arith.constant 0 : i32
    %dma_wait3A_237 = arith.constant 0 : i32
    %dma_wait3A_238 = arith.constant 0 : i32
    %dma_wait3A_239 = arith.constant 0 : i32
    %dma_wait3A_240 = arith.constant 0 : i32
    %dma_wait3A_241 = arith.constant 0 : i32
    %dma_wait3A_242 = tpu.memref_slice %arg7[%dma_wait3A_235, %dma_wait3A_236, %dma_wait3A_239, %dma_wait3A_240, %dma_wait3A_241] : memref<2x4x4x10x129xf32, #tpu.memory_space<vmem>> -> memref<1x1x4x8x128xf32, #tpu.memory_space<vmem>>
    %dma_wait3A_243 = tpu.memref_squeeze %dma_wait3A_242 : memref<1x1x4x8x128xf32, #tpu.memory_space<vmem>> -> memref<4x8x128xf32, #tpu.memory_space<vmem>>
    %dma_wait3A_244 = arith.constant 0 : i32
    %dma_wait3A_245 = arith.constant 0 : i32
    %dma_wait3A_246 = arith.constant 0 : i32
    %dma_wait3A_247 = tpu.memref_slice %arg4[%dma_wait3A_237, %dma_wait3A_238, %dma_wait3A_244, %dma_wait3A_245, %dma_wait3A_246] : memref<200x4x128x8x128xf32, #tpu.memory_space<hbm>> -> memref<1x1x4x8x128xf32, #tpu.memory_space<hbm>>
    %dma_wait3A_248 = tpu.memref_squeeze %dma_wait3A_247 : memref<1x1x4x8x128xf32, #tpu.memory_space<hbm>> -> memref<4x8x128xf32, #tpu.memory_space<hbm>>
    %dma_wait3A_249 = arith.constant 0 : i32
    %dma_wait3A_250 = arith.constant 0 : i32
    %dma_wait3A_251 = arith.constant 0 : i32
    %dma_wait3A_252 = tpu.memref_slice %arg4[%dma_wait3A_237, %dma_wait3A_238, %dma_wait3A_249, %dma_wait3A_250, %dma_wait3A_251] : memref<200x4x128x8x128xf32, #tpu.memory_space<hbm>> -> memref<1x1x4x8x128xf32, #tpu.memory_space<hbm>>
    %dma_wait3A_253 = tpu.memref_squeeze %dma_wait3A_252 : memref<1x1x4x8x128xf32, #tpu.memory_space<hbm>> -> memref<4x8x128xf32, #tpu.memory_space<hbm>>
    %dma_wait3A_254 = arith.constant 0 : i32
    %dma_wait3A_255 = arith.constant 0 : i32
    %dma_wait3A_256 = arith.constant 0 : i32
    %dma_wait3A_257 = tpu.memref_slice %arg7[%dma_wait3A_235, %dma_wait3A_236, %dma_wait3A_254, %dma_wait3A_255, %dma_wait3A_256] : memref<2x4x4x10x129xf32, #tpu.memory_space<vmem>> -> memref<1x1x4x8x128xf32, #tpu.memory_space<vmem>>
    %dma_wait3A_258 = tpu.memref_squeeze %dma_wait3A_257 : memref<1x1x4x8x128xf32, #tpu.memory_space<vmem>> -> memref<4x8x128xf32, #tpu.memory_space<vmem>>
    tpu.wait_dma2 semaphore(%arg11 : memref<!tpu.dma_semaphore, #tpu.memory_space<semaphore_mem>>) src(%dma_wait3A_258 : memref<4x8x128xf32, #tpu.memory_space<vmem>>) dst(%dma_wait3A_253 : memref<4x8x128xf32, #tpu.memory_space<hbm>>)
    %dma_wait3A_259 = arith.constant 0 : i32
    %dma_wait3A_260 = arith.constant 0 : i32
    %dma_wait3A_261 = arith.constant 0 : i32
    %dma_wait3A_262 = arith.constant 0 : i32
    %dma_wait3A_263 = arith.constant 0 : i32
    %dma_wait3A_264 = arith.constant 0 : i32
    %dma_wait3A_265 = arith.constant 0 : i32
    %dma_wait3A_266 = tpu.memref_slice %arg7[%dma_wait3A_259, %dma_wait3A_260, %dma_wait3A_263, %dma_wait3A_264, %dma_wait3A_265] : memref<2x4x4x10x129xf32, #tpu.memory_space<vmem>> -> memref<1x1x4x8x128xf32, #tpu.memory_space<vmem>>
    %dma_wait3A_267 = tpu.memref_squeeze %dma_wait3A_266 : memref<1x1x4x8x128xf32, #tpu.memory_space<vmem>> -> memref<4x8x128xf32, #tpu.memory_space<vmem>>
    %dma_wait3A_268 = arith.constant 0 : i32
    %dma_wait3A_269 = arith.constant 0 : i32
    %dma_wait3A_270 = arith.constant 0 : i32
    %dma_wait3A_271 = tpu.memref_slice %arg4[%dma_wait3A_261, %dma_wait3A_262, %dma_wait3A_268, %dma_wait3A_269, %dma_wait3A_270] : memref<200x4x128x8x128xf32, #tpu.memory_space<hbm>> -> memref<1x1x4x8x128xf32, #tpu.memory_space<hbm>>
    %dma_wait3A_272 = tpu.memref_squeeze %dma_wait3A_271 : memref<1x1x4x8x128xf32, #tpu.memory_space<hbm>> -> memref<4x8x128xf32, #tpu.memory_space<hbm>>
    %dma_wait3A_273 = arith.constant 0 : i32
    %dma_wait3A_274 = arith.constant 0 : i32
    %dma_wait3A_275 = arith.constant 0 : i32
    %dma_wait3A_276 = tpu.memref_slice %arg4[%dma_wait3A_261, %dma_wait3A_262, %dma_wait3A_273, %dma_wait3A_274, %dma_wait3A_275] : memref<200x4x128x8x128xf32, #tpu.memory_space<hbm>> -> memref<1x1x4x8x128xf32, #tpu.memory_space<hbm>>
    %dma_wait3A_277 = tpu.memref_squeeze %dma_wait3A_276 : memref<1x1x4x8x128xf32, #tpu.memory_space<hbm>> -> memref<4x8x128xf32, #tpu.memory_space<hbm>>
    %dma_wait3A_278 = arith.constant 0 : i32
    %dma_wait3A_279 = arith.constant 0 : i32
    %dma_wait3A_280 = arith.constant 0 : i32
    %dma_wait3A_281 = tpu.memref_slice %arg7[%dma_wait3A_259, %dma_wait3A_260, %dma_wait3A_278, %dma_wait3A_279, %dma_wait3A_280] : memref<2x4x4x10x129xf32, #tpu.memory_space<vmem>> -> memref<1x1x4x8x128xf32, #tpu.memory_space<vmem>>
    %dma_wait3A_282 = tpu.memref_squeeze %dma_wait3A_281 : memref<1x1x4x8x128xf32, #tpu.memory_space<vmem>> -> memref<4x8x128xf32, #tpu.memory_space<vmem>>
    tpu.wait_dma2 semaphore(%arg11 : memref<!tpu.dma_semaphore, #tpu.memory_space<semaphore_mem>>) src(%dma_wait3A_282 : memref<4x8x128xf32, #tpu.memory_space<vmem>>) dst(%dma_wait3A_277 : memref<4x8x128xf32, #tpu.memory_space<hbm>>)
    %dma_wait3A_283 = arith.constant 0 : i32
    %dma_wait3A_284 = arith.constant 0 : i32
    %dma_wait3A_285 = arith.constant 0 : i32
    %dma_wait3A_286 = arith.constant 0 : i32
    %dma_wait3A_287 = arith.constant 0 : i32
    %dma_wait3A_288 = arith.constant 0 : i32
    %dma_wait3A_289 = arith.constant 0 : i32
    %dma_wait3A_290 = tpu.memref_slice %arg7[%dma_wait3A_283, %dma_wait3A_284, %dma_wait3A_287, %dma_wait3A_288, %dma_wait3A_289] : memref<2x4x4x10x129xf32, #tpu.memory_space<vmem>> -> memref<1x1x4x8x128xf32, #tpu.memory_space<vmem>>
    %dma_wait3A_291 = tpu.memref_squeeze %dma_wait3A_290 : memref<1x1x4x8x128xf32, #tpu.memory_space<vmem>> -> memref<4x8x128xf32, #tpu.memory_space<vmem>>
    %dma_wait3A_292 = arith.constant 0 : i32
    %dma_wait3A_293 = arith.constant 0 : i32
    %dma_wait3A_294 = arith.constant 0 : i32
    %dma_wait3A_295 = tpu.memref_slice %arg4[%dma_wait3A_285, %dma_wait3A_286, %dma_wait3A_292, %dma_wait3A_293, %dma_wait3A_294] : memref<200x4x128x8x128xf32, #tpu.memory_space<hbm>> -> memref<1x1x4x8x128xf32, #tpu.memory_space<hbm>>
    %dma_wait3A_296 = tpu.memref_squeeze %dma_wait3A_295 : memref<1x1x4x8x128xf32, #tpu.memory_space<hbm>> -> memref<4x8x128xf32, #tpu.memory_space<hbm>>
    %dma_wait3A_297 = arith.constant 0 : i32
    %dma_wait3A_298 = arith.constant 0 : i32
    %dma_wait3A_299 = arith.constant 0 : i32
    %dma_wait3A_300 = tpu.memref_slice %arg4[%dma_wait3A_285, %dma_wait3A_286, %dma_wait3A_297, %dma_wait3A_298, %dma_wait3A_299] : memref<200x4x128x8x128xf32, #tpu.memory_space<hbm>> -> memref<1x1x4x8x128xf32, #tpu.memory_space<hbm>>
    %dma_wait3A_301 = tpu.memref_squeeze %dma_wait3A_300 : memref<1x1x4x8x128xf32, #tpu.memory_space<hbm>> -> memref<4x8x128xf32, #tpu.memory_space<hbm>>
    %dma_wait3A_302 = arith.constant 0 : i32
    %dma_wait3A_303 = arith.constant 0 : i32
    %dma_wait3A_304 = arith.constant 0 : i32
    %dma_wait3A_305 = tpu.memref_slice %arg7[%dma_wait3A_283, %dma_wait3A_284, %dma_wait3A_302, %dma_wait3A_303, %dma_wait3A_304] : memref<2x4x4x10x129xf32, #tpu.memory_space<vmem>> -> memref<1x1x4x8x128xf32, #tpu.memory_space<vmem>>
    %dma_wait3A_306 = tpu.memref_squeeze %dma_wait3A_305 : memref<1x1x4x8x128xf32, #tpu.memory_space<vmem>> -> memref<4x8x128xf32, #tpu.memory_space<vmem>>
    tpu.wait_dma2 semaphore(%arg11 : memref<!tpu.dma_semaphore, #tpu.memory_space<semaphore_mem>>) src(%dma_wait3A_306 : memref<4x8x128xf32, #tpu.memory_space<vmem>>) dst(%dma_wait3A_301 : memref<4x8x128xf32, #tpu.memory_space<hbm>>)
    %dma_wait3A_307 = arith.constant 0 : i32
    %dma_wait3A_308 = arith.constant 0 : i32
    %dma_wait3A_309 = arith.constant 0 : i32
    %dma_wait3A_310 = arith.constant 0 : i32
    %dma_wait3A_311 = arith.constant 0 : i32
    %dma_wait3A_312 = arith.constant 0 : i32
    %dma_wait3A_313 = arith.constant 0 : i32
    %dma_wait3A_314 = tpu.memref_slice %arg7[%dma_wait3A_307, %dma_wait3A_308, %dma_wait3A_311, %dma_wait3A_312, %dma_wait3A_313] : memref<2x4x4x10x129xf32, #tpu.memory_space<vmem>> -> memref<1x1x4x8x128xf32, #tpu.memory_space<vmem>>
    %dma_wait3A_315 = tpu.memref_squeeze %dma_wait3A_314 : memref<1x1x4x8x128xf32, #tpu.memory_space<vmem>> -> memref<4x8x128xf32, #tpu.memory_space<vmem>>
    %dma_wait3A_316 = arith.constant 0 : i32
    %dma_wait3A_317 = arith.constant 0 : i32
    %dma_wait3A_318 = arith.constant 0 : i32
    %dma_wait3A_319 = tpu.memref_slice %arg4[%dma_wait3A_309, %dma_wait3A_310, %dma_wait3A_316, %dma_wait3A_317, %dma_wait3A_318] : memref<200x4x128x8x128xf32, #tpu.memory_space<hbm>> -> memref<1x1x4x8x128xf32, #tpu.memory_space<hbm>>
    %dma_wait3A_320 = tpu.memref_squeeze %dma_wait3A_319 : memref<1x1x4x8x128xf32, #tpu.memory_space<hbm>> -> memref<4x8x128xf32, #tpu.memory_space<hbm>>
    %dma_wait3A_321 = arith.constant 0 : i32
    %dma_wait3A_322 = arith.constant 0 : i32
    %dma_wait3A_323 = arith.constant 0 : i32
    %dma_wait3A_324 = tpu.memref_slice %arg4[%dma_wait3A_309, %dma_wait3A_310, %dma_wait3A_321, %dma_wait3A_322, %dma_wait3A_323] : memref<200x4x128x8x128xf32, #tpu.memory_space<hbm>> -> memref<1x1x4x8x128xf32, #tpu.memory_space<hbm>>
    %dma_wait3A_325 = tpu.memref_squeeze %dma_wait3A_324 : memref<1x1x4x8x128xf32, #tpu.memory_space<hbm>> -> memref<4x8x128xf32, #tpu.memory_space<hbm>>
    %dma_wait3A_326 = arith.constant 0 : i32
    %dma_wait3A_327 = arith.constant 0 : i32
    %dma_wait3A_328 = arith.constant 0 : i32
    %dma_wait3A_329 = tpu.memref_slice %arg7[%dma_wait3A_307, %dma_wait3A_308, %dma_wait3A_326, %dma_wait3A_327, %dma_wait3A_328] : memref<2x4x4x10x129xf32, #tpu.memory_space<vmem>> -> memref<1x1x4x8x128xf32, #tpu.memory_space<vmem>>
    %dma_wait3A_330 = tpu.memref_squeeze %dma_wait3A_329 : memref<1x1x4x8x128xf32, #tpu.memory_space<vmem>> -> memref<4x8x128xf32, #tpu.memory_space<vmem>>
    tpu.wait_dma2 semaphore(%arg11 : memref<!tpu.dma_semaphore, #tpu.memory_space<semaphore_mem>>) src(%dma_wait3A_330 : memref<4x8x128xf32, #tpu.memory_space<vmem>>) dst(%dma_wait3A_325 : memref<4x8x128xf32, #tpu.memory_space<hbm>>)
    %dma_wait3A_331 = arith.constant 0 : i32
    %dma_wait3A_332 = arith.constant 0 : i32
    %dma_wait3A_333 = arith.constant 0 : i32
    %dma_wait3A_334 = arith.constant 0 : i32
    %dma_wait3A_335 = arith.constant 0 : i32
    %dma_wait3A_336 = arith.constant 0 : i32
    %dma_wait3A_337 = arith.constant 0 : i32
    %dma_wait3A_338 = tpu.memref_slice %arg7[%dma_wait3A_331, %dma_wait3A_332, %dma_wait3A_335, %dma_wait3A_336, %dma_wait3A_337] : memref<2x4x4x10x129xf32, #tpu.memory_space<vmem>> -> memref<1x1x4x8x128xf32, #tpu.memory_space<vmem>>
    %dma_wait3A_339 = tpu.memref_squeeze %dma_wait3A_338 : memref<1x1x4x8x128xf32, #tpu.memory_space<vmem>> -> memref<4x8x128xf32, #tpu.memory_space<vmem>>
    %dma_wait3A_340 = arith.constant 0 : i32
    %dma_wait3A_341 = arith.constant 0 : i32
    %dma_wait3A_342 = arith.constant 0 : i32
    %dma_wait3A_343 = tpu.memref_slice %arg4[%dma_wait3A_333, %dma_wait3A_334, %dma_wait3A_340, %dma_wait3A_341, %dma_wait3A_342] : memref<200x4x128x8x128xf32, #tpu.memory_space<hbm>> -> memref<1x1x4x8x128xf32, #tpu.memory_space<hbm>>
    %dma_wait3A_344 = tpu.memref_squeeze %dma_wait3A_343 : memref<1x1x4x8x128xf32, #tpu.memory_space<hbm>> -> memref<4x8x128xf32, #tpu.memory_space<hbm>>
    %dma_wait3A_345 = arith.constant 0 : i32
    %dma_wait3A_346 = arith.constant 0 : i32
    %dma_wait3A_347 = arith.constant 0 : i32
    %dma_wait3A_348 = tpu.memref_slice %arg4[%dma_wait3A_333, %dma_wait3A_334, %dma_wait3A_345, %dma_wait3A_346, %dma_wait3A_347] : memref<200x4x128x8x128xf32, #tpu.memory_space<hbm>> -> memref<1x1x4x8x128xf32, #tpu.memory_space<hbm>>
    %dma_wait3A_349 = tpu.memref_squeeze %dma_wait3A_348 : memref<1x1x4x8x128xf32, #tpu.memory_space<hbm>> -> memref<4x8x128xf32, #tpu.memory_space<hbm>>
    %dma_wait3A_350 = arith.constant 0 : i32
    %dma_wait3A_351 = arith.constant 0 : i32
    %dma_wait3A_352 = arith.constant 0 : i32
    %dma_wait3A_353 = tpu.memref_slice %arg7[%dma_wait3A_331, %dma_wait3A_332, %dma_wait3A_350, %dma_wait3A_351, %dma_wait3A_352] : memref<2x4x4x10x129xf32, #tpu.memory_space<vmem>> -> memref<1x1x4x8x128xf32, #tpu.memory_space<vmem>>
    %dma_wait3A_354 = tpu.memref_squeeze %dma_wait3A_353 : memref<1x1x4x8x128xf32, #tpu.memory_space<vmem>> -> memref<4x8x128xf32, #tpu.memory_space<vmem>>
    tpu.wait_dma2 semaphore(%arg11 : memref<!tpu.dma_semaphore, #tpu.memory_space<semaphore_mem>>) src(%dma_wait3A_354 : memref<4x8x128xf32, #tpu.memory_space<vmem>>) dst(%dma_wait3A_349 : memref<4x8x128xf32, #tpu.memory_space<hbm>>)
    %dma_wait3A_355 = arith.constant 0 : i32
    %dma_wait3A_356 = arith.constant 0 : i32
    %dma_wait3A_357 = arith.constant 0 : i32
    %dma_wait3A_358 = arith.constant 0 : i32
    %dma_wait3A_359 = arith.constant 0 : i32
    %dma_wait3A_360 = arith.constant 0 : i32
    %dma_wait3A_361 = arith.constant 0 : i32
    %dma_wait3A_362 = tpu.memref_slice %arg7[%dma_wait3A_355, %dma_wait3A_356, %dma_wait3A_359, %dma_wait3A_360, %dma_wait3A_361] : memref<2x4x4x10x129xf32, #tpu.memory_space<vmem>> -> memref<1x1x4x8x128xf32, #tpu.memory_space<vmem>>
    %dma_wait3A_363 = tpu.memref_squeeze %dma_wait3A_362 : memref<1x1x4x8x128xf32, #tpu.memory_space<vmem>> -> memref<4x8x128xf32, #tpu.memory_space<vmem>>
    %dma_wait3A_364 = arith.constant 0 : i32
    %dma_wait3A_365 = arith.constant 0 : i32
    %dma_wait3A_366 = arith.constant 0 : i32
    %dma_wait3A_367 = tpu.memref_slice %arg4[%dma_wait3A_357, %dma_wait3A_358, %dma_wait3A_364, %dma_wait3A_365, %dma_wait3A_366] : memref<200x4x128x8x128xf32, #tpu.memory_space<hbm>> -> memref<1x1x4x8x128xf32, #tpu.memory_space<hbm>>
    %dma_wait3A_368 = tpu.memref_squeeze %dma_wait3A_367 : memref<1x1x4x8x128xf32, #tpu.memory_space<hbm>> -> memref<4x8x128xf32, #tpu.memory_space<hbm>>
    %dma_wait3A_369 = arith.constant 0 : i32
    %dma_wait3A_370 = arith.constant 0 : i32
    %dma_wait3A_371 = arith.constant 0 : i32
    %dma_wait3A_372 = tpu.memref_slice %arg4[%dma_wait3A_357, %dma_wait3A_358, %dma_wait3A_369, %dma_wait3A_370, %dma_wait3A_371] : memref<200x4x128x8x128xf32, #tpu.memory_space<hbm>> -> memref<1x1x4x8x128xf32, #tpu.memory_space<hbm>>
    %dma_wait3A_373 = tpu.memref_squeeze %dma_wait3A_372 : memref<1x1x4x8x128xf32, #tpu.memory_space<hbm>> -> memref<4x8x128xf32, #tpu.memory_space<hbm>>
    %dma_wait3A_374 = arith.constant 0 : i32
    %dma_wait3A_375 = arith.constant 0 : i32
    %dma_wait3A_376 = arith.constant 0 : i32
    %dma_wait3A_377 = tpu.memref_slice %arg7[%dma_wait3A_355, %dma_wait3A_356, %dma_wait3A_374, %dma_wait3A_375, %dma_wait3A_376] : memref<2x4x4x10x129xf32, #tpu.memory_space<vmem>> -> memref<1x1x4x8x128xf32, #tpu.memory_space<vmem>>
    %dma_wait3A_378 = tpu.memref_squeeze %dma_wait3A_377 : memref<1x1x4x8x128xf32, #tpu.memory_space<vmem>> -> memref<4x8x128xf32, #tpu.memory_space<vmem>>
    tpu.wait_dma2 semaphore(%arg11 : memref<!tpu.dma_semaphore, #tpu.memory_space<semaphore_mem>>) src(%dma_wait3A_378 : memref<4x8x128xf32, #tpu.memory_space<vmem>>) dst(%dma_wait3A_373 : memref<4x8x128xf32, #tpu.memory_space<hbm>>)
    return
  }
}

</mosaic_0001>

<sc_bundles>
// kernel: kernel.3.cloned.1.call-start
scs
__scs_entry_jumppad:
0x0: {  	(pc) =	sbr.rel $0x88, $3  }
0x1: {  	(tag) =	ssettag $0x0;
	lr =	simm.s32 $0x1  }
0x2: {  	[smem:$0x3F9F] =	sst lr;
	_ =	strace $0xD0000000  }
0x3: {  	_ = 	snop  }
0x4: {  	_ = 	snop  }
0x5: {  	_ = 	snop  }
0x6: {  	_ = 	snop  }
0x7: {  	_ = 	snop  }
__scs_overlays_trampoline_lowered:
0x8: {  	[smem:$0x3FAE] =	sst s0  }
0x9: {  	[smem:$0x3FAF] =	sst s1  }
0xa: {  	[smem:$0x3FB0] =	sst s2  }
0xb: {  	[smem:$0x3FB1] =	sst s3  }
0xc: {  	[smem:$0x3FB2] =	sst s4  }
0xd: {  	[smem:$0x3FB3] =	sst s5  }
0xe: {  	[smem:$0x3FB4] =	sst s6  }
0xf: {  	[smem:$0x3FB5] =	sst s7  }
0x10: {  	[smem:$0x3FB6] =	sst s8  }
0x11: {  	[smem:$0x3FB7] =	sst s9;
	s0 =	simm.s32 @!p0 $0x0  }
0x12: {  	s1 =	sld [smem:$0x3F9D];
	s0 =	simm.s32 @p0 $0x1  }
0x13: {  	[smem:$0x3FB8] =	sst s0;
	s0 =	simm.s32 @!p1 $0x0  }
0x14: {  	s2 =	sld [smem:$0x3F9C];
	s0 =	simm.s32 @p1 $0x1  }
0x15: {  	[smem:$0x3FB9] =	sst s0;
	s0 =	simm.s32 @!p2 $0x0  }
0x16: {  	s3 =	sld [smem:$0x3FDB];
	s0 =	simm.s32 @p2 $0x1  }
0x17: {  	s4 =	simm.s32 $0x1BF5;
	[smem:$0x3FBB] =	sst s0  }
0x18: {  	s0 =	sld [smem:$0x3F9E];
	_ =	swait.ge [sflag:s4], $0x0  }
0x19: {  	s7 =	sld [smem:$0x3F9F]  }
0x1a: {  	s8 =	sadd.s32 $0xFFFFE003, lr  }
0x1b: {  	s9 =	sadd.s32 $0xFFFFFEF7, lr;
	s5 =	simm.s32 $0xFFFFFFFF;
	p2 =	slt.u32 s8, $0xFFFFF086  }
0x1c: {  	p1 =	slt.u32 s9, $0xF7A;
	s5 =	simm.s32 @!p2 $0x0  }
0x1d: {  	s5 =	simm.s32 @p1 $0x1;
	p0 =	seq.s32 s7, s2  }
0x1e: {  	s7 =	smul.u32 @!p0 $0xF7A, s2;
	p2 =	seq.s32 @!p0 s5, $0x0  }
0x1f: {  	s9 =	smul.u32 $0xF7A, s1;
	s8 =	simm.s32 @!p0 $0x1BF5;
	p2 =	por !p2, p0  }
0x20: {  	[sflag:s8] =	ssyncset.s32 @!p0 $0xFFFFF086;
	s6 =	sadd.s32 @!p0 s3, s7;
	s7 =	simm.s32 @!p0 $0x108  }
0x21: {  	s3 =	sadd.s32 s3, s9;
	s6 =	sadd.s32 @!p0 $0x88, s6;
	s7 =	simm.s32 @p2 $0x1082  }
0x22: {  	[simem:s7], [sflag:s8] =	dma.local @!p0 [hbm:s6], $0xF7A  }
0x23: {  	s9 =	sor.u32 $0xD0000000, s2;
	s6 =	simm.s32 $0x108;
	_ =	swait.ge @!p0 [sflag:s8], $0x0  }
0x24: {  	s3 =	sadd.s32 $0x88, s3;
	s6 =	simm.s32 @!p1 $0x1082;
	[sflag:s4] =	ssyncset.s32 $0xFFFFF086  }
0x25: {  	[simem:s6], [sflag:s4] =	dma.local [hbm:s3], $0xF7A  }
0x26: {  	[smem:$0x3F9F] =	sst s1;
	(tag) =	ssettag s2;
	_ =	strace s9  }
0x27: {  	s1 =	sld [smem:$0x3FAF]  }
0x28: {  	s2 =	sld [smem:$0x3FB0]  }
0x29: {  	s4 =	sld [smem:$0x3FB2]  }
0x2a: {  	p0 =	seq.s32 s5, $0x0;
	s5 =	sld [smem:$0x3FB3]  }
0x2b: {  	s6 =	sld [smem:$0x3FB4]  }
0x2c: {  	s7 =	sld [smem:$0x3FB5]  }
0x2d: {  	s3 =	simm.s32 $0x108;
	s8 =	sld [smem:$0x3FB6]  }
0x2e: {  	s3 =	simm.s32 @!p0 $0x1082;
	s9 =	sld [smem:$0x3FB7]  }
0x2f: {  	lr =	sadd.s32 s0, s3;
	s0 =	sld [smem:$0x3FAE]  }
0x30: {  	s3 =	sld [smem:$0x3FB1]  }
0x31: {  	[smem:$0x3FBA] =	sst s10  }
0x32: {  	s10 =	sld [smem:$0x3FB8];
	_ =	sdelay $0x3  }
0x33: {  	p0 =	seq.s32 s10, $0x1;
	s10 =	sld [smem:$0x3FBA];
	_ =	sdelay $0x3  }
0x34: {  	[smem:$0x3FBA] =	sst s10  }
0x35: {  	s10 =	sld [smem:$0x3FB9];
	_ =	sdelay $0x3  }
0x36: {  	p1 =	seq.s32 s10, $0x1;
	s10 =	sld [smem:$0x3FBA];
	_ =	sdelay $0x3  }
0x37: {  	[smem:$0x3FBA] =	sst s10  }
0x38: {  	s10 =	sld [smem:$0x3FBB]  }
0x39: {  	_ = 	snop;
	(pc) =	sbr.ind lr, $3  }
0x3a: {  	_ = 	snop  }
0x3b: {  	_ = 	snop  }
0x3c: {  	p2 =	seq.s32 s10, $0x1;
	s10 =	sld [smem:$0x3FBA]  }
0x3d: {  	_ =	shalt  }
0x3e: {  	_ =	shalt  }
0x3f: {  	_ =	shalt  }
0x40: {  	_ =	shalt  }
0x41: {  	_ =	shalt  }
0x42: {  	_ =	shalt  }
0x43: {  	_ =	shalt  }
0x44: {  	_ =	shalt  }
0x45: {  	_ =	shalt  }
0x46: {  	_ =	shalt  }
0x47: {  	_ =	shalt  }
0x48: {  	_ =	shalt  }
0x49: {  	_ =	shalt  }
0x4a: {  	_ =	shalt  }
0x4b: {  	_ =	shalt  }
0x4c: {  	_ =	shalt  }
0x4d: {  	_ =	shalt  }
0x4e: {  	_ =	shalt  }
0x4f: {  	_ =	shalt  }
0x50: {  	_ =	shalt  }
0x51: {  	_ =	shalt  }
0x52: {  	_ =	shalt  }
0x53: {  	_ =	shalt  }
0x54: {  	_ =	shalt  }
0x55: {  	_ =	shalt  }
0x56: {  	_ =	shalt  }
0x57: {  	_ =	shalt  }
0x58: {  	_ =	shalt  }
0x59: {  	_ =	shalt  }
0x5a: {  	_ =	shalt  }
0x5b: {  	_ =	shalt  }
0x5c: {  	_ =	shalt  }
0x5d: {  	_ =	shalt  }
0x5e: {  	_ =	shalt  }
0x5f: {  	_ =	shalt  }
0x60: {  	_ =	shalt  }
0x61: {  	_ =	shalt  }
0x62: {  	_ =	shalt  }
0x63: {  	_ =	shalt  }
0x64: {  	_ =	shalt  }
0x65: {  	_ =	shalt  }
0x66: {  	_ =	shalt  }
0x67: {  	_ =	shalt  }
0x68: {  	_ =	shalt  }
0x69: {  	_ =	shalt  }
0x6a: {  	_ =	shalt  }
0x6b: {  	_ =	shalt  }
0x6c: {  	_ =	shalt  }
0x6d: {  	_ =	shalt  }
0x6e: {  	_ =	shalt  }
0x6f: {  	_ =	shalt  }
0x70: {  	_ =	shalt  }
0x71: {  	_ =	shalt  }
0x72: {  	_ =	shalt  }
0x73: {  	_ =	shalt  }
0x74: {  	_ =	shalt  }
0x75: {  	_ =	shalt  }
0x76: {  	_ =	shalt  }
0x77: {  	_ =	shalt  }
0x78: {  	_ =	shalt  }
0x79: {  	_ =	shalt  }
0x7a: {  	_ =	shalt  }
0x7b: {  	_ =	shalt  }
0x7c: {  	_ =	shalt  }
0x7d: {  	_ =	shalt  }
0x7e: {  	_ =	shalt  }
0x7f: {  	_ =	shalt  }
0x80: {  	_ =	shalt  }
0x81: {  	_ =	shalt  }
0x82: {  	_ =	shalt  }
0x83: {  	_ =	shalt  }
0x84: {  	_ =	shalt  }
0x85: {  	_ =	shalt  }
0x86: {  	_ =	shalt  }
0x87: {  	_ =	shalt  }
.Lfunc_end0:
.L_simem_size_0:
called_computation_lowered:
.L_overlay_start_0:
0x88: {  	s2 =	sld [smem:$0x3FD9]  }
0x89: {  	s3 =	sld [smem:$0x3FFE];
	_ =	sdelay $0x1  }
0x8a: {  	s1 =	srdreg.scid  }
0x8b: {  	s0 =	sand.u32 $0x1, s1  }
0x8c: {  	s17 =	sshll.u32 s0, $0xA;
	s2 =	sadd.s32 s3, s2  }
0x8d: {  	s2 =	sadd.s32 s2, s17  }
0x8e: {  	[smem:$0x3FC6] =	sst s2  }
0x8f: {  	_ = 	snop  }
0x90: {  	s2 =	sld [smem:$0x3FC9]  }
0x91: {  	s18 =	sld [smem:$0x3FD0];
	(tm) =	ssettm $0x1  }
0x92: {  	s4 =	sld [smem:$0x3FFB];
	_ =	sdelay $0x3  }
0x93: {  	_ =	strace s4  }
0x94: {  	s4 =	sld [smem:$0x3FFC];
	_ =	sdelay $0x3  }
0x95: {  	_ =	strace s4  }
0x96: {  	s4 =	sld [smem:$0x3FFD];
	_ =	sdelay $0x3  }
0x97: {  	_ =	strace s4  }
0x98: {  	_ =	strace $0x8FFFFFFF  }
0x99: {  	s19 =	sld [smem:$0x3FDB];
	_ =	sdelay $0x1  }
0x9a: {  	s5 =	simm.s32 $_scs_section_size  }
0x9b: {  	s6 =	simm.s32 $_size__tile_overlayer_lowered;
	s7 =	simm.s32 $_tile_overlayer_lowered  }
0x9c: {  	s22 =	simm.s32 $0x1BFF;
	s21 =	sshll.u32 s7, $0x1;
	s4 =	sadd.s32 s5, s19  }
0x9d: {  	s8 =	simm.s32 $0x0;
	s20 =	sshll.u32 s6, $0x1;
	s6 =	sadd.s32 s21, s4  }
0x9e: {  	[timem:s8], [sflag:s22] =	dma.local [hbm:s6], s20  }
0x9f: {  	_ =	swait.ge [sflag:s22], s20  }
0xa0: {  	s5 =	ssub.s32 $0x0, s20;
	[sflag:s22] =	ssyncset.done $0x0  }
0xa1: {  	[sflag:s22] =	ssyncadd.s32 s5;
	_ =	sdelay $0x1  }
0xa2: {  	s23 =	simm.s32 $0x1B8B  }
0xa3: {  	_ =	swait.ge [sflag:s23], $0x1  }
0xa4: {  	[sflag:s23] =	ssyncset.done $0x0  }
0xa5: {  	s25 =	simm.s32 $0x1B8E;
	s24 =	sld [smem:$0x3FFE];
	[sflag:s23] =	ssyncadd.s32 $0xFFFFFFFF  }
0xa6: {  	s26 =	simm.s32 $execute0_lowered;
	[smem:$0x3FD2] =	sst s25  }
0xa7: {  	s6 =	sshll.u32 s26, $0x1;
	_ =	strace $0x80000046;
	[dreg:$0x1] =	wrdreg $0xFFFFFFFF  }
0xa8: {  	s28 =	simm.s32 $_size_execute0_lowered;
	s4 =	sadd.s32 s4, s6;
	[dreg:$0x0] =	wrdreg $0x0  }
0xa9: {  	s6 =	sshll.u32 s28, $0x1;
	[dreg:$0x2] =	wrdreg s4  }
0xaa: {  	[dreg:$0x3] =	wrdreg s6  }
0xab: {  	[dreg:$0x4] =	wrdreg $0xC0  }
0xac: {  	_ =	task [dreg:s8], $0x5FFFF  }
0xad: {  	[dreg:$0x1] =	wrdreg $0xFFFFFFFF  }
0xae: {  	[dreg:$0x0] =	wrdreg $0x60  }
0xaf: {  	[dreg:$0x2] =	wrdreg s2  }
0xb0: {  	[dreg:$0x3] =	wrdreg s24  }
0xb1: {  	[dreg:$0x4] =	wrdreg s18  }
0xb2: {  	[dreg:$0x5] =	wrdreg $0x9  }
0xb3: {  	_ =	task.clear_ibuf [dreg:s8], $0x6FFFF;
	_ =	strace $0x90000046  }
0xb4: {  	s29 =	simm.s32 $0x9;
	_ =	strace $0x80000048  }
0xb5: {  	_ =	swait.ge [sflag:s29], $0x1  }
0xb6: {  	[sflag:s29] =	ssyncadd.s32 $0xFFFFFFFF  }
0xb7: {  	_ =	strace $0x90000048  }
0xb8: {  	_ =	sfence  }
0xb9: {  	s30 =	sld [smem:$0x0];
	_ =	sdelay $0x2  }
0xba: {  	s31 =	sshll.u32 s1, $0xD;
	s1 =	sshrl.u32 s1, $0x2  }
0xbb: {  	s3 =	sand.u32 $0x4000, s31;
	s1 =	sadd.s32 s1, s30  }
0xbc: {  	s0 =	sor.u32 s3, s0;
	s1 =	sshll.u32 s1, $0x11  }
0xbd: {  	s0 =	sor.u32 s1, s0  }
0xbe: {  	s0 =	sadd.s32 $0x8F2B, s0  }
0xbf: {  	[sflag:s0] =	ssyncadd.remote.s32 $0x1  }
0xc0: {  	_ =	sfence.sel $0xFFFF  }
0xc1: {  	[dreg:$0x0] =	wrdreg $0xFFFFFFFF;
	(pc) =	sbr.abs _section_cstart, $3  }
0xc2: {  	[dreg:$0x1] =	wrdreg $0xFFFFFFFF  }
0xc3: {  	_ =	task.clear_ibuf [dreg:s8], $0x2FFFF;
	_ =	strace $0x9FFFFFFF  }
0xc4: {  	(tm) =	ssettm $0x7FFFFFFF  }
0xc5: {  	_ =	shalt  }
tec
execute0_lowered:
.L_overlay_start_1:
0x0: {  	(tag) =	ssettag $0x1  }
0x1: {  	v0 =	vimm.s32 $0x18F8;
	vm0 =	vcmask $0x300  }
0x2: {  	v1 =	vimm.s32 $0x4378;
	vm1 =	vcmask $0x704;
	vm2 =	vcmask $0xB08  }
0x3: {  	vm3 =	vcmask $0xF0C;
	vm4 =	vcmask $0x1310;
	vm5 =	vcmask $0x1714  }
0x4: {  	vm6 =	vcmask $0x1B18;
	vm7 =	vcmask $0x1F1C;
	vm8 =	vcmask $0x2320  }
0x5: {  	vm9 =	vcmask $0x2724;
	vm10 =	vcmask $0x2B28;
	vm11 =	vcmask $0x2F2C  }
0x6: {  	vm12 =	vcmask $0x3330;
	vm13 =	vcmask $0x3734;
	vm14 =	vcmask $0x3B38  }
0x7: {  	v2 =	vimm.s32 $0x1E48;
	v3 =	vimm.s32 $0x48C8;
	v4 =	vimm.s32 $0x2398  }
0x8: {  	v5 =	vimm.s32 $0x4E18;
	v6 =	vimm.s32 $0x28E8;
	v7 =	vimm.s32 $0x5368  }
0x9: {  	v0 =	vsel vm0, $0x0, v0;
	v1 =	vsel vm0, $0x2A80, v1;
	v2 =	vsel vm0, $0x550, v2  }
0xa: {  	v3 =	vsel vm0, $0x2FD0, v3;
	v4 =	vsel vm0, $0xAA0, v4;
	v5 =	vsel vm0, $0x3520, v5  }
0xb: {  	v6 =	vsel vm0, $0xFF0, v6;
	v7 =	vsel vm0, $0x3A70, v7;
	v0 =	vsel vm1, $0x88, v0  }
0xc: {  	v1 =	vsel vm1, $0x2B08, v1;
	v2 =	vsel vm1, $0x5D8, v2;
	v3 =	vsel vm1, $0x3058, v3  }
0xd: {  	v4 =	vsel vm1, $0xB28, v4;
	v5 =	vsel vm1, $0x35A8, v5;
	v6 =	vsel vm1, $0x1078, v6  }
0xe: {  	v7 =	vsel vm1, $0x3AF8, v7;
	v0 =	vsel vm2, $0x110, v0;
	v1 =	vsel vm2, $0x2B90, v1  }
0xf: {  	v2 =	vsel vm2, $0x660, v2;
	v3 =	vsel vm2, $0x30E0, v3;
	v4 =	vsel vm2, $0xBB0, v4  }
0x10: {  	v5 =	vsel vm2, $0x3630, v5;
	v6 =	vsel vm2, $0x1100, v6;
	v7 =	vsel vm2, $0x3B80, v7  }
0x11: {  	v0 =	vsel vm3, $0x198, v0;
	v1 =	vsel vm3, $0x2C18, v1;
	v2 =	vsel vm3, $0x6E8, v2  }
0x12: {  	v3 =	vsel vm3, $0x3168, v3;
	v4 =	vsel vm3, $0xC38, v4;
	v5 =	vsel vm3, $0x36B8, v5  }
0x13: {  	v6 =	vsel vm3, $0x1188, v6;
	v7 =	vsel vm3, $0x3C08, v7;
	v0 =	vsel vm4, $0x220, v0  }
0x14: {  	v1 =	vsel vm4, $0x2CA0, v1;
	v2 =	vsel vm4, $0x770, v2;
	v3 =	vsel vm4, $0x31F0, v3  }
0x15: {  	v4 =	vsel vm4, $0xCC0, v4;
	v5 =	vsel vm4, $0x3740, v5;
	v6 =	vsel vm4, $0x1210, v6  }
0x16: {  	v7 =	vsel vm4, $0x3C90, v7;
	v0 =	vsel vm5, $0x2A8, v0;
	v1 =	vsel vm5, $0x2D28, v1  }
0x17: {  	v2 =	vsel vm5, $0x7F8, v2;
	v3 =	vsel vm5, $0x3278, v3;
	v4 =	vsel vm5, $0xD48, v4  }
0x18: {  	v5 =	vsel vm5, $0x37C8, v5;
	v6 =	vsel vm5, $0x1298, v6;
	v7 =	vsel vm5, $0x3D18, v7  }
0x19: {  	v0 =	vsel vm6, $0x330, v0;
	v1 =	vsel vm6, $0x2DB0, v1;
	v2 =	vsel vm6, $0x880, v2  }
0x1a: {  	v3 =	vsel vm6, $0x3300, v3;
	v4 =	vsel vm6, $0xDD0, v4;
	v5 =	vsel vm6, $0x3850, v5  }
0x1b: {  	v6 =	vsel vm6, $0x1320, v6;
	v7 =	vsel vm6, $0x3DA0, v7;
	v0 =	vsel vm7, $0x3B8, v0  }
0x1c: {  	v1 =	vsel vm7, $0x2E38, v1;
	v2 =	vsel vm7, $0x908, v2;
	v3 =	vsel vm7, $0x3388, v3  }
0x1d: {  	v4 =	vsel vm7, $0xE58, v4;
	v5 =	vsel vm7, $0x38D8, v5;
	v6 =	vsel vm7, $0x13A8, v6  }
0x1e: {  	v7 =	vsel vm7, $0x3E28, v7;
	v0 =	vsel vm8, $0x1540, v0;
	v1 =	vsel vm8, $0x3FC0, v1  }
0x1f: {  	v2 =	vsel vm8, $0x1A90, v2;
	v3 =	vsel vm8, $0x4510, v3;
	v4 =	vsel vm8, $0x1FE0, v4  }
0x20: {  	v5 =	vsel vm8, $0x4A60, v5;
	v6 =	vsel vm8, $0x2530, v6;
	v7 =	vsel vm8, $0x4FB0, v7  }
0x21: {  	s7 =	rddreg [dreg:$0x0];
	v0 =	vsel vm9, $0x15C8, v0;
	v1 =	vsel vm9, $0x4048, v1;
	v2 =	vsel vm9, $0x1B18, v2  }
0x22: {  	s0 =	rddreg [dreg:$0x1];
	v3 =	vsel vm9, $0x4598, v3;
	v4 =	vsel vm9, $0x2068, v4;
	v5 =	vsel vm9, $0x4AE8, v5  }
0x23: {  	s15 =	rddreg [dreg:$0x2];
	s1 =	srdreg.scid;
	v6 =	vsel vm9, $0x25B8, v6;
	v7 =	vsel vm9, $0x5038, v7;
	v0 =	vsel vm10, $0x1650, v0  }
0x24: {  	s2 =	stileid.u32;
	s4 =	simm.s32 $0x0;
	s18 =	simm.s32 $0x80;
	v1 =	vsel vm10, $0x40D0, v1;
	v2 =	vsel vm10, $0x1BA0, v2;
	v3 =	vsel vm10, $0x4620, v3  }
0x25: {  	s31 =	simm.s32 $0x2;
	s16 =	simm.s32 $0xF500;
	s17 =	simm.s32 $0x14180;
	v4 =	vsel vm10, $0x20F0, v4;
	v5 =	vsel vm10, $0x4B70, v5;
	v6 =	vsel vm10, $0x2640, v6  }
0x26: {  	s28 =	simm.s32 $0x144B0;
	s29 =	simm.s32 $0x14538;
	s30 =	simm.s32 $0x14868;
	v7 =	vsel vm10, $0x50C0, v7;
	v0 =	vsel vm11, $0x16D8, v0;
	v1 =	vsel vm11, $0x4158, v1  }
0x27: {  	s20 =	simm.s32 $0x0;
	s2 =	sshll.u32 s2, $0xD;
	[smem:$0x7FF] =	sst s4;
	v2 =	vsel vm11, $0x1C28, v2;
	v3 =	vsel vm11, $0x46A8, v3;
	v4 =	vsel vm11, $0x2178, v4  }
0x28: {  	s1 =	sand.u32 $0x1, s1;
	s6 =	sadd.s32 $0xF42800, s0;
	s9 =	sadd.s32 $0x4000, s15;
	v5 =	vsel vm11, $0x4BF8, v5;
	v6 =	vsel vm11, $0x26C8, v6;
	v7 =	vsel vm11, $0x5148, v7  }
0x29: {  	s10 =	sadd.s32 $0x8000, s15;
	s11 =	sadd.s32 $0xC000, s15;
	s12 =	sadd.s32 $0x10000, s15;
	v0 =	vsel vm12, $0x1760, v0;
	v1 =	vsel vm12, $0x41E0, v1;
	v2 =	vsel vm12, $0x1CB0, v2  }
0x2a: {  	s13 =	sadd.s32 $0x14000, s15;
	s14 =	sadd.s32 $0x18000, s15;
	s15 =	sadd.s32 $0x1C000, s15;
	v3 =	vsel vm12, $0x4730, v3;
	v4 =	vsel vm12, $0x2200, v4;
	v5 =	vsel vm12, $0x4C80, v5  }
0x2b: {  	s3 =	sshll.u32 s1, $0xC;
	s1 =	ssub.s32 $0x2, s1;
	_ =	strace $0x80000047;
	v6 =	vsel vm12, $0x2750, v6;
	v7 =	vsel vm12, $0x51D0, v7;
	v0 =	vsel vm13, $0x17E8, v0  }
0x2c: {  	s5 =	sor.u32 s3, s2;
	s24 =	sshrl.u32 s1, $0x1;
	s2 =	simm.s32 $0x4;
	v1 =	vsel vm13, $0x4268, v1;
	v2 =	vsel vm13, $0x1D38, v2;
	v3 =	vsel vm13, $0x47B8, v3  }
0x2d: {  	s3 =	sshrl.u32 s5, $0x3;
	s25 =	ssub.s32 s1, s24;
	s8 =	sor.u32 $0x20000, s5;
	v4 =	vsel vm13, $0x2288, v4;
	v5 =	vsel vm13, $0x4D08, v5;
	v6 =	vsel vm13, $0x27D8, v6  }
0x2e: {  	s1 =	simm.s32 $0x14208;
	s26 =	sadd.s32 s7, s3;
	s0 =	smax.u32 s25, $0x1;
	v7 =	vsel vm13, $0x5258, v7;
	v0 =	vsel vm14, $0x1870, v0;
	v1 =	vsel vm14, $0x42F0, v1  }
0x2f: {  	s7 =	simm.s32 $0x3;
	s3 =	simm.s32 $0x14290;
	[dreg:$0x4] =	wrdreg s26;
	v2 =	vsel vm14, $0x1DC0, v2;
	v3 =	vsel vm14, $0x4840, v3;
	v4 =	vsel vm14, $0x2310, v4  }
0x30: {  	[dreg:$0x5] =	wrdreg s0;
	s0 =	simm.s32 $0xA000;
	s26 =	simm.s32 $0x14318;
	v5 =	vsel vm14, $0x4D90, v5;
	v6 =	vsel vm14, $0x2860, v6;
	v7 =	vsel vm14, $0x52E0, v7  }
.LBB2_1:
0x31: {  	[dreg:$0x6] =	wrdreg s20  }
0x32: {  	s19 =	rddreg [dreg:$0x4];
	s24 =	simm.s32 $0x1  }
0x33: {  	[tilespmem:s4], [sflag:$0x1] =	stream.linear.gather [hbm4b:s19+s4], $0x1000, $0x38;
	[tilespmem:$0x14A00] =	vst v63  }
0x34: {  	_ =	swait.ge [sflag:s24], $0x1000  }
0x35: {  	[sflag:s24] =	ssyncset.done $0x0  }
0x36: {  	s25 =	simm.s32 $0x2000;
	[sflag:s24] =	ssyncadd.s32 $0xFFFFF000  }
0x37: {  	[tilespmem:s25], [sflag:$0x2] =	stream.indirect.gather [hbm4b:s6+s18], $0x20, s4, s18, $0xb8;
	[tilespmem:$0x14A00] =	vst v63  }
0x38: {  	s20 =	simm.s32 $0x400;
	s21 =	simm.s32 $0x3000  }
0x39: {  	[tilespmem:s21], [sflag:$0x2] =	stream.indirect.gather [hbm4b:s6+s18], $0x20, s20, s18, $0xb8;
	[tilespmem:$0x14A00] =	vst v63  }
0x3a: {  	s22 =	simm.s32 $0x800;
	s23 =	simm.s32 $0x4000  }
0x3b: {  	[tilespmem:s23], [sflag:$0x2] =	stream.indirect.gather [hbm4b:s6+s18], $0x20, s22, s18, $0xb8;
	[tilespmem:$0x14A00] =	vst v63  }
0x3c: {  	s19 =	simm.s32 $0x0;
	s24 =	simm.s32 $0xC00;
	s25 =	simm.s32 $0x5000  }
0x3d: {  	[tilespmem:s25], [sflag:$0x2] =	stream.indirect.gather [hbm4b:s6+s18], $0x20, s24, s18, $0xb8;
	[tilespmem:$0x14A00] =	vst v63  }
.LBB2_2:
0x3e: {  	s20 =	sand.u32 $0x3, s19;
	p0 =	sgt.u32 s19, $0x5F  }
0x3f: {  	p1 =	sne.s32 @!p0 s20, $0x0  }
0x40: {  	s20 =	sshrl.u32 s19, $0x2;
	p0 =	por p1, p0  }
0x41: {  	s21 =	sshll.u32 @!p0 s20, $0x11  }
0x42: {  	s20 =	sand.u32 $0x1, s20;
	s21 =	sadd.s32 @!p0 s8, s21  }
0x43: {  	s23 =	rddreg [dreg:$0x0];
	s22 =	sshll.u32 @!p0 s20, $0xC;
	s21 =	sshrl.u32 @!p0 s21, $0x3  }
0x44: {  	s22 =	sxor.u32 @!p0 $0x1000, s22;
	s21 =	sadd.s32 @!p0 s23, s21;
	s23 =	simm.s32 @!p0 $0x0  }
0x45: {  	[tilespmem:s22], [sflag:$0x1] =	stream.linear.gather @!p0 [hbm4b:s21+s23], $0x1000, $0x38;
	[tilespmem:$0x14A00] =	vst v63  }
0x46: {  	s22 =	sshll.u32 s19, $0x8  }
0x47: {  	s20 =	sshll.u32 s20, $0xC;
	s21 =	sand.u32 $0x300, s22  }
0x48: {  	s20 =	sor.u32 s21, s20  }
0x49: {  	s23 =	simm.s32 $0x6000;
	s21 =	sor.u32 $0x80, s20  }
0x4a: {  	[tilespmem:s23], [sflag:$0x3] =	stream.indirect.gather [hbm4b:s6+s18], $0x20, s21, s18, $0xb8;
	[tilespmem:$0x14A00] =	vst v63  }
0x4b: {  	s25 =	simm.s32 $0x7000;
	s24 =	sor.u32 $0x480, s20  }
0x4c: {  	[tilespmem:s25], [sflag:$0x3] =	stream.indirect.gather [hbm4b:s6+s18], $0x20, s24, s18, $0xb8;
	[tilespmem:$0x14A00] =	vst v63  }
0x4d: {  	s23 =	sor.u32 $0x880, s20;
	s24 =	simm.s32 $0x8000  }
0x4e: {  	[tilespmem:s24], [sflag:$0x3] =	stream.indirect.gather [hbm4b:s6+s18], $0x20, s23, s18, $0xb8;
	[tilespmem:$0x14A00] =	vst v63  }
0x4f: {  	p0 =	seq.s32 s19, $0x0;
	s20 =	sor.u32 $0xC80, s20;
	s25 =	simm.s32 $0x9000  }
0x50: {  	[tilespmem:s25], [sflag:$0x3] =	stream.indirect.gather [hbm4b:s6+s18], $0x20, s20, s18, $0xb8;
	[tilespmem:$0x14A00] =	vst v63  }
0x51: {  	s20 =	simm.s32 @!p0 $0x4  }
0x52: {  	_ =	swait.ge @!p0 [sflag:s20], $0x1000  }
0x53: {  	[sflag:s20] =	ssyncset.done @!p0 $0x0  }
0x54: {  	[sflag:s20] =	ssyncadd.s32 @!p0 $0xFFFFF000  }
0x55: {  	_ =	swait.ge @!p0 [sflag:s20], $0x1000  }
0x56: {  	[sflag:s20] =	ssyncset.done @!p0 $0x0  }
0x57: {  	[sflag:s20] =	ssyncadd.s32 @!p0 $0xFFFFF000  }
0x58: {  	_ =	swait.ge @!p0 [sflag:s20], $0x1000  }
0x59: {  	[sflag:s20] =	ssyncset.done @!p0 $0x0  }
0x5a: {  	[sflag:s20] =	ssyncadd.s32 @!p0 $0xFFFFF000  }
0x5b: {  	_ =	swait.ge @!p0 [sflag:s20], $0x1000  }
0x5c: {  	[sflag:s20] =	ssyncset.done @!p0 $0x0  }
0x5d: {  	[sflag:s20] =	ssyncadd.s32 @!p0 $0xFFFFF000  }
0x5e: {  	_ =	swait.ge [sflag:s31], $0x1000  }
0x5f: {  	[sflag:s31] =	ssyncset.done $0x0  }
0x60: {  	[sflag:s31] =	ssyncadd.s32 $0xFFFFF000  }
0x61: {  	_ =	swait.ge [sflag:s31], $0x1000  }
0x62: {  	[sflag:s31] =	ssyncset.done $0x0  }
0x63: {  	[sflag:s31] =	ssyncadd.s32 $0xFFFFF000  }
0x64: {  	_ =	swait.ge [sflag:s31], $0x1000  }
0x65: {  	[sflag:s31] =	ssyncset.done $0x0  }
0x66: {  	[sflag:s31] =	ssyncadd.s32 $0xFFFFF000  }
0x67: {  	s22 =	simm.s32 $0x3;
	_ =	swait.ge [sflag:s31], $0x1000  }
0x68: {  	v8 =	vmov s22;
	s23 =	simm.s32 $0x0;
	[sflag:s31] =	ssyncset.done $0x0  }
0x69: {  	s22 =	simm.s32 $0x4000;
	v15 =	vand.u32 $0x7F, v8;
	v9 =	vmov s23;
	[sflag:s31] =	ssyncadd.s32 $0xFFFFF000  }
0x6a: {  	v12 =	vand.u32 $0x7C, v9;
	v9 =	vadd.s32 v0, v15;
	v8 =	vld [tilespmem:s22+$0xFFFFE060]  }
0x6b: {  	s24 =	simm.s32 $0x1;
	v11 =	vadd.s32 v0, v12;
	v10 =	vld [tilespmem:s22+$0xFFFFE000]  }
0x6c: {  	v13 =	vmov s24;
	s25 =	simm.s32 $0x2  }
0x6d: {  	v14 =	vand.u32 $0x7D, v13;
	v13 =	vmov s25  }
0x6e: {  	v17 =	vadd.s32 v0, v14;
	v13 =	vand.u32 $0x7E, v13;
	v16 =	vld [tilespmem:s22+$0xFFFFE020]  }
0x6f: {  	v19 =	vadd.s32 v0, v13;
	v18 =	vld [tilespmem:s22+$0xFFFFE040];
	[tilespmem:v9+s0+$0x0] =	vst.idx.msk $0xffff, v8  }
0x70: {  	[tilespmem:v11+s0+$0x0] =	vst.idx.msk $0xffff, v10;
	v9 =	vadd.s32 v1, v15;
	v8 =	vld [tilespmem:s22+$0xFFFFE070]  }
0x71: {  	v11 =	vadd.s32 v1, v12;
	v10 =	vld [tilespmem:s22+$0xFFFFE010];
	_ =	sdelay $0x1  }
0x72: {  	[tilespmem:v17+s0+$0x0] =	vst.idx.msk $0xffff, v16  }
0x73: {  	v17 =	vadd.s32 v1, v14;
	[tilespmem:v19+s0+$0x0] =	vst.idx.msk $0xffff, v18;
	v16 =	vld [tilespmem:s22+$0xFFFFE030]  }
0x74: {  	v19 =	vadd.s32 v1, v13;
	v18 =	vld [tilespmem:s22+$0xFFFFE050];
	[tilespmem:v9+s0+$0x0] =	vst.idx.msk $0xffff, v8  }
0x75: {  	[tilespmem:v11+s0+$0x0] =	vst.idx.msk $0xffff, v10;
	v9 =	vadd.s32 v2, v15;
	v8 =	vld [tilespmem:s22+$0xFFFFF060]  }
0x76: {  	v11 =	vadd.s32 v2, v12;
	v10 =	vld [tilespmem:s22+$0xFFFFF000];
	_ =	sdelay $0x1  }
0x77: {  	[tilespmem:v17+s0+$0x0] =	vst.idx.msk $0xffff, v16  }
0x78: {  	v17 =	vadd.s32 v2, v14;
	[tilespmem:v19+s0+$0x0] =	vst.idx.msk $0xffff, v18;
	v16 =	vld [tilespmem:s22+$0xFFFFF020]  }
0x79: {  	v19 =	vadd.s32 v2, v13;
	v18 =	vld [tilespmem:s22+$0xFFFFF040];
	[tilespmem:v9+s0+$0x0] =	vst.idx.msk $0xffff, v8  }
0x7a: {  	[tilespmem:v11+s0+$0x0] =	vst.idx.msk $0xffff, v10;
	v9 =	vadd.s32 v3, v15;
	v8 =	vld [tilespmem:s22+$0xFFFFF070]  }
0x7b: {  	v11 =	vadd.s32 v3, v12;
	v10 =	vld [tilespmem:s22+$0xFFFFF010];
	_ =	sdelay $0x1  }
0x7c: {  	[tilespmem:v17+s0+$0x0] =	vst.idx.msk $0xffff, v16  }
0x7d: {  	v17 =	vadd.s32 v3, v14;
	[tilespmem:v19+s0+$0x0] =	vst.idx.msk $0xffff, v18;
	v16 =	vld [tilespmem:s22+$0xFFFFF030]  }
0x7e: {  	v19 =	vadd.s32 v3, v13;
	v18 =	vld [tilespmem:s22+$0xFFFFF050];
	[tilespmem:v9+s0+$0x0] =	vst.idx.msk $0xffff, v8  }
0x7f: {  	[tilespmem:v11+s0+$0x0] =	vst.idx.msk $0xffff, v10;
	v9 =	vadd.s32 v4, v15;
	v8 =	vld [tilespmem:s22+$0x60]  }
0x80: {  	v11 =	vadd.s32 v4, v12;
	v10 =	vld [tilespmem:s22+$0x0];
	_ =	sdelay $0x1  }
0x81: {  	[tilespmem:v17+s0+$0x0] =	vst.idx.msk $0xffff, v16  }
0x82: {  	v17 =	vadd.s32 v4, v14;
	[tilespmem:v19+s0+$0x0] =	vst.idx.msk $0xffff, v18;
	v16 =	vld [tilespmem:s22+$0x20]  }
0x83: {  	s21 =	simm.s32 $0x7;
	v19 =	vadd.s32 v4, v13;
	v18 =	vld [tilespmem:s22+$0x40];
	[tilespmem:v9+s0+$0x0] =	vst.idx.msk $0xffff, v8  }
0x84: {  	v21 =	vadd.s32 v5, v15;
	s23 =	simm.s32 $0x4;
	v8 =	vmov s21;
	[tilespmem:v11+s0+$0x0] =	vst.idx.msk $0xffff, v10;
	v20 =	vld [tilespmem:s22+$0x70]  }
0x85: {  	s24 =	simm.s32 $0x5;
	v23 =	vadd.s32 v5, v12;
	s20 =	simm.s32 $0x4080;
	v9 =	vmov s23;
	v11 =	vand.u32 $0x7F, v8;
	v22 =	vld [tilespmem:s22+$0x10]  }
0x86: {  	s25 =	simm.s32 $0x6;
	v24 =	vld [tilespmem:s20+$0xFFFFE060];
	v8 =	vand.u32 $0x7C, v9;
	v9 =	vmov s24;
	v25 =	vadd.s32 v0, v11  }
0x87: {  	[tilespmem:v17+s0+$0x0] =	vst.idx.msk $0xffff, v16;
	v16 =	vld [tilespmem:s20+$0xFFFFE000];
	v17 =	vadd.s32 v0, v8;
	v10 =	vand.u32 $0x7D, v9;
	v9 =	vmov s25  }
0x88: {  	[tilespmem:v19+s0+$0x0] =	vst.idx.msk $0xffff, v18;
	v18 =	vld [tilespmem:s20+$0xFFFFE020];
	v19 =	vadd.s32 v0, v10;
	v9 =	vand.u32 $0x7E, v9  }
0x89: {  	v26 =	vld [tilespmem:s20+$0xFFFFE040];
	v27 =	vadd.s32 v0, v9;
	[tilespmem:v21+s0+$0x0] =	vst.idx.msk $0xffff, v20  }
0x8a: {  	[tilespmem:v23+s0+$0x0] =	vst.idx.msk $0xffff, v22;
	v21 =	vadd.s32 v6, v15;
	v20 =	vld [tilespmem:s22+$0x1060]  }
0x8b: {  	v22 =	vld [tilespmem:s22+$0x30];
	v23 =	vadd.s32 v5, v14;
	[tilespmem:v25+s0+$0x0] =	vst.idx.msk $0xffff, v24  }
0x8c: {  	[tilespmem:v17+s0+$0x0] =	vst.idx.msk $0xffff, v16;
	v17 =	vadd.s32 v1, v11;
	v16 =	vld [tilespmem:s20+$0xFFFFE070]  }
0x8d: {  	v55 =	vadd.s32 v1, v8;
	v54 =	vld [tilespmem:s20+$0xFFFFE010];
	[tilespmem:v19+s0+$0x0] =	vst.idx.msk $0xffff, v18  }
0x8e: {  	v19 =	vadd.s32 v1, v10;
	v18 =	vld [tilespmem:s20+$0xFFFFE030];
	[tilespmem:v27+s0+$0x0] =	vst.idx.msk $0xffff, v26  }
0x8f: {  	v56 =	vadd.s32 v1, v9;
	v26 =	vld [tilespmem:s20+$0xFFFFE050];
	[tilespmem:v21+s0+$0x0] =	vst.idx.msk $0xffff, v20  }
0x90: {  	v15 =	vadd.s32 v7, v15;
	[tilespmem:v23+s0+$0x0] =	vst.idx.msk $0xffff, v22;
	v20 =	vld [tilespmem:s22+$0x1070]  }
0x91: {  	[tilespmem:v17+s0+$0x0] =	vst.idx.msk $0xffff, v16;
	v16 =	vld [tilespmem:s22+$0x50];
	v17 =	vadd.s32 v5, v13  }
0x92: {  	v22 =	vadd.s32 v2, v11;
	[tilespmem:v55+s0+$0x0] =	vst.idx.msk $0xffff, v54;
	v21 =	vld [tilespmem:s20+$0xFFFFF060]  }
0x93: {  	v57 =	vadd.s32 v2, v8;
	v23 =	vld [tilespmem:s20+$0xFFFFF000];
	[tilespmem:v19+s0+$0x0] =	vst.idx.msk $0xffff, v18  }
0x94: {  	v19 =	vadd.s32 v2, v10;
	v18 =	vld [tilespmem:s20+$0xFFFFF020];
	[tilespmem:v56+s0+$0x0] =	vst.idx.msk $0xffff, v26  }
0x95: {  	v59 =	vadd.s32 v2, v9;
	v58 =	vld [tilespmem:s20+$0xFFFFF040];
	[tilespmem:v15+s0+$0x0] =	vst.idx.msk $0xffff, v20  }
0x96: {  	v15 =	vld [tilespmem:s22+$0x1020];
	v20 =	vadd.s32 v6, v14;
	[tilespmem:v17+s0+$0x0] =	vst.idx.msk $0xffff, v16  }
0x97: {  	v17 =	vadd.s32 v6, v13;
	[tilespmem:v22+s0+$0x0] =	vst.idx.msk $0xffff, v21;
	v16 =	vld [tilespmem:s22+$0x1040]  }
0x98: {  	[tilespmem:v57+s0+$0x0] =	vst.idx.msk $0xffff, v23;
	v22 =	vadd.s32 v3, v11;
	v21 =	vld [tilespmem:s20+$0xFFFFF070]  }
0x99: {  	v60 =	vadd.s32 v3, v8;
	v23 =	vld [tilespmem:s20+$0xFFFFF010];
	[tilespmem:v19+s0+$0x0] =	vst.idx.msk $0xffff, v18  }
0x9a: {  	v19 =	vadd.s32 v3, v10;
	v18 =	vld [tilespmem:s20+$0xFFFFF030];
	[tilespmem:v59+s0+$0x0] =	vst.idx.msk $0xffff, v58  }
0x9b: {  	v61 =	vadd.s32 v3, v9;
	v25 =	vld [tilespmem:s20+$0xFFFFF050];
	[tilespmem:v20+s0+$0x0] =	vst.idx.msk $0xffff, v15  }
0x9c: {  	v62 =	vadd.s32 v6, v12;
	v15 =	vld [tilespmem:s22+$0x1000];
	[tilespmem:v17+s0+$0x0] =	vst.idx.msk $0xffff, v16  }
0x9d: {  	v14 =	vadd.s32 v7, v14;
	v16 =	vld [tilespmem:s22+$0x1030];
	[tilespmem:v22+s0+$0x0] =	vst.idx.msk $0xffff, v21  }
0x9e: {  	v63 =	vadd.s32 v4, v11;
	[tilespmem:v60+s0+$0x0] =	vst.idx.msk $0xffff, v23;
	v23 =	vld [tilespmem:s20+$0x60]  }
0x9f: {  	v22 =	vadd.s32 v4, v8;
	v20 =	vld [tilespmem:s20+$0x0];
	[tilespmem:v19+s0+$0x0] =	vst.idx.msk $0xffff, v18  }
0xa0: {  	v21 =	vadd.s32 v4, v10;
	v18 =	vld [tilespmem:s20+$0x20];
	[tilespmem:v61+s0+$0x0] =	vst.idx.msk $0xffff, v25  }
0xa1: {  	v19 =	vadd.s32 v4, v9;
	v17 =	vld [tilespmem:s20+$0x40];
	[tilespmem:v62+s0+$0x0] =	vst.idx.msk $0xffff, v15  }
0xa2: {  	s21 =	sshll.u32 s19, $0x1;
	s23 =	simm.s32 $0x8;
	v13 =	vadd.s32 v7, v13;
	[tilespmem:v14+s0+$0x0] =	vst.idx.msk $0xffff, v16;
	v14 =	vld [tilespmem:s22+$0x1050]  }
0xa3: {  	s24 =	simm.s32 $0xC;
	s25 =	simm.s32 $0xB;
	v15 =	vld [tilespmem:s22+$0x1010];
	v16 =	vadd.s32 v7, v12;
	s22 =	simm.s32 $0x4080;
	[tilespmem:v63+s0+$0x0] =	vst.idx.msk $0xffff, v23  }
.LBB2_3:
0xa4: {  	p0 =	slt.u32 s24, $0x7C;
	v12 =	vmov s25;
	[tilespmem:v22+s0+$0x0] =	vst.idx.msk $0xffff, v20;
	v20 =	vld [tilespmem:s20+$0x70];
	v22 =	vadd.s32 v5, v11  }
0xa5: {  	v23 =	vmov s23;
	s25 =	sadd.s32 $0x1, s23;
	v26 =	vadd.s32 v5, v8;
	s20 =	sadd.s32 $0x80, s20;
	v24 =	vand.u32 $0x7F, v12;
	v25 =	vld [tilespmem:s22+$0x10];
	[tilespmem:v21+s0+$0x0] =	vst.idx.msk $0xffff, v18  }
0xa6: {  	v12 =	vand.u32 $0x7C, v23;
	v18 =	vmov s25;
	s25 =	sadd.s32 $0x2, s23;
	s23 =	smov.u32 s24;
	v21 =	vld [tilespmem:s20+$0xFFFFE060];
	v23 =	vadd.s32 v0, v24;
	[tilespmem:v19+s0+$0x0] =	vst.idx.msk $0xffff, v17  }
0xa7: {  	v19 =	vadd.s32 v0, v12;
	v18 =	vand.u32 $0x7D, v18;
	v27 =	vmov s25;
	v17 =	vld [tilespmem:s20+$0xFFFFE000];
	[tilespmem:v13+s0+$0x0] =	vst.idx.msk $0xffff, v14  }
0xa8: {  	v14 =	vadd.s32 v0, v18;
	v27 =	vand.u32 $0x7E, v27;
	v13 =	vld [tilespmem:s20+$0xFFFFE020];
	[tilespmem:v16+s0+$0x0] =	vst.idx.msk $0xffff, v15  }
0xa9: {  	v16 =	vadd.s32 v0, v27;
	v15 =	vld [tilespmem:s20+$0xFFFFE040];
	[tilespmem:v22+s0+$0x0] =	vst.idx.msk $0xffff, v20  }
0xaa: {  	v22 =	vadd.s32 v6, v11;
	[tilespmem:v26+s0+$0x0] =	vst.idx.msk $0xffff, v25;
	v20 =	vld [tilespmem:s22+$0x1060]  }
0xab: {  	[tilespmem:v23+s0+$0x0] =	vst.idx.msk $0xffff, v21;
	v21 =	vld [tilespmem:s22+$0x30];
	v23 =	vadd.s32 v5, v10  }
0xac: {  	[tilespmem:v19+s0+$0x0] =	vst.idx.msk $0xffff, v17;
	v17 =	vld [tilespmem:s20+$0xFFFFE070];
	v19 =	vadd.s32 v1, v24  }
0xad: {  	v26 =	vadd.s32 v1, v12;
	v25 =	vld [tilespmem:s20+$0xFFFFE010];
	[tilespmem:v14+s0+$0x0] =	vst.idx.msk $0xffff, v13  }
0xae: {  	v14 =	vadd.s32 v1, v18;
	v13 =	vld [tilespmem:s20+$0xFFFFE030];
	[tilespmem:v16+s0+$0x0] =	vst.idx.msk $0xffff, v15  }
0xaf: {  	v16 =	vadd.s32 v1, v27;
	v15 =	vld [tilespmem:s20+$0xFFFFE050];
	[tilespmem:v22+s0+$0x0] =	vst.idx.msk $0xffff, v20  }
0xb0: {  	[tilespmem:v23+s0+$0x0] =	vst.idx.msk $0xffff, v21;
	v20 =	vld [tilespmem:s22+$0x1070];
	v21 =	vadd.s32 v7, v11;
	v11 =	vmov v24  }
0xb1: {  	[tilespmem:v19+s0+$0x0] =	vst.idx.msk $0xffff, v17;
	v17 =	vld [tilespmem:s22+$0x50];
	v19 =	vadd.s32 v5, v9  }
0xb2: {  	v23 =	vadd.s32 v2, v11;
	[tilespmem:v26+s0+$0x0] =	vst.idx.msk $0xffff, v25;
	v22 =	vld [tilespmem:s20+$0xFFFFF060]  }
0xb3: {  	v25 =	vadd.s32 v2, v12;
	v24 =	vld [tilespmem:s20+$0xFFFFF000];
	[tilespmem:v14+s0+$0x0] =	vst.idx.msk $0xffff, v13  }
0xb4: {  	v14 =	vadd.s32 v2, v18;
	v13 =	vld [tilespmem:s20+$0xFFFFF020];
	[tilespmem:v16+s0+$0x0] =	vst.idx.msk $0xffff, v15  }
0xb5: {  	v16 =	vadd.s32 v2, v27;
	v15 =	vld [tilespmem:s20+$0xFFFFF040];
	[tilespmem:v21+s0+$0x0] =	vst.idx.msk $0xffff, v20  }
0xb6: {  	v21 =	vadd.s32 v6, v10;
	v20 =	vld [tilespmem:s22+$0x1020];
	[tilespmem:v19+s0+$0x0] =	vst.idx.msk $0xffff, v17  }
0xb7: {  	v19 =	vadd.s32 v6, v9;
	[tilespmem:v23+s0+$0x0] =	vst.idx.msk $0xffff, v22;
	v17 =	vld [tilespmem:s22+$0x1040]  }
0xb8: {  	v23 =	vadd.s32 v3, v11;
	[tilespmem:v25+s0+$0x0] =	vst.idx.msk $0xffff, v24;
	v22 =	vld [tilespmem:s20+$0xFFFFF070]  }
0xb9: {  	v25 =	vadd.s32 v3, v12;
	v24 =	vld [tilespmem:s20+$0xFFFFF010];
	[tilespmem:v14+s0+$0x0] =	vst.idx.msk $0xffff, v13  }
0xba: {  	v14 =	vadd.s32 v3, v18;
	v13 =	vld [tilespmem:s20+$0xFFFFF030];
	[tilespmem:v16+s0+$0x0] =	vst.idx.msk $0xffff, v15  }
0xbb: {  	v16 =	vadd.s32 v3, v27;
	v15 =	vld [tilespmem:s20+$0xFFFFF050];
	[tilespmem:v21+s0+$0x0] =	vst.idx.msk $0xffff, v20  }
0xbc: {  	v28 =	vadd.s32 v6, v8;
	v26 =	vld [tilespmem:s22+$0x1000];
	[tilespmem:v19+s0+$0x0] =	vst.idx.msk $0xffff, v17  }
0xbd: {  	v29 =	vadd.s32 v7, v10;
	v10 =	vmov v18;
	[tilespmem:v23+s0+$0x0] =	vst.idx.msk $0xffff, v22;
	v23 =	vld [tilespmem:s22+$0x1030]  }
0xbe: {  	[tilespmem:v25+s0+$0x0] =	vst.idx.msk $0xffff, v24;
	v24 =	vld [tilespmem:s20+$0x60];
	v25 =	vadd.s32 v4, v11  }
.Ltmp0:
0xbf: {  	v22 =	vadd.s32 v4, v12;
	v20 =	vld [tilespmem:s20+$0x0];
	[tilespmem:v14+s0+$0x0] =	vst.idx.msk $0xffff, v13;
	(pc) =	sbr.rel @p0 .LBB2_3-.Ltmp0, $4  }
0xc0: {  	v21 =	vadd.s32 v4, v10;
	v18 =	vld [tilespmem:s20+$0x20];
	[tilespmem:v16+s0+$0x0] =	vst.idx.msk $0xffff, v15  }
0xc1: {  	v19 =	vadd.s32 v4, v27;
	v17 =	vld [tilespmem:s20+$0x40];
	[tilespmem:v28+s0+$0x0] =	vst.idx.msk $0xffff, v26  }
0xc2: {  	v13 =	vadd.s32 v7, v9;
	v9 =	vmov v27;
	[tilespmem:v29+s0+$0x0] =	vst.idx.msk $0xffff, v23;
	v14 =	vld [tilespmem:s22+$0x1050]  }
0xc3: {  	s24 =	sadd.s32 $0x4, s24;
	s25 =	sadd.s32 $0x3, s23;
	v16 =	vadd.s32 v7, v8;
	v8 =	vmov v12;
	[tilespmem:v25+s0+$0x0] =	vst.idx.msk $0xffff, v24;
	v15 =	vld [tilespmem:s22+$0x1010];
	s22 =	smov.u32 s20  }
0xc4: {  	_ =	sdelay $0x1  }
0xc5: {  	v12 =	vmov s25  }
0xc6: {  	s25 =	sadd.s32 $0x1, s23;
	s24 =	sadd.s32 $0x80, s20;
	v27 =	vmov s23;
	v12 =	vand.u32 $0x7F, v12  }
0xc7: {  	[tilespmem:v22+s0+$0x0] =	vst.idx.msk $0xffff, v20;
	v23 =	vmov s25;
	v25 =	vld [tilespmem:s24+$0xFFFFE060];
	v20 =	vand.u32 $0x7C, v27;
	v26 =	vadd.s32 v0, v12  }
0xc8: {  	s25 =	sadd.s32 $0x2, s23;
	[tilespmem:v21+s0+$0x0] =	vst.idx.msk $0xffff, v18;
	v18 =	vld [tilespmem:s24+$0xFFFFE000];
	v23 =	vand.u32 $0x7D, v23;
	v21 =	vadd.s32 v0, v20  }
0xc9: {  	v28 =	vld [tilespmem:s24+$0xFFFFE020];
	v24 =	vmov s25;
	v29 =	vadd.s32 v0, v23  }
0xca: {  	[tilespmem:v19+s0+$0x0] =	vst.idx.msk $0xffff, v17;
	v24 =	vand.u32 $0x7E, v24  }
0xcb: {  	v22 =	vld [tilespmem:s24+$0xFFFFE040];
	[tilespmem:v13+s0+$0x0] =	vst.idx.msk $0xffff, v14;
	v40 =	vadd.s32 v0, v24  }
0xcc: {  	[tilespmem:v26+s0+$0x0] =	vst.idx.msk $0xffff, v25  }
0xcd: {  	v19 =	vadd.s32 v1, v12;
	[tilespmem:v21+s0+$0x0] =	vst.idx.msk $0xffff, v18;
	v17 =	vld [tilespmem:s24+$0xFFFFE070]  }
0xce: {  	v14 =	vadd.s32 v1, v20;
	[tilespmem:v29+s0+$0x0] =	vst.idx.msk $0xffff, v28;
	v13 =	vld [tilespmem:s24+$0xFFFFE010]  }
0xcf: {  	v42 =	vadd.s32 v1, v23;
	v41 =	vld [tilespmem:s24+$0xFFFFE030]  }
0xd0: {  	v43 =	vadd.s32 v5, v11;
	[tilespmem:v40+s0+$0x0] =	vst.idx.msk $0xffff, v22;
	v22 =	vld [tilespmem:s20+$0x70]  }
0xd1: {  	[tilespmem:v16+s0+$0x0] =	vst.idx.msk $0xffff, v15;
	v21 =	vadd.s32 v1, v24;
	v18 =	vld [tilespmem:s24+$0xFFFFE050]  }
0xd2: {  	v15 =	vld [tilespmem:s22+$0x10];
	v16 =	vadd.s32 v5, v8;
	[tilespmem:v19+s0+$0x0] =	vst.idx.msk $0xffff, v17  }
0xd3: {  	[tilespmem:v14+s0+$0x0] =	vst.idx.msk $0xffff, v13  }
0xd4: {  	v19 =	vadd.s32 v2, v12;
	v17 =	vld [tilespmem:s24+$0xFFFFF060];
	[tilespmem:v42+s0+$0x0] =	vst.idx.msk $0xffff, v41  }
0xd5: {  	v44 =	vadd.s32 v2, v23;
	[tilespmem:v43+s0+$0x0] =	vst.idx.msk $0xffff, v22;
	v25 =	vld [tilespmem:s24+$0xFFFFF020]  }
0xd6: {  	[tilespmem:v21+s0+$0x0] =	vst.idx.msk $0xffff, v18;
	v18 =	vld [tilespmem:s24+$0xFFFFF000];
	v21 =	vadd.s32 v2, v20  }
0xd7: {  	[tilespmem:v16+s0+$0x0] =	vst.idx.msk $0xffff, v15;
	v16 =	vadd.s32 v6, v11;
	v15 =	vld [tilespmem:s22+$0x1060]  }
0xd8: {  	v14 =	vadd.s32 v2, v24;
	v13 =	vld [tilespmem:s24+$0xFFFFF040]  }
0xd9: {  	v45 =	vadd.s32 v5, v10;
	v22 =	vld [tilespmem:s22+$0x30];
	[tilespmem:v19+s0+$0x0] =	vst.idx.msk $0xffff, v17  }
0xda: {  	v19 =	vadd.s32 v3, v12;
	v17 =	vld [tilespmem:s24+$0xFFFFF070];
	[tilespmem:v44+s0+$0x0] =	vst.idx.msk $0xffff, v25  }
0xdb: {  	v46 =	vadd.s32 v3, v23;
	[tilespmem:v21+s0+$0x0] =	vst.idx.msk $0xffff, v18;
	v25 =	vld [tilespmem:s24+$0xFFFFF030]  }
0xdc: {  	[tilespmem:v16+s0+$0x0] =	vst.idx.msk $0xffff, v15;
	v16 =	vadd.s32 v3, v20;
	v15 =	vld [tilespmem:s24+$0xFFFFF010]  }
0xdd: {  	v11 =	vadd.s32 v7, v11;
	[tilespmem:v14+s0+$0x0] =	vst.idx.msk $0xffff, v13;
	v18 =	vld [tilespmem:s22+$0x1070]  }
0xde: {  	[tilespmem:v45+s0+$0x0] =	vst.idx.msk $0xffff, v22;
	v14 =	vadd.s32 v3, v24;
	v13 =	vld [tilespmem:s24+$0xFFFFF050]  }
0xdf: {  	[tilespmem:v19+s0+$0x0] =	vst.idx.msk $0xffff, v17  }
0xe0: {  	v22 =	vadd.s32 v5, v9;
	v21 =	vld [tilespmem:s22+$0x50];
	[tilespmem:v46+s0+$0x0] =	vst.idx.msk $0xffff, v25  }
0xe1: {  	v19 =	vadd.s32 v4, v12;
	v17 =	vld [tilespmem:s24+$0x60];
	[tilespmem:v16+s0+$0x0] =	vst.idx.msk $0xffff, v15  }
0xe2: {  	v47 =	vadd.s32 v4, v23;
	[tilespmem:v11+s0+$0x0] =	vst.idx.msk $0xffff, v18;
	v25 =	vld [tilespmem:s24+$0x20]  }
0xe3: {  	v15 =	vadd.s32 v4, v20;
	[tilespmem:v14+s0+$0x0] =	vst.idx.msk $0xffff, v13;
	v11 =	vld [tilespmem:s24+$0x0]  }
0xe4: {  	v14 =	vadd.s32 v4, v24;
	v13 =	vld [tilespmem:s24+$0x40]  }
0xe5: {  	[tilespmem:v22+s0+$0x0] =	vst.idx.msk $0xffff, v21;
	v16 =	vld [tilespmem:s22+$0x1020];
	v18 =	vadd.s32 v6, v10  }
0xe6: {  	[tilespmem:v19+s0+$0x0] =	vst.idx.msk $0xffff, v17  }
0xe7: {  	v22 =	vadd.s32 v6, v9;
	v21 =	vld [tilespmem:s22+$0x1040];
	[tilespmem:v47+s0+$0x0] =	vst.idx.msk $0xffff, v25  }
0xe8: {  	v19 =	vadd.s32 v5, v12;
	v17 =	vld [tilespmem:s24+$0x70];
	[tilespmem:v15+s0+$0x0] =	vst.idx.msk $0xffff, v11  }
0xe9: {  	[tilespmem:v14+s0+$0x0] =	vst.idx.msk $0xffff, v13;
	v13 =	vld [tilespmem:s24+$0x30];
	v14 =	vadd.s32 v5, v23  }
0xea: {  	[tilespmem:v18+s0+$0x0] =	vst.idx.msk $0xffff, v16;
	v18 =	vadd.s32 v5, v20;
	v16 =	vld [tilespmem:s24+$0x10]  }
0xeb: {  	v15 =	vadd.s32 v5, v24;
	v11 =	vld [tilespmem:s24+$0x50]  }
0xec: {  	v49 =	vadd.s32 v6, v8;
	v48 =	vld [tilespmem:s22+$0x1000];
	[tilespmem:v22+s0+$0x0] =	vst.idx.msk $0xffff, v21  }
0xed: {  	v10 =	vadd.s32 v7, v10;
	v21 =	vld [tilespmem:s22+$0x1030];
	[tilespmem:v19+s0+$0x0] =	vst.idx.msk $0xffff, v17  }
0xee: {  	v19 =	vadd.s32 v6, v12;
	v17 =	vld [tilespmem:s24+$0x1060];
	[tilespmem:v14+s0+$0x0] =	vst.idx.msk $0xffff, v13  }
0xef: {  	v14 =	vadd.s32 v6, v23;
	[tilespmem:v18+s0+$0x0] =	vst.idx.msk $0xffff, v16;
	v13 =	vld [tilespmem:s24+$0x1020]  }
0xf0: {  	v18 =	vadd.s32 v6, v20;
	[tilespmem:v15+s0+$0x0] =	vst.idx.msk $0xffff, v11;
	v16 =	vld [tilespmem:s24+$0x1000]  }
0xf1: {  	[tilespmem:v49+s0+$0x0] =	vst.idx.msk $0xffff, v48;
	v15 =	vadd.s32 v6, v24;
	v11 =	vld [tilespmem:s24+$0x1040]  }
0xf2: {  	v9 =	vadd.s32 v7, v9;
	[tilespmem:v10+s0+$0x0] =	vst.idx.msk $0xffff, v21;
	v10 =	vld [tilespmem:s22+$0x1050]  }
0xf3: {  	[tilespmem:v19+s0+$0x0] =	vst.idx.msk $0xffff, v17  }
0xf4: {  	v8 =	vadd.s32 v7, v8;
	v21 =	vld [tilespmem:s22+$0x1010];
	[tilespmem:v14+s0+$0x0] =	vst.idx.msk $0xffff, v13  }
0xf5: {  	v12 =	vadd.s32 v7, v12;
	v17 =	vld [tilespmem:s24+$0x1070];
	[tilespmem:v18+s0+$0x0] =	vst.idx.msk $0xffff, v16  }
0xf6: {  	v13 =	vadd.s32 v7, v23;
	[tilespmem:v15+s0+$0x0] =	vst.idx.msk $0xffff, v11;
	v11 =	vld [tilespmem:s24+$0x1030]  }
0xf7: {  	[tilespmem:v9+s0+$0x0] =	vst.idx.msk $0xffff, v10;
	v10 =	vadd.s32 v7, v20;
	v9 =	vld [tilespmem:s24+$0x1010]  }
0xf8: {  	v15 =	vadd.s32 v7, v24;
	v14 =	vld [tilespmem:s24+$0x1050]  }
0xf9: {  	[tilespmem:v8+s0+$0x0] =	vst.idx.msk $0xffff, v21  }
0xfa: {  	s22 =	sshll.u32 s19, $0x14;
	[tilespmem:v12+s0+$0x0] =	vst.idx.msk $0xffff, v17  }
0xfb: {  	s20 =	sor.u32 s5, s22;
	[tilespmem:v13+s0+$0x0] =	vst.idx.msk $0xffff, v11  }
0xfc: {  	s23 =	rddreg [dreg:$0x2];
	s20 =	sshrl.u32 s20, $0x3;
	[tilespmem:v10+s0+$0x0] =	vst.idx.msk $0xffff, v9  }
0xfd: {  	s22 =	sadd.s32 s23, s20;
	[tilespmem:v15+s0+$0x0] =	vst.idx.msk $0xffff, v14  }
0xfe: {  	[hbm4b:s22+s4] =	stream.linear.scatter [tilespmem:s0], [sflag:$0x4], $0x80, $0x38;
	[tilespmem:$0x14A00] =	vst v63  }
0xff: {  	s25 =	simm.s32 $0xA088;
	s24 =	sadd.s32 $0x10, s22  }
0x100: {  	[hbm4b:s24+s4] =	stream.linear.scatter [tilespmem:s25], [sflag:$0x4], $0x80, $0x38;
	[tilespmem:$0x14A00] =	vst v63  }
0x101: {  	s24 =	sadd.s32 $0x20, s22;
	s25 =	simm.s32 $0xA110  }
0x102: {  	[hbm4b:s24+s4] =	stream.linear.scatter [tilespmem:s25], [sflag:$0x4], $0x80, $0x38;
	[tilespmem:$0x14A00] =	vst v63  }
0x103: {  	s24 =	sadd.s32 $0x30, s22;
	s25 =	simm.s32 $0xA198  }
0x104: {  	[hbm4b:s24+s4] =	stream.linear.scatter [tilespmem:s25], [sflag:$0x4], $0x80, $0x38;
	[tilespmem:$0x14A00] =	vst v63  }
0x105: {  	s24 =	sadd.s32 $0x40, s22;
	s25 =	simm.s32 $0xA220  }
0x106: {  	[hbm4b:s24+s4] =	stream.linear.scatter [tilespmem:s25], [sflag:$0x4], $0x80, $0x38;
	[tilespmem:$0x14A00] =	vst v63  }
0x107: {  	s24 =	sadd.s32 $0x50, s22;
	s25 =	simm.s32 $0xA2A8  }
0x108: {  	[hbm4b:s24+s4] =	stream.linear.scatter [tilespmem:s25], [sflag:$0x4], $0x80, $0x38;
	[tilespmem:$0x14A00] =	vst v63  }
0x109: {  	s24 =	sadd.s32 $0x60, s22;
	s25 =	simm.s32 $0xA330  }
0x10a: {  	[hbm4b:s24+s4] =	stream.linear.scatter [tilespmem:s25], [sflag:$0x4], $0x80, $0x38;
	[tilespmem:$0x14A00] =	vst v63  }
0x10b: {  	s24 =	sadd.s32 $0x70, s22;
	s25 =	simm.s32 $0xA3B8  }
0x10c: {  	[hbm4b:s24+s4] =	stream.linear.scatter [tilespmem:s25], [sflag:$0x4], $0x80, $0x38;
	[tilespmem:$0x14A00] =	vst v63  }
0x10d: {  	s24 =	sadd.s32 $0x80, s22;
	s25 =	simm.s32 $0xA550  }
0x10e: {  	[hbm4b:s24+s4] =	stream.linear.scatter [tilespmem:s25], [sflag:$0x4], $0x80, $0x38;
	[tilespmem:$0x14A00] =	vst v63  }
0x10f: {  	s24 =	sadd.s32 $0x90, s22;
	s25 =	simm.s32 $0xA5D8  }
0x110: {  	[hbm4b:s24+s4] =	stream.linear.scatter [tilespmem:s25], [sflag:$0x4], $0x80, $0x38;
	[tilespmem:$0x14A00] =	vst v63  }
0x111: {  	s24 =	sadd.s32 $0xA0, s22;
	s25 =	simm.s32 $0xA660  }
0x112: {  	[hbm4b:s24+s4] =	stream.linear.scatter [tilespmem:s25], [sflag:$0x4], $0x80, $0x38;
	[tilespmem:$0x14A00] =	vst v63  }
0x113: {  	s24 =	sadd.s32 $0xB0, s22;
	s25 =	simm.s32 $0xA6E8  }
0x114: {  	[hbm4b:s24+s4] =	stream.linear.scatter [tilespmem:s25], [sflag:$0x4], $0x80, $0x38;
	[tilespmem:$0x14A00] =	vst v63  }
0x115: {  	s24 =	sadd.s32 $0xC0, s22;
	s25 =	simm.s32 $0xA770  }
0x116: {  	[hbm4b:s24+s4] =	stream.linear.scatter [tilespmem:s25], [sflag:$0x4], $0x80, $0x38;
	[tilespmem:$0x14A00] =	vst v63  }
0x117: {  	s24 =	sadd.s32 $0xD0, s22;
	s25 =	simm.s32 $0xA7F8  }
0x118: {  	[hbm4b:s24+s4] =	stream.linear.scatter [tilespmem:s25], [sflag:$0x4], $0x80, $0x38;
	[tilespmem:$0x14A00] =	vst v63  }
0x119: {  	s24 =	sadd.s32 $0xE0, s22;
	s25 =	simm.s32 $0xA880  }
0x11a: {  	[hbm4b:s24+s4] =	stream.linear.scatter [tilespmem:s25], [sflag:$0x4], $0x80, $0x38;
	[tilespmem:$0x14A00] =	vst v63  }
0x11b: {  	s24 =	sadd.s32 $0xF0, s22;
	s25 =	simm.s32 $0xA908  }
0x11c: {  	[hbm4b:s24+s4] =	stream.linear.scatter [tilespmem:s25], [sflag:$0x4], $0x80, $0x38;
	[tilespmem:$0x14A00] =	vst v63  }
0x11d: {  	s24 =	sadd.s32 $0x100, s22;
	s25 =	simm.s32 $0xAAA0  }
0x11e: {  	[hbm4b:s24+s4] =	stream.linear.scatter [tilespmem:s25], [sflag:$0x4], $0x80, $0x38;
	[tilespmem:$0x14A00] =	vst v63  }
0x11f: {  	s24 =	sadd.s32 $0x110, s22;
	s25 =	simm.s32 $0xAB28  }
0x120: {  	[hbm4b:s24+s4] =	stream.linear.scatter [tilespmem:s25], [sflag:$0x4], $0x80, $0x38;
	[tilespmem:$0x14A00] =	vst v63  }
0x121: {  	s24 =	sadd.s32 $0x120, s22;
	s25 =	simm.s32 $0xABB0  }
0x122: {  	[hbm4b:s24+s4] =	stream.linear.scatter [tilespmem:s25], [sflag:$0x4], $0x80, $0x38;
	[tilespmem:$0x14A00] =	vst v63  }
0x123: {  	s24 =	sadd.s32 $0x130, s22;
	s25 =	simm.s32 $0xAC38  }
0x124: {  	[hbm4b:s24+s4] =	stream.linear.scatter [tilespmem:s25], [sflag:$0x4], $0x80, $0x38;
	[tilespmem:$0x14A00] =	vst v63  }
0x125: {  	s24 =	sadd.s32 $0x140, s22;
	s25 =	simm.s32 $0xACC0  }
0x126: {  	[hbm4b:s24+s4] =	stream.linear.scatter [tilespmem:s25], [sflag:$0x4], $0x80, $0x38;
	[tilespmem:$0x14A00] =	vst v63  }
0x127: {  	s24 =	sadd.s32 $0x150, s22;
	s25 =	simm.s32 $0xAD48  }
0x128: {  	[hbm4b:s24+s4] =	stream.linear.scatter [tilespmem:s25], [sflag:$0x4], $0x80, $0x38;
	[tilespmem:$0x14A00] =	vst v63  }
0x129: {  	s24 =	sadd.s32 $0x160, s22;
	s25 =	simm.s32 $0xADD0  }
0x12a: {  	[hbm4b:s24+s4] =	stream.linear.scatter [tilespmem:s25], [sflag:$0x4], $0x80, $0x38;
	[tilespmem:$0x14A00] =	vst v63  }
0x12b: {  	s24 =	sadd.s32 $0x170, s22;
	s25 =	simm.s32 $0xAE58  }
0x12c: {  	[hbm4b:s24+s4] =	stream.linear.scatter [tilespmem:s25], [sflag:$0x4], $0x80, $0x38;
	[tilespmem:$0x14A00] =	vst v63  }
0x12d: {  	s24 =	sadd.s32 $0x180, s22;
	s25 =	simm.s32 $0xAFF0  }
0x12e: {  	[hbm4b:s24+s4] =	stream.linear.scatter [tilespmem:s25], [sflag:$0x4], $0x80, $0x38;
	[tilespmem:$0x14A00] =	vst v63  }
0x12f: {  	s24 =	sadd.s32 $0x190, s22;
	s25 =	simm.s32 $0xB078  }
0x130: {  	[hbm4b:s24+s4] =	stream.linear.scatter [tilespmem:s25], [sflag:$0x4], $0x80, $0x38;
	[tilespmem:$0x14A00] =	vst v63  }
0x131: {  	s24 =	sadd.s32 $0x1A0, s22;
	s25 =	simm.s32 $0xB100  }
0x132: {  	[hbm4b:s24+s4] =	stream.linear.scatter [tilespmem:s25], [sflag:$0x4], $0x80, $0x38;
	[tilespmem:$0x14A00] =	vst v63  }
0x133: {  	s24 =	sadd.s32 $0x1B0, s22;
	s25 =	simm.s32 $0xB188  }
0x134: {  	[hbm4b:s24+s4] =	stream.linear.scatter [tilespmem:s25], [sflag:$0x4], $0x80, $0x38;
	[tilespmem:$0x14A00] =	vst v63  }
0x135: {  	s24 =	sadd.s32 $0x1C0, s22;
	s25 =	simm.s32 $0xB210  }
0x136: {  	[hbm4b:s24+s4] =	stream.linear.scatter [tilespmem:s25], [sflag:$0x4], $0x80, $0x38;
	[tilespmem:$0x14A00] =	vst v63  }
0x137: {  	s24 =	sadd.s32 $0x1D0, s22;
	s25 =	simm.s32 $0xB298  }
0x138: {  	[hbm4b:s24+s4] =	stream.linear.scatter [tilespmem:s25], [sflag:$0x4], $0x80, $0x38;
	[tilespmem:$0x14A00] =	vst v63  }
0x139: {  	s24 =	sadd.s32 $0x1E0, s22;
	s25 =	simm.s32 $0xB320  }
0x13a: {  	[hbm4b:s24+s4] =	stream.linear.scatter [tilespmem:s25], [sflag:$0x4], $0x80, $0x38;
	[tilespmem:$0x14A00] =	vst v63  }
0x13b: {  	s22 =	sadd.s32 $0x1F0, s22;
	s24 =	simm.s32 $0xB3A8  }
0x13c: {  	[hbm4b:s22+s4] =	stream.linear.scatter [tilespmem:s24], [sflag:$0x4], $0x80, $0x38;
	[tilespmem:$0x14A00] =	vst v63  }
0x13d: {  	s25 =	simm.s32 $0xB540;
	s22 =	sadd.s32 s20, s9  }
0x13e: {  	[hbm4b:s22+s4] =	stream.linear.scatter [tilespmem:s25], [sflag:$0x4], $0x80, $0x38;
	[tilespmem:$0x14A00] =	vst v63  }
0x13f: {  	s24 =	sadd.s32 $0x10, s22;
	s25 =	simm.s32 $0xB5C8  }
0x140: {  	[hbm4b:s24+s4] =	stream.linear.scatter [tilespmem:s25], [sflag:$0x4], $0x80, $0x38;
	[tilespmem:$0x14A00] =	vst v63  }
0x141: {  	s24 =	sadd.s32 $0x20, s22;
	s25 =	simm.s32 $0xB650  }
0x142: {  	[hbm4b:s24+s4] =	stream.linear.scatter [tilespmem:s25], [sflag:$0x4], $0x80, $0x38;
	[tilespmem:$0x14A00] =	vst v63  }
0x143: {  	s24 =	sadd.s32 $0x30, s22;
	s25 =	simm.s32 $0xB6D8  }
0x144: {  	[hbm4b:s24+s4] =	stream.linear.scatter [tilespmem:s25], [sflag:$0x4], $0x80, $0x38;
	[tilespmem:$0x14A00] =	vst v63  }
0x145: {  	s24 =	sadd.s32 $0x40, s22;
	s25 =	simm.s32 $0xB760  }
0x146: {  	[hbm4b:s24+s4] =	stream.linear.scatter [tilespmem:s25], [sflag:$0x4], $0x80, $0x38;
	[tilespmem:$0x14A00] =	vst v63  }
0x147: {  	s24 =	sadd.s32 $0x50, s22;
	s25 =	simm.s32 $0xB7E8  }
0x148: {  	[hbm4b:s24+s4] =	stream.linear.scatter [tilespmem:s25], [sflag:$0x4], $0x80, $0x38;
	[tilespmem:$0x14A00] =	vst v63  }
0x149: {  	s24 =	sadd.s32 $0x60, s22;
	s25 =	simm.s32 $0xB870  }
0x14a: {  	[hbm4b:s24+s4] =	stream.linear.scatter [tilespmem:s25], [sflag:$0x4], $0x80, $0x38;
	[tilespmem:$0x14A00] =	vst v63  }
0x14b: {  	s24 =	sadd.s32 $0x70, s22;
	s25 =	simm.s32 $0xB8F8  }
0x14c: {  	[hbm4b:s24+s4] =	stream.linear.scatter [tilespmem:s25], [sflag:$0x4], $0x80, $0x38;
	[tilespmem:$0x14A00] =	vst v63  }
0x14d: {  	s24 =	sadd.s32 $0x80, s22;
	s25 =	simm.s32 $0xBA90  }
0x14e: {  	[hbm4b:s24+s4] =	stream.linear.scatter [tilespmem:s25], [sflag:$0x4], $0x80, $0x38;
	[tilespmem:$0x14A00] =	vst v63  }
0x14f: {  	s24 =	sadd.s32 $0x90, s22;
	s25 =	simm.s32 $0xBB18  }
0x150: {  	[hbm4b:s24+s4] =	stream.linear.scatter [tilespmem:s25], [sflag:$0x4], $0x80, $0x38;
	[tilespmem:$0x14A00] =	vst v63  }
0x151: {  	s24 =	sadd.s32 $0xA0, s22;
	s25 =	simm.s32 $0xBBA0  }
0x152: {  	[hbm4b:s24+s4] =	stream.linear.scatter [tilespmem:s25], [sflag:$0x4], $0x80, $0x38;
	[tilespmem:$0x14A00] =	vst v63  }
0x153: {  	s24 =	sadd.s32 $0xB0, s22;
	s25 =	simm.s32 $0xBC28  }
0x154: {  	[hbm4b:s24+s4] =	stream.linear.scatter [tilespmem:s25], [sflag:$0x4], $0x80, $0x38;
	[tilespmem:$0x14A00] =	vst v63  }
0x155: {  	s24 =	sadd.s32 $0xC0, s22;
	s25 =	simm.s32 $0xBCB0  }
0x156: {  	[hbm4b:s24+s4] =	stream.linear.scatter [tilespmem:s25], [sflag:$0x4], $0x80, $0x38;
	[tilespmem:$0x14A00] =	vst v63  }
0x157: {  	s24 =	sadd.s32 $0xD0, s22;
	s25 =	simm.s32 $0xBD38  }
0x158: {  	[hbm4b:s24+s4] =	stream.linear.scatter [tilespmem:s25], [sflag:$0x4], $0x80, $0x38;
	[tilespmem:$0x14A00] =	vst v63  }
0x159: {  	s24 =	sadd.s32 $0xE0, s22;
	s25 =	simm.s32 $0xBDC0  }
0x15a: {  	[hbm4b:s24+s4] =	stream.linear.scatter [tilespmem:s25], [sflag:$0x4], $0x80, $0x38;
	[tilespmem:$0x14A00] =	vst v63  }
0x15b: {  	s24 =	sadd.s32 $0xF0, s22;
	s25 =	simm.s32 $0xBE48  }
0x15c: {  	[hbm4b:s24+s4] =	stream.linear.scatter [tilespmem:s25], [sflag:$0x4], $0x80, $0x38;
	[tilespmem:$0x14A00] =	vst v63  }
0x15d: {  	s24 =	sadd.s32 $0x100, s22;
	s25 =	simm.s32 $0xBFE0  }
0x15e: {  	[hbm4b:s24+s4] =	stream.linear.scatter [tilespmem:s25], [sflag:$0x4], $0x80, $0x38;
	[tilespmem:$0x14A00] =	vst v63  }
0x15f: {  	s24 =	sadd.s32 $0x110, s22;
	s25 =	simm.s32 $0xC068  }
0x160: {  	[hbm4b:s24+s4] =	stream.linear.scatter [tilespmem:s25], [sflag:$0x4], $0x80, $0x38;
	[tilespmem:$0x14A00] =	vst v63  }
0x161: {  	s24 =	sadd.s32 $0x120, s22;
	s25 =	simm.s32 $0xC0F0  }
0x162: {  	[hbm4b:s24+s4] =	stream.linear.scatter [tilespmem:s25], [sflag:$0x4], $0x80, $0x38;
	[tilespmem:$0x14A00] =	vst v63  }
0x163: {  	s24 =	sadd.s32 $0x130, s22;
	s25 =	simm.s32 $0xC178  }
0x164: {  	[hbm4b:s24+s4] =	stream.linear.scatter [tilespmem:s25], [sflag:$0x4], $0x80, $0x38;
	[tilespmem:$0x14A00] =	vst v63  }
0x165: {  	s24 =	sadd.s32 $0x140, s22;
	s25 =	simm.s32 $0xC200  }
0x166: {  	[hbm4b:s24+s4] =	stream.linear.scatter [tilespmem:s25], [sflag:$0x4], $0x80, $0x38;
	[tilespmem:$0x14A00] =	vst v63  }
0x167: {  	s24 =	sadd.s32 $0x150, s22;
	s25 =	simm.s32 $0xC288  }
0x168: {  	[hbm4b:s24+s4] =	stream.linear.scatter [tilespmem:s25], [sflag:$0x4], $0x80, $0x38;
	[tilespmem:$0x14A00] =	vst v63  }
0x169: {  	s24 =	sadd.s32 $0x160, s22;
	s25 =	simm.s32 $0xC310  }
0x16a: {  	[hbm4b:s24+s4] =	stream.linear.scatter [tilespmem:s25], [sflag:$0x4], $0x80, $0x38;
	[tilespmem:$0x14A00] =	vst v63  }
0x16b: {  	s24 =	sadd.s32 $0x170, s22;
	s25 =	simm.s32 $0xC398  }
0x16c: {  	[hbm4b:s24+s4] =	stream.linear.scatter [tilespmem:s25], [sflag:$0x4], $0x80, $0x38;
	[tilespmem:$0x14A00] =	vst v63  }
0x16d: {  	s24 =	sadd.s32 $0x180, s22;
	s25 =	simm.s32 $0xC530  }
0x16e: {  	[hbm4b:s24+s4] =	stream.linear.scatter [tilespmem:s25], [sflag:$0x4], $0x80, $0x38;
	[tilespmem:$0x14A00] =	vst v63  }
0x16f: {  	s24 =	sadd.s32 $0x190, s22;
	s25 =	simm.s32 $0xC5B8  }
0x170: {  	[hbm4b:s24+s4] =	stream.linear.scatter [tilespmem:s25], [sflag:$0x4], $0x80, $0x38;
	[tilespmem:$0x14A00] =	vst v63  }
0x171: {  	s24 =	sadd.s32 $0x1A0, s22;
	s25 =	simm.s32 $0xC640  }
0x172: {  	[hbm4b:s24+s4] =	stream.linear.scatter [tilespmem:s25], [sflag:$0x4], $0x80, $0x38;
	[tilespmem:$0x14A00] =	vst v63  }
0x173: {  	s24 =	sadd.s32 $0x1B0, s22;
	s25 =	simm.s32 $0xC6C8  }
0x174: {  	[hbm4b:s24+s4] =	stream.linear.scatter [tilespmem:s25], [sflag:$0x4], $0x80, $0x38;
	[tilespmem:$0x14A00] =	vst v63  }
0x175: {  	s24 =	sadd.s32 $0x1C0, s22;
	s25 =	simm.s32 $0xC750  }
0x176: {  	[hbm4b:s24+s4] =	stream.linear.scatter [tilespmem:s25], [sflag:$0x4], $0x80, $0x38;
	[tilespmem:$0x14A00] =	vst v63  }
0x177: {  	s24 =	sadd.s32 $0x1D0, s22;
	s25 =	simm.s32 $0xC7D8  }
0x178: {  	[hbm4b:s24+s4] =	stream.linear.scatter [tilespmem:s25], [sflag:$0x4], $0x80, $0x38;
	[tilespmem:$0x14A00] =	vst v63  }
0x179: {  	s24 =	sadd.s32 $0x1E0, s22;
	s25 =	simm.s32 $0xC860  }
0x17a: {  	[hbm4b:s24+s4] =	stream.linear.scatter [tilespmem:s25], [sflag:$0x4], $0x80, $0x38;
	[tilespmem:$0x14A00] =	vst v63  }
0x17b: {  	s22 =	sadd.s32 $0x1F0, s22;
	s24 =	simm.s32 $0xC8E8  }
0x17c: {  	[hbm4b:s22+s4] =	stream.linear.scatter [tilespmem:s24], [sflag:$0x4], $0x80, $0x38;
	[tilespmem:$0x14A00] =	vst v63  }
0x17d: {  	s25 =	simm.s32 $0xCA80;
	s22 =	sadd.s32 s20, s10  }
0x17e: {  	[hbm4b:s22+s4] =	stream.linear.scatter [tilespmem:s25], [sflag:$0x4], $0x80, $0x38;
	[tilespmem:$0x14A00] =	vst v63  }
0x17f: {  	s24 =	sadd.s32 $0x10, s22;
	s25 =	simm.s32 $0xCB08  }
0x180: {  	[hbm4b:s24+s4] =	stream.linear.scatter [tilespmem:s25], [sflag:$0x4], $0x80, $0x38;
	[tilespmem:$0x14A00] =	vst v63  }
0x181: {  	s24 =	sadd.s32 $0x20, s22;
	s25 =	simm.s32 $0xCB90  }
0x182: {  	[hbm4b:s24+s4] =	stream.linear.scatter [tilespmem:s25], [sflag:$0x4], $0x80, $0x38;
	[tilespmem:$0x14A00] =	vst v63  }
0x183: {  	s24 =	sadd.s32 $0x30, s22;
	s25 =	simm.s32 $0xCC18  }
0x184: {  	[hbm4b:s24+s4] =	stream.linear.scatter [tilespmem:s25], [sflag:$0x4], $0x80, $0x38;
	[tilespmem:$0x14A00] =	vst v63  }
0x185: {  	s24 =	sadd.s32 $0x40, s22;
	s25 =	simm.s32 $0xCCA0  }
0x186: {  	[hbm4b:s24+s4] =	stream.linear.scatter [tilespmem:s25], [sflag:$0x4], $0x80, $0x38;
	[tilespmem:$0x14A00] =	vst v63  }
0x187: {  	s24 =	sadd.s32 $0x50, s22;
	s25 =	simm.s32 $0xCD28  }
0x188: {  	[hbm4b:s24+s4] =	stream.linear.scatter [tilespmem:s25], [sflag:$0x4], $0x80, $0x38;
	[tilespmem:$0x14A00] =	vst v63  }
0x189: {  	s24 =	sadd.s32 $0x60, s22;
	s25 =	simm.s32 $0xCDB0  }
0x18a: {  	[hbm4b:s24+s4] =	stream.linear.scatter [tilespmem:s25], [sflag:$0x4], $0x80, $0x38;
	[tilespmem:$0x14A00] =	vst v63  }
0x18b: {  	s24 =	sadd.s32 $0x70, s22;
	s25 =	simm.s32 $0xCE38  }
0x18c: {  	[hbm4b:s24+s4] =	stream.linear.scatter [tilespmem:s25], [sflag:$0x4], $0x80, $0x38;
	[tilespmem:$0x14A00] =	vst v63  }
0x18d: {  	s24 =	sadd.s32 $0x80, s22;
	s25 =	simm.s32 $0xCFD0  }
0x18e: {  	[hbm4b:s24+s4] =	stream.linear.scatter [tilespmem:s25], [sflag:$0x4], $0x80, $0x38;
	[tilespmem:$0x14A00] =	vst v63  }
0x18f: {  	s24 =	sadd.s32 $0x90, s22;
	s25 =	simm.s32 $0xD058  }
0x190: {  	[hbm4b:s24+s4] =	stream.linear.scatter [tilespmem:s25], [sflag:$0x4], $0x80, $0x38;
	[tilespmem:$0x14A00] =	vst v63  }
0x191: {  	s24 =	sadd.s32 $0xA0, s22;
	s25 =	simm.s32 $0xD0E0  }
0x192: {  	[hbm4b:s24+s4] =	stream.linear.scatter [tilespmem:s25], [sflag:$0x4], $0x80, $0x38;
	[tilespmem:$0x14A00] =	vst v63  }
0x193: {  	s24 =	sadd.s32 $0xB0, s22;
	s25 =	simm.s32 $0xD168  }
0x194: {  	[hbm4b:s24+s4] =	stream.linear.scatter [tilespmem:s25], [sflag:$0x4], $0x80, $0x38;
	[tilespmem:$0x14A00] =	vst v63  }
0x195: {  	s24 =	sadd.s32 $0xC0, s22;
	s25 =	simm.s32 $0xD1F0  }
0x196: {  	[hbm4b:s24+s4] =	stream.linear.scatter [tilespmem:s25], [sflag:$0x4], $0x80, $0x38;
	[tilespmem:$0x14A00] =	vst v63  }
0x197: {  	s24 =	sadd.s32 $0xD0, s22;
	s25 =	simm.s32 $0xD278  }
0x198: {  	[hbm4b:s24+s4] =	stream.linear.scatter [tilespmem:s25], [sflag:$0x4], $0x80, $0x38;
	[tilespmem:$0x14A00] =	vst v63  }
0x199: {  	s24 =	sadd.s32 $0xE0, s22;
	s25 =	simm.s32 $0xD300  }
0x19a: {  	[hbm4b:s24+s4] =	stream.linear.scatter [tilespmem:s25], [sflag:$0x4], $0x80, $0x38;
	[tilespmem:$0x14A00] =	vst v63  }
0x19b: {  	s24 =	sadd.s32 $0xF0, s22;
	s25 =	simm.s32 $0xD388  }
0x19c: {  	[hbm4b:s24+s4] =	stream.linear.scatter [tilespmem:s25], [sflag:$0x4], $0x80, $0x38;
	[tilespmem:$0x14A00] =	vst v63  }
0x19d: {  	s24 =	sadd.s32 $0x100, s22;
	s25 =	simm.s32 $0xD520  }
0x19e: {  	[hbm4b:s24+s4] =	stream.linear.scatter [tilespmem:s25], [sflag:$0x4], $0x80, $0x38;
	[tilespmem:$0x14A00] =	vst v63  }
0x19f: {  	s24 =	sadd.s32 $0x110, s22;
	s25 =	simm.s32 $0xD5A8  }
0x1a0: {  	[hbm4b:s24+s4] =	stream.linear.scatter [tilespmem:s25], [sflag:$0x4], $0x80, $0x38;
	[tilespmem:$0x14A00] =	vst v63  }
0x1a1: {  	s24 =	sadd.s32 $0x120, s22;
	s25 =	simm.s32 $0xD630  }
0x1a2: {  	[hbm4b:s24+s4] =	stream.linear.scatter [tilespmem:s25], [sflag:$0x4], $0x80, $0x38;
	[tilespmem:$0x14A00] =	vst v63  }
0x1a3: {  	s24 =	sadd.s32 $0x130, s22;
	s25 =	simm.s32 $0xD6B8  }
0x1a4: {  	[hbm4b:s24+s4] =	stream.linear.scatter [tilespmem:s25], [sflag:$0x4], $0x80, $0x38;
	[tilespmem:$0x14A00] =	vst v63  }
0x1a5: {  	s24 =	sadd.s32 $0x140, s22;
	s25 =	simm.s32 $0xD740  }
0x1a6: {  	[hbm4b:s24+s4] =	stream.linear.scatter [tilespmem:s25], [sflag:$0x4], $0x80, $0x38;
	[tilespmem:$0x14A00] =	vst v63  }
0x1a7: {  	s24 =	sadd.s32 $0x150, s22;
	s25 =	simm.s32 $0xD7C8  }
0x1a8: {  	[hbm4b:s24+s4] =	stream.linear.scatter [tilespmem:s25], [sflag:$0x4], $0x80, $0x38;
	[tilespmem:$0x14A00] =	vst v63  }
0x1a9: {  	s24 =	sadd.s32 $0x160, s22;
	s25 =	simm.s32 $0xD850  }
0x1aa: {  	[hbm4b:s24+s4] =	stream.linear.scatter [tilespmem:s25], [sflag:$0x4], $0x80, $0x38;
	[tilespmem:$0x14A00] =	vst v63  }
0x1ab: {  	s24 =	sadd.s32 $0x170, s22;
	s25 =	simm.s32 $0xD8D8  }
0x1ac: {  	[hbm4b:s24+s4] =	stream.linear.scatter [tilespmem:s25], [sflag:$0x4], $0x80, $0x38;
	[tilespmem:$0x14A00] =	vst v63  }
0x1ad: {  	s24 =	sadd.s32 $0x180, s22;
	s25 =	simm.s32 $0xDA70  }
0x1ae: {  	[hbm4b:s24+s4] =	stream.linear.scatter [tilespmem:s25], [sflag:$0x4], $0x80, $0x38;
	[tilespmem:$0x14A00] =	vst v63  }
0x1af: {  	s24 =	sadd.s32 $0x190, s22;
	s25 =	simm.s32 $0xDAF8  }
0x1b0: {  	[hbm4b:s24+s4] =	stream.linear.scatter [tilespmem:s25], [sflag:$0x4], $0x80, $0x38;
	[tilespmem:$0x14A00] =	vst v63  }
0x1b1: {  	s24 =	sadd.s32 $0x1A0, s22;
	s25 =	simm.s32 $0xDB80  }
0x1b2: {  	[hbm4b:s24+s4] =	stream.linear.scatter [tilespmem:s25], [sflag:$0x4], $0x80, $0x38;
	[tilespmem:$0x14A00] =	vst v63  }
0x1b3: {  	s24 =	sadd.s32 $0x1B0, s22;
	s25 =	simm.s32 $0xDC08  }
0x1b4: {  	[hbm4b:s24+s4] =	stream.linear.scatter [tilespmem:s25], [sflag:$0x4], $0x80, $0x38;
	[tilespmem:$0x14A00] =	vst v63  }
0x1b5: {  	s24 =	sadd.s32 $0x1C0, s22;
	s25 =	simm.s32 $0xDC90  }
0x1b6: {  	[hbm4b:s24+s4] =	stream.linear.scatter [tilespmem:s25], [sflag:$0x4], $0x80, $0x38;
	[tilespmem:$0x14A00] =	vst v63  }
0x1b7: {  	s24 =	sadd.s32 $0x1D0, s22;
	s25 =	simm.s32 $0xDD18  }
0x1b8: {  	[hbm4b:s24+s4] =	stream.linear.scatter [tilespmem:s25], [sflag:$0x4], $0x80, $0x38;
	[tilespmem:$0x14A00] =	vst v63  }
0x1b9: {  	s24 =	sadd.s32 $0x1E0, s22;
	s25 =	simm.s32 $0xDDA0  }
0x1ba: {  	[hbm4b:s24+s4] =	stream.linear.scatter [tilespmem:s25], [sflag:$0x4], $0x80, $0x38;
	[tilespmem:$0x14A00] =	vst v63  }
0x1bb: {  	s22 =	sadd.s32 $0x1F0, s22;
	s24 =	simm.s32 $0xDE28  }
0x1bc: {  	[hbm4b:s22+s4] =	stream.linear.scatter [tilespmem:s24], [sflag:$0x4], $0x80, $0x38;
	[tilespmem:$0x14A00] =	vst v63  }
0x1bd: {  	s25 =	simm.s32 $0xDFC0;
	s22 =	sadd.s32 s20, s11  }
0x1be: {  	[hbm4b:s22+s4] =	stream.linear.scatter [tilespmem:s25], [sflag:$0x4], $0x80, $0x38;
	[tilespmem:$0x14A00] =	vst v63  }
0x1bf: {  	s24 =	sadd.s32 $0x10, s22;
	s25 =	simm.s32 $0xE048  }
0x1c0: {  	[hbm4b:s24+s4] =	stream.linear.scatter [tilespmem:s25], [sflag:$0x4], $0x80, $0x38;
	[tilespmem:$0x14A00] =	vst v63  }
0x1c1: {  	s24 =	sadd.s32 $0x20, s22;
	s25 =	simm.s32 $0xE0D0  }
0x1c2: {  	[hbm4b:s24+s4] =	stream.linear.scatter [tilespmem:s25], [sflag:$0x4], $0x80, $0x38;
	[tilespmem:$0x14A00] =	vst v63  }
0x1c3: {  	s24 =	sadd.s32 $0x30, s22;
	s25 =	simm.s32 $0xE158  }
0x1c4: {  	[hbm4b:s24+s4] =	stream.linear.scatter [tilespmem:s25], [sflag:$0x4], $0x80, $0x38;
	[tilespmem:$0x14A00] =	vst v63  }
0x1c5: {  	s24 =	sadd.s32 $0x40, s22;
	s25 =	simm.s32 $0xE1E0  }
0x1c6: {  	[hbm4b:s24+s4] =	stream.linear.scatter [tilespmem:s25], [sflag:$0x4], $0x80, $0x38;
	[tilespmem:$0x14A00] =	vst v63  }
0x1c7: {  	s24 =	sadd.s32 $0x50, s22;
	s25 =	simm.s32 $0xE268  }
0x1c8: {  	[hbm4b:s24+s4] =	stream.linear.scatter [tilespmem:s25], [sflag:$0x4], $0x80, $0x38;
	[tilespmem:$0x14A00] =	vst v63  }
0x1c9: {  	s24 =	sadd.s32 $0x60, s22;
	s25 =	simm.s32 $0xE2F0  }
0x1ca: {  	[hbm4b:s24+s4] =	stream.linear.scatter [tilespmem:s25], [sflag:$0x4], $0x80, $0x38;
	[tilespmem:$0x14A00] =	vst v63  }
0x1cb: {  	s24 =	sadd.s32 $0x70, s22;
	s25 =	simm.s32 $0xE378  }
0x1cc: {  	[hbm4b:s24+s4] =	stream.linear.scatter [tilespmem:s25], [sflag:$0x4], $0x80, $0x38;
	[tilespmem:$0x14A00] =	vst v63  }
0x1cd: {  	s24 =	sadd.s32 $0x80, s22;
	s25 =	simm.s32 $0xE510  }
0x1ce: {  	[hbm4b:s24+s4] =	stream.linear.scatter [tilespmem:s25], [sflag:$0x4], $0x80, $0x38;
	[tilespmem:$0x14A00] =	vst v63  }
0x1cf: {  	s24 =	sadd.s32 $0x90, s22;
	s25 =	simm.s32 $0xE598  }
0x1d0: {  	[hbm4b:s24+s4] =	stream.linear.scatter [tilespmem:s25], [sflag:$0x4], $0x80, $0x38;
	[tilespmem:$0x14A00] =	vst v63  }
0x1d1: {  	s24 =	sadd.s32 $0xA0, s22;
	s25 =	simm.s32 $0xE620  }
0x1d2: {  	[hbm4b:s24+s4] =	stream.linear.scatter [tilespmem:s25], [sflag:$0x4], $0x80, $0x38;
	[tilespmem:$0x14A00] =	vst v63  }
0x1d3: {  	s24 =	sadd.s32 $0xB0, s22;
	s25 =	simm.s32 $0xE6A8  }
0x1d4: {  	[hbm4b:s24+s4] =	stream.linear.scatter [tilespmem:s25], [sflag:$0x4], $0x80, $0x38;
	[tilespmem:$0x14A00] =	vst v63  }
0x1d5: {  	s24 =	sadd.s32 $0xC0, s22;
	s25 =	simm.s32 $0xE730  }
0x1d6: {  	[hbm4b:s24+s4] =	stream.linear.scatter [tilespmem:s25], [sflag:$0x4], $0x80, $0x38;
	[tilespmem:$0x14A00] =	vst v63  }
0x1d7: {  	s24 =	sadd.s32 $0xD0, s22;
	s25 =	simm.s32 $0xE7B8  }
0x1d8: {  	[hbm4b:s24+s4] =	stream.linear.scatter [tilespmem:s25], [sflag:$0x4], $0x80, $0x38;
	[tilespmem:$0x14A00] =	vst v63  }
0x1d9: {  	s24 =	sadd.s32 $0xE0, s22;
	s25 =	simm.s32 $0xE840  }
0x1da: {  	[hbm4b:s24+s4] =	stream.linear.scatter [tilespmem:s25], [sflag:$0x4], $0x80, $0x38;
	[tilespmem:$0x14A00] =	vst v63  }
0x1db: {  	s24 =	sadd.s32 $0xF0, s22;
	s25 =	simm.s32 $0xE8C8  }
0x1dc: {  	[hbm4b:s24+s4] =	stream.linear.scatter [tilespmem:s25], [sflag:$0x4], $0x80, $0x38;
	[tilespmem:$0x14A00] =	vst v63  }
0x1dd: {  	s24 =	sadd.s32 $0x100, s22;
	s25 =	simm.s32 $0xEA60  }
0x1de: {  	[hbm4b:s24+s4] =	stream.linear.scatter [tilespmem:s25], [sflag:$0x4], $0x80, $0x38;
	[tilespmem:$0x14A00] =	vst v63  }
0x1df: {  	s24 =	sadd.s32 $0x110, s22;
	s25 =	simm.s32 $0xEAE8  }
0x1e0: {  	[hbm4b:s24+s4] =	stream.linear.scatter [tilespmem:s25], [sflag:$0x4], $0x80, $0x38;
	[tilespmem:$0x14A00] =	vst v63  }
0x1e1: {  	s24 =	sadd.s32 $0x120, s22;
	s25 =	simm.s32 $0xEB70  }
0x1e2: {  	[hbm4b:s24+s4] =	stream.linear.scatter [tilespmem:s25], [sflag:$0x4], $0x80, $0x38;
	[tilespmem:$0x14A00] =	vst v63  }
0x1e3: {  	s24 =	sadd.s32 $0x130, s22;
	s25 =	simm.s32 $0xEBF8  }
0x1e4: {  	[hbm4b:s24+s4] =	stream.linear.scatter [tilespmem:s25], [sflag:$0x4], $0x80, $0x38;
	[tilespmem:$0x14A00] =	vst v63  }
0x1e5: {  	s24 =	sadd.s32 $0x140, s22;
	s25 =	simm.s32 $0xEC80  }
0x1e6: {  	[hbm4b:s24+s4] =	stream.linear.scatter [tilespmem:s25], [sflag:$0x4], $0x80, $0x38;
	[tilespmem:$0x14A00] =	vst v63  }
0x1e7: {  	s24 =	sadd.s32 $0x150, s22;
	s25 =	simm.s32 $0xED08  }
0x1e8: {  	[hbm4b:s24+s4] =	stream.linear.scatter [tilespmem:s25], [sflag:$0x4], $0x80, $0x38;
	[tilespmem:$0x14A00] =	vst v63  }
0x1e9: {  	s24 =	sadd.s32 $0x160, s22;
	s25 =	simm.s32 $0xED90  }
0x1ea: {  	[hbm4b:s24+s4] =	stream.linear.scatter [tilespmem:s25], [sflag:$0x4], $0x80, $0x38;
	[tilespmem:$0x14A00] =	vst v63  }
0x1eb: {  	s24 =	sadd.s32 $0x170, s22;
	s25 =	simm.s32 $0xEE18  }
0x1ec: {  	[hbm4b:s24+s4] =	stream.linear.scatter [tilespmem:s25], [sflag:$0x4], $0x80, $0x38;
	[tilespmem:$0x14A00] =	vst v63  }
0x1ed: {  	s24 =	sadd.s32 $0x180, s22;
	s25 =	simm.s32 $0xEFB0  }
0x1ee: {  	[hbm4b:s24+s4] =	stream.linear.scatter [tilespmem:s25], [sflag:$0x4], $0x80, $0x38;
	[tilespmem:$0x14A00] =	vst v63  }
0x1ef: {  	s24 =	sadd.s32 $0x190, s22;
	s25 =	simm.s32 $0xF038  }
0x1f0: {  	[hbm4b:s24+s4] =	stream.linear.scatter [tilespmem:s25], [sflag:$0x4], $0x80, $0x38;
	[tilespmem:$0x14A00] =	vst v63  }
0x1f1: {  	s24 =	sadd.s32 $0x1A0, s22;
	s25 =	simm.s32 $0xF0C0  }
0x1f2: {  	[hbm4b:s24+s4] =	stream.linear.scatter [tilespmem:s25], [sflag:$0x4], $0x80, $0x38;
	[tilespmem:$0x14A00] =	vst v63  }
0x1f3: {  	s24 =	sadd.s32 $0x1B0, s22;
	s25 =	simm.s32 $0xF148  }
0x1f4: {  	[hbm4b:s24+s4] =	stream.linear.scatter [tilespmem:s25], [sflag:$0x4], $0x80, $0x38;
	[tilespmem:$0x14A00] =	vst v63  }
0x1f5: {  	s24 =	sadd.s32 $0x1C0, s22;
	s25 =	simm.s32 $0xF1D0  }
0x1f6: {  	[hbm4b:s24+s4] =	stream.linear.scatter [tilespmem:s25], [sflag:$0x4], $0x80, $0x38;
	[tilespmem:$0x14A00] =	vst v63  }
0x1f7: {  	s24 =	sadd.s32 $0x1D0, s22;
	s25 =	simm.s32 $0xF258  }
0x1f8: {  	[hbm4b:s24+s4] =	stream.linear.scatter [tilespmem:s25], [sflag:$0x4], $0x80, $0x38;
	[tilespmem:$0x14A00] =	vst v63  }
0x1f9: {  	p0 =	seq.s32 s19, $0x63;
	s24 =	sadd.s32 $0x1E0, s22;
	s25 =	simm.s32 $0xF2E0  }
0x1fa: {  	[hbm4b:s24+s4] =	stream.linear.scatter [tilespmem:s25], [sflag:$0x4], $0x80, $0x38;
	[tilespmem:$0x14A00] =	vst v63  }
0x1fb: {  	s21 =	sadd.s32 @!p0 $0x2, s21;
	s22 =	sadd.s32 $0x1F0, s22;
	s25 =	simm.s32 $0xF368  }
0x1fc: {  	[hbm4b:s22+s4] =	stream.linear.scatter [tilespmem:s25], [sflag:$0x4], $0x80, $0x38;
	[tilespmem:$0x14A00] =	vst v63  }
0x1fd: {  	s22 =	sand.u32 @!p0 $0x6, s21  }
0x1fe: {  	p1 =	sne.s32 @!p0 s22, $0x0  }
0x1ff: {  	p1 =	por p1, p0  }
0x200: {  	s21 =	sshll.u32 @!p0 s21, $0x9;
	s23 =	simm.s32 @!p1 $0x1  }
0x201: {  	s21 =	sand.u32 @!p0 $0x1000, s21;
	s22 =	sshll.u32 @!p0 s22, $0x7;
	_ =	swait.ge @!p1 [sflag:s23], $0x1000  }
0x202: {  	s21 =	sor.u32 @!p0 s22, s21;
	[sflag:s23] =	ssyncset.done @!p1 $0x0  }
0x203: {  	s22 =	simm.s32 @!p0 $0x80;
	[sflag:s23] =	ssyncadd.s32 @!p1 $0xFFFFF000;
	s23 =	simm.s32 @!p0 $0x2000  }
0x204: {  	[tilespmem:s23], [sflag:$0x2] =	stream.indirect.gather @!p0 [hbm4b:s6+s22], $0x20, s21, s22, $0xb8;
	[tilespmem:$0x14A00] =	vst v63  }
0x205: {  	s24 =	simm.s32 @!p0 $0x3000;
	s23 =	sor.u32 @!p0 $0x400, s21  }
0x206: {  	[tilespmem:s24], [sflag:$0x2] =	stream.indirect.gather @!p0 [hbm4b:s6+s22], $0x20, s23, s22, $0xb8;
	[tilespmem:$0x14A00] =	vst v63  }
0x207: {  	s23 =	sor.u32 @!p0 $0x800, s21;
	s24 =	simm.s32 @!p0 $0x4000  }
0x208: {  	[tilespmem:s24], [sflag:$0x2] =	stream.indirect.gather @!p0 [hbm4b:s6+s22], $0x20, s23, s22, $0xb8;
	[tilespmem:$0x14A00] =	vst v63  }
0x209: {  	p1 =	seq.s32 @!p0 s19, $0x0;
	s21 =	sor.u32 @!p0 $0xC00, s21;
	s23 =	simm.s32 @!p0 $0x5000  }
0x20a: {  	[tilespmem:s23], [sflag:$0x2] =	stream.indirect.gather @!p0 [hbm4b:s6+s22], $0x20, s21, s22, $0xb8;
	[tilespmem:$0x14A00] =	vst v63  }
0x20b: {  	p0 =	por p0, !p1  }
0x20c: {  	_ =	swait.ge @p0 [sflag:s2], $0x1000  }
0x20d: {  	[sflag:s2] =	ssyncset.done @p0 $0x0  }
0x20e: {  	[sflag:s2] =	ssyncadd.s32 @p0 $0xFFFFF000  }
0x20f: {  	_ =	swait.ge @p0 [sflag:s2], $0x1000  }
0x210: {  	[sflag:s2] =	ssyncset.done @p0 $0x0  }
0x211: {  	[sflag:s2] =	ssyncadd.s32 @p0 $0xFFFFF000  }
0x212: {  	_ =	swait.ge @p0 [sflag:s2], $0x1000  }
0x213: {  	[sflag:s2] =	ssyncset.done @p0 $0x0  }
0x214: {  	[sflag:s2] =	ssyncadd.s32 @p0 $0xFFFFF000  }
0x215: {  	_ =	swait.ge @p0 [sflag:s2], $0x1000  }
0x216: {  	[sflag:s2] =	ssyncset.done @p0 $0x0  }
0x217: {  	[sflag:s2] =	ssyncadd.s32 @p0 $0xFFFFF000  }
0x218: {  	_ =	swait.ge [sflag:s7], $0x1000  }
0x219: {  	[sflag:s7] =	ssyncset.done $0x0  }
0x21a: {  	[sflag:s7] =	ssyncadd.s32 $0xFFFFF000  }
0x21b: {  	_ =	swait.ge [sflag:s7], $0x1000  }
0x21c: {  	[sflag:s7] =	ssyncset.done $0x0  }
0x21d: {  	[sflag:s7] =	ssyncadd.s32 $0xFFFFF000  }
0x21e: {  	_ =	swait.ge [sflag:s7], $0x1000  }
0x21f: {  	[sflag:s7] =	ssyncset.done $0x0  }
0x220: {  	[sflag:s7] =	ssyncadd.s32 $0xFFFFF000  }
0x221: {  	s23 =	simm.s32 $0x3;
	_ =	swait.ge [sflag:s7], $0x1000  }
0x222: {  	s24 =	simm.s32 $0x0;
	v8 =	vmov s23;
	[sflag:s7] =	ssyncset.done $0x0  }
0x223: {  	v9 =	vmov s24;
	s22 =	simm.s32 $0x6000;
	v15 =	vand.u32 $0x7F, v8;
	[sflag:s7] =	ssyncadd.s32 $0xFFFFF000  }
0x224: {  	v12 =	vand.u32 $0x7C, v9;
	v9 =	vadd.s32 v0, v15;
	v8 =	vld [tilespmem:s22+$0x60]  }
0x225: {  	s25 =	simm.s32 $0x1;
	v11 =	vadd.s32 v0, v12;
	v10 =	vld [tilespmem:s22+$0x0]  }
0x226: {  	v13 =	vmov s25;
	s23 =	simm.s32 $0x2  }
0x227: {  	v14 =	vand.u32 $0x7D, v13;
	v13 =	vmov s23  }
0x228: {  	v17 =	vadd.s32 v0, v14;
	v13 =	vand.u32 $0x7E, v13;
	v16 =	vld [tilespmem:s22+$0x20]  }
0x229: {  	v19 =	vadd.s32 v0, v13;
	v18 =	vld [tilespmem:s22+$0x40];
	[tilespmem:v9+s16+$0x0] =	vst.idx.msk $0xffff, v8  }
0x22a: {  	[tilespmem:v11+s16+$0x0] =	vst.idx.msk $0xffff, v10;
	v9 =	vadd.s32 v1, v15;
	v8 =	vld [tilespmem:s22+$0x70]  }
0x22b: {  	v11 =	vadd.s32 v1, v12;
	v10 =	vld [tilespmem:s22+$0x10];
	_ =	sdelay $0x1  }
0x22c: {  	[tilespmem:v17+s16+$0x0] =	vst.idx.msk $0xffff, v16  }
0x22d: {  	v17 =	vadd.s32 v1, v14;
	[tilespmem:v19+s16+$0x0] =	vst.idx.msk $0xffff, v18;
	v16 =	vld [tilespmem:s22+$0x30]  }
0x22e: {  	v19 =	vadd.s32 v1, v13;
	v18 =	vld [tilespmem:s22+$0x50];
	[tilespmem:v9+s16+$0x0] =	vst.idx.msk $0xffff, v8  }
0x22f: {  	[tilespmem:v11+s16+$0x0] =	vst.idx.msk $0xffff, v10;
	v9 =	vadd.s32 v2, v15;
	v8 =	vld [tilespmem:s22+$0x1060]  }
0x230: {  	v11 =	vadd.s32 v2, v12;
	v10 =	vld [tilespmem:s22+$0x1000];
	_ =	sdelay $0x1  }
0x231: {  	[tilespmem:v17+s16+$0x0] =	vst.idx.msk $0xffff, v16  }
0x232: {  	v17 =	vadd.s32 v2, v14;
	[tilespmem:v19+s16+$0x0] =	vst.idx.msk $0xffff, v18;
	v16 =	vld [tilespmem:s22+$0x1020]  }
0x233: {  	v19 =	vadd.s32 v2, v13;
	v18 =	vld [tilespmem:s22+$0x1040];
	[tilespmem:v9+s16+$0x0] =	vst.idx.msk $0xffff, v8  }
0x234: {  	[tilespmem:v11+s16+$0x0] =	vst.idx.msk $0xffff, v10;
	v9 =	vadd.s32 v3, v15;
	v8 =	vld [tilespmem:s22+$0x1070]  }
0x235: {  	v11 =	vadd.s32 v3, v12;
	v10 =	vld [tilespmem:s22+$0x1010];
	_ =	sdelay $0x1  }
0x236: {  	[tilespmem:v17+s16+$0x0] =	vst.idx.msk $0xffff, v16  }
0x237: {  	v17 =	vadd.s32 v3, v14;
	[tilespmem:v19+s16+$0x0] =	vst.idx.msk $0xffff, v18;
	v16 =	vld [tilespmem:s22+$0x1030]  }
0x238: {  	v19 =	vadd.s32 v3, v13;
	v18 =	vld [tilespmem:s22+$0x1050];
	[tilespmem:v9+s16+$0x0] =	vst.idx.msk $0xffff, v8  }
0x239: {  	[tilespmem:v11+s16+$0x0] =	vst.idx.msk $0xffff, v10;
	v9 =	vadd.s32 v4, v15;
	v8 =	vld [tilespmem:s22+$0x2060]  }
0x23a: {  	v11 =	vadd.s32 v4, v12;
	v10 =	vld [tilespmem:s22+$0x2000];
	_ =	sdelay $0x1  }
0x23b: {  	[tilespmem:v17+s16+$0x0] =	vst.idx.msk $0xffff, v16  }
0x23c: {  	v17 =	vadd.s32 v4, v14;
	[tilespmem:v19+s16+$0x0] =	vst.idx.msk $0xffff, v18;
	v16 =	vld [tilespmem:s22+$0x2020]  }
0x23d: {  	s24 =	simm.s32 $0x7;
	v19 =	vadd.s32 v4, v13;
	v18 =	vld [tilespmem:s22+$0x2040];
	[tilespmem:v9+s16+$0x0] =	vst.idx.msk $0xffff, v8  }
0x23e: {  	s25 =	simm.s32 $0x4;
	v21 =	vadd.s32 v5, v15;
	v8 =	vmov s24;
	[tilespmem:v11+s16+$0x0] =	vst.idx.msk $0xffff, v10;
	v20 =	vld [tilespmem:s22+$0x2070]  }
0x23f: {  	s21 =	simm.s32 $0x6080;
	v23 =	vadd.s32 v5, v12;
	v9 =	vmov s25;
	s24 =	simm.s32 $0x5;
	v11 =	vand.u32 $0x7F, v8;
	v22 =	vld [tilespmem:s22+$0x2010]  }
0x240: {  	v50 =	vld [tilespmem:s21+$0x60];
	s25 =	simm.s32 $0x6;
	v8 =	vand.u32 $0x7C, v9;
	v9 =	vmov s24;
	v51 =	vadd.s32 v0, v11  }
0x241: {  	[tilespmem:v17+s16+$0x0] =	vst.idx.msk $0xffff, v16;
	v16 =	vld [tilespmem:s21+$0x0];
	v17 =	vadd.s32 v0, v8;
	v10 =	vand.u32 $0x7D, v9;
	v9 =	vmov s25  }
0x242: {  	[tilespmem:v19+s16+$0x0] =	vst.idx.msk $0xffff, v18;
	v18 =	vld [tilespmem:s21+$0x20];
	v19 =	vadd.s32 v0, v10;
	v9 =	vand.u32 $0x7E, v9  }
0x243: {  	v52 =	vld [tilespmem:s21+$0x40];
	v53 =	vadd.s32 v0, v9;
	[tilespmem:v21+s16+$0x0] =	vst.idx.msk $0xffff, v20  }
0x244: {  	[tilespmem:v23+s16+$0x0] =	vst.idx.msk $0xffff, v22;
	v21 =	vadd.s32 v6, v15;
	v20 =	vld [tilespmem:s22+$0x3060]  }
0x245: {  	v22 =	vld [tilespmem:s22+$0x2030];
	v23 =	vadd.s32 v5, v14;
	[tilespmem:v51+s16+$0x0] =	vst.idx.msk $0xffff, v50  }
0x246: {  	[tilespmem:v17+s16+$0x0] =	vst.idx.msk $0xffff, v16;
	v17 =	vadd.s32 v1, v11;
	v16 =	vld [tilespmem:s21+$0x70]  }
0x247: {  	v55 =	vadd.s32 v1, v8;
	v54 =	vld [tilespmem:s21+$0x10];
	[tilespmem:v19+s16+$0x0] =	vst.idx.msk $0xffff, v18  }
0x248: {  	v19 =	vadd.s32 v1, v10;
	v18 =	vld [tilespmem:s21+$0x30];
	[tilespmem:v53+s16+$0x0] =	vst.idx.msk $0xffff, v52  }
0x249: {  	v56 =	vadd.s32 v1, v9;
	v26 =	vld [tilespmem:s21+$0x50];
	[tilespmem:v21+s16+$0x0] =	vst.idx.msk $0xffff, v20  }
0x24a: {  	v15 =	vadd.s32 v7, v15;
	[tilespmem:v23+s16+$0x0] =	vst.idx.msk $0xffff, v22;
	v20 =	vld [tilespmem:s22+$0x3070]  }
0x24b: {  	[tilespmem:v17+s16+$0x0] =	vst.idx.msk $0xffff, v16;
	v16 =	vld [tilespmem:s22+$0x2050];
	v17 =	vadd.s32 v5, v13  }
0x24c: {  	v22 =	vadd.s32 v2, v11;
	[tilespmem:v55+s16+$0x0] =	vst.idx.msk $0xffff, v54;
	v21 =	vld [tilespmem:s21+$0x1060]  }
0x24d: {  	v57 =	vadd.s32 v2, v8;
	v23 =	vld [tilespmem:s21+$0x1000];
	[tilespmem:v19+s16+$0x0] =	vst.idx.msk $0xffff, v18  }
0x24e: {  	v19 =	vadd.s32 v2, v10;
	v18 =	vld [tilespmem:s21+$0x1020];
	[tilespmem:v56+s16+$0x0] =	vst.idx.msk $0xffff, v26  }
0x24f: {  	v59 =	vadd.s32 v2, v9;
	v58 =	vld [tilespmem:s21+$0x1040];
	[tilespmem:v15+s16+$0x0] =	vst.idx.msk $0xffff, v20  }
0x250: {  	v15 =	vld [tilespmem:s22+$0x3020];
	v20 =	vadd.s32 v6, v14;
	[tilespmem:v17+s16+$0x0] =	vst.idx.msk $0xffff, v16  }
0x251: {  	v17 =	vadd.s32 v6, v13;
	[tilespmem:v22+s16+$0x0] =	vst.idx.msk $0xffff, v21;
	v16 =	vld [tilespmem:s22+$0x3040]  }
0x252: {  	[tilespmem:v57+s16+$0x0] =	vst.idx.msk $0xffff, v23;
	v22 =	vadd.s32 v3, v11;
	v21 =	vld [tilespmem:s21+$0x1070]  }
0x253: {  	v60 =	vadd.s32 v3, v8;
	v23 =	vld [tilespmem:s21+$0x1010];
	[tilespmem:v19+s16+$0x0] =	vst.idx.msk $0xffff, v18  }
0x254: {  	v19 =	vadd.s32 v3, v10;
	v18 =	vld [tilespmem:s21+$0x1030];
	[tilespmem:v59+s16+$0x0] =	vst.idx.msk $0xffff, v58  }
0x255: {  	v61 =	vadd.s32 v3, v9;
	v25 =	vld [tilespmem:s21+$0x1050];
	[tilespmem:v20+s16+$0x0] =	vst.idx.msk $0xffff, v15  }
0x256: {  	v62 =	vadd.s32 v6, v12;
	v15 =	vld [tilespmem:s22+$0x3000];
	[tilespmem:v17+s16+$0x0] =	vst.idx.msk $0xffff, v16  }
0x257: {  	v14 =	vadd.s32 v7, v14;
	v16 =	vld [tilespmem:s22+$0x3030];
	[tilespmem:v22+s16+$0x0] =	vst.idx.msk $0xffff, v21  }
0x258: {  	v63 =	vadd.s32 v4, v11;
	[tilespmem:v60+s16+$0x0] =	vst.idx.msk $0xffff, v23;
	v23 =	vld [tilespmem:s21+$0x2060]  }
0x259: {  	v22 =	vadd.s32 v4, v8;
	v20 =	vld [tilespmem:s21+$0x2000];
	[tilespmem:v19+s16+$0x0] =	vst.idx.msk $0xffff, v18  }
0x25a: {  	v21 =	vadd.s32 v4, v10;
	v18 =	vld [tilespmem:s21+$0x2020];
	[tilespmem:v61+s16+$0x0] =	vst.idx.msk $0xffff, v25  }
0x25b: {  	v19 =	vadd.s32 v4, v9;
	v17 =	vld [tilespmem:s21+$0x2040];
	[tilespmem:v62+s16+$0x0] =	vst.idx.msk $0xffff, v15  }
0x25c: {  	s23 =	simm.s32 $0x8;
	v13 =	vadd.s32 v7, v13;
	[tilespmem:v14+s16+$0x0] =	vst.idx.msk $0xffff, v16;
	v14 =	vld [tilespmem:s22+$0x3050]  }
0x25d: {  	s24 =	simm.s32 $0xC;
	s25 =	simm.s32 $0xB;
	v15 =	vld [tilespmem:s22+$0x3010];
	v16 =	vadd.s32 v7, v12;
	s22 =	simm.s32 $0x6080;
	[tilespmem:v63+s16+$0x0] =	vst.idx.msk $0xffff, v23  }
.LBB2_5:
0x25e: {  	p0 =	slt.u32 s24, $0x7C;
	v12 =	vmov s25;
	[tilespmem:v22+s16+$0x0] =	vst.idx.msk $0xffff, v20;
	v20 =	vld [tilespmem:s21+$0x2070];
	v22 =	vadd.s32 v5, v11  }
0x25f: {  	v23 =	vmov s23;
	s25 =	sadd.s32 $0x1, s23;
	v26 =	vadd.s32 v5, v8;
	s21 =	sadd.s32 $0x80, s21;
	v24 =	vand.u32 $0x7F, v12;
	v25 =	vld [tilespmem:s22+$0x2010];
	[tilespmem:v21+s16+$0x0] =	vst.idx.msk $0xffff, v18  }
0x260: {  	v12 =	vand.u32 $0x7C, v23;
	v18 =	vmov s25;
	s25 =	sadd.s32 $0x2, s23;
	s23 =	smov.u32 s24;
	v21 =	vld [tilespmem:s21+$0x60];
	v23 =	vadd.s32 v0, v24;
	[tilespmem:v19+s16+$0x0] =	vst.idx.msk $0xffff, v17  }
0x261: {  	v19 =	vadd.s32 v0, v12;
	v18 =	vand.u32 $0x7D, v18;
	v27 =	vmov s25;
	v17 =	vld [tilespmem:s21+$0x0];
	[tilespmem:v13+s16+$0x0] =	vst.idx.msk $0xffff, v14  }
0x262: {  	v14 =	vadd.s32 v0, v18;
	v27 =	vand.u32 $0x7E, v27;
	v13 =	vld [tilespmem:s21+$0x20];
	[tilespmem:v16+s16+$0x0] =	vst.idx.msk $0xffff, v15  }
0x263: {  	v16 =	vadd.s32 v0, v27;
	v15 =	vld [tilespmem:s21+$0x40];
	[tilespmem:v22+s16+$0x0] =	vst.idx.msk $0xffff, v20  }
0x264: {  	v22 =	vadd.s32 v6, v11;
	[tilespmem:v26+s16+$0x0] =	vst.idx.msk $0xffff, v25;
	v20 =	vld [tilespmem:s22+$0x3060]  }
0x265: {  	[tilespmem:v23+s16+$0x0] =	vst.idx.msk $0xffff, v21;
	v21 =	vld [tilespmem:s22+$0x2030];
	v23 =	vadd.s32 v5, v10  }
0x266: {  	[tilespmem:v19+s16+$0x0] =	vst.idx.msk $0xffff, v17;
	v17 =	vld [tilespmem:s21+$0x70];
	v19 =	vadd.s32 v1, v24  }
0x267: {  	v26 =	vadd.s32 v1, v12;
	v25 =	vld [tilespmem:s21+$0x10];
	[tilespmem:v14+s16+$0x0] =	vst.idx.msk $0xffff, v13  }
0x268: {  	v14 =	vadd.s32 v1, v18;
	v13 =	vld [tilespmem:s21+$0x30];
	[tilespmem:v16+s16+$0x0] =	vst.idx.msk $0xffff, v15  }
0x269: {  	v16 =	vadd.s32 v1, v27;
	v15 =	vld [tilespmem:s21+$0x50];
	[tilespmem:v22+s16+$0x0] =	vst.idx.msk $0xffff, v20  }
0x26a: {  	[tilespmem:v23+s16+$0x0] =	vst.idx.msk $0xffff, v21;
	v20 =	vld [tilespmem:s22+$0x3070];
	v21 =	vadd.s32 v7, v11;
	v11 =	vmov v24  }
0x26b: {  	[tilespmem:v19+s16+$0x0] =	vst.idx.msk $0xffff, v17;
	v17 =	vld [tilespmem:s22+$0x2050];
	v19 =	vadd.s32 v5, v9  }
0x26c: {  	v23 =	vadd.s32 v2, v11;
	[tilespmem:v26+s16+$0x0] =	vst.idx.msk $0xffff, v25;
	v22 =	vld [tilespmem:s21+$0x1060]  }
0x26d: {  	v25 =	vadd.s32 v2, v12;
	v24 =	vld [tilespmem:s21+$0x1000];
	[tilespmem:v14+s16+$0x0] =	vst.idx.msk $0xffff, v13  }
0x26e: {  	v14 =	vadd.s32 v2, v18;
	v13 =	vld [tilespmem:s21+$0x1020];
	[tilespmem:v16+s16+$0x0] =	vst.idx.msk $0xffff, v15  }
0x26f: {  	v16 =	vadd.s32 v2, v27;
	v15 =	vld [tilespmem:s21+$0x1040];
	[tilespmem:v21+s16+$0x0] =	vst.idx.msk $0xffff, v20  }
0x270: {  	v21 =	vadd.s32 v6, v10;
	v20 =	vld [tilespmem:s22+$0x3020];
	[tilespmem:v19+s16+$0x0] =	vst.idx.msk $0xffff, v17  }
0x271: {  	v19 =	vadd.s32 v6, v9;
	[tilespmem:v23+s16+$0x0] =	vst.idx.msk $0xffff, v22;
	v17 =	vld [tilespmem:s22+$0x3040]  }
0x272: {  	v23 =	vadd.s32 v3, v11;
	[tilespmem:v25+s16+$0x0] =	vst.idx.msk $0xffff, v24;
	v22 =	vld [tilespmem:s21+$0x1070]  }
0x273: {  	v25 =	vadd.s32 v3, v12;
	v24 =	vld [tilespmem:s21+$0x1010];
	[tilespmem:v14+s16+$0x0] =	vst.idx.msk $0xffff, v13  }
0x274: {  	v14 =	vadd.s32 v3, v18;
	v13 =	vld [tilespmem:s21+$0x1030];
	[tilespmem:v16+s16+$0x0] =	vst.idx.msk $0xffff, v15  }
0x275: {  	v16 =	vadd.s32 v3, v27;
	v15 =	vld [tilespmem:s21+$0x1050];
	[tilespmem:v21+s16+$0x0] =	vst.idx.msk $0xffff, v20  }
0x276: {  	v28 =	vadd.s32 v6, v8;
	v26 =	vld [tilespmem:s22+$0x3000];
	[tilespmem:v19+s16+$0x0] =	vst.idx.msk $0xffff, v17  }
0x277: {  	v29 =	vadd.s32 v7, v10;
	v10 =	vmov v18;
	[tilespmem:v23+s16+$0x0] =	vst.idx.msk $0xffff, v22;
	v23 =	vld [tilespmem:s22+$0x3030]  }
0x278: {  	[tilespmem:v25+s16+$0x0] =	vst.idx.msk $0xffff, v24;
	v24 =	vld [tilespmem:s21+$0x2060];
	v25 =	vadd.s32 v4, v11  }
.Ltmp1:
0x279: {  	v22 =	vadd.s32 v4, v12;
	v20 =	vld [tilespmem:s21+$0x2000];
	[tilespmem:v14+s16+$0x0] =	vst.idx.msk $0xffff, v13;
	(pc) =	sbr.rel @p0 .LBB2_5-.Ltmp1, $4  }
0x27a: {  	v21 =	vadd.s32 v4, v10;
	v18 =	vld [tilespmem:s21+$0x2020];
	[tilespmem:v16+s16+$0x0] =	vst.idx.msk $0xffff, v15  }
0x27b: {  	v19 =	vadd.s32 v4, v27;
	v17 =	vld [tilespmem:s21+$0x2040];
	[tilespmem:v28+s16+$0x0] =	vst.idx.msk $0xffff, v26  }
0x27c: {  	v13 =	vadd.s32 v7, v9;
	v9 =	vmov v27;
	[tilespmem:v29+s16+$0x0] =	vst.idx.msk $0xffff, v23;
	v14 =	vld [tilespmem:s22+$0x3050]  }
0x27d: {  	s24 =	sadd.s32 $0x4, s24;
	s25 =	sadd.s32 $0x3, s23;
	v16 =	vadd.s32 v7, v8;
	v8 =	vmov v12;
	[tilespmem:v25+s16+$0x0] =	vst.idx.msk $0xffff, v24;
	v15 =	vld [tilespmem:s22+$0x3010];
	s22 =	smov.u32 s21  }
0x27e: {  	_ =	sdelay $0x1  }
0x27f: {  	v12 =	vmov s25  }
0x280: {  	s25 =	sadd.s32 $0x1, s23;
	s24 =	sadd.s32 $0x80, s21;
	v27 =	vmov s23;
	v12 =	vand.u32 $0x7F, v12  }
0x281: {  	[tilespmem:v22+s16+$0x0] =	vst.idx.msk $0xffff, v20;
	v23 =	vmov s25;
	s25 =	sadd.s32 $0x2, s23;
	v25 =	vld [tilespmem:s24+$0x60];
	v20 =	vand.u32 $0x7C, v27;
	v26 =	vadd.s32 v0, v12  }
0x282: {  	v35 =	vld [tilespmem:s24+$0x0];
	v24 =	vmov s25;
	v23 =	vand.u32 $0x7D, v23;
	v36 =	vadd.s32 v0, v20  }
0x283: {  	v28 =	vld [tilespmem:s24+$0x20];
	v29 =	vadd.s32 v0, v23;
	v24 =	vand.u32 $0x7E, v24  }
0x284: {  	v33 =	vld [tilespmem:s24+$0x40];
	[tilespmem:v21+s16+$0x0] =	vst.idx.msk $0xffff, v18;
	v34 =	vadd.s32 v0, v24  }
0x285: {  	[tilespmem:v19+s16+$0x0] =	vst.idx.msk $0xffff, v17  }
0x286: {  	[tilespmem:v26+s16+$0x0] =	vst.idx.msk $0xffff, v25  }
0x287: {  	v38 =	vadd.s32 v1, v12;
	[tilespmem:v36+s16+$0x0] =	vst.idx.msk $0xffff, v35;
	v37 =	vld [tilespmem:s24+$0x70]  }
0x288: {  	v44 =	vadd.s32 v1, v20;
	[tilespmem:v29+s16+$0x0] =	vst.idx.msk $0xffff, v28;
	v43 =	vld [tilespmem:s24+$0x10]  }
0x289: {  	v40 =	vadd.s32 v1, v23;
	v39 =	vld [tilespmem:s24+$0x30];
	[tilespmem:v34+s16+$0x0] =	vst.idx.msk $0xffff, v33  }
0x28a: {  	[tilespmem:v13+s16+$0x0] =	vst.idx.msk $0xffff, v14;
	v42 =	vadd.s32 v1, v24;
	v41 =	vld [tilespmem:s24+$0x50]  }
0x28b: {  	v45 =	vld [tilespmem:s21+$0x2070];
	v46 =	vadd.s32 v5, v11;
	[tilespmem:v16+s16+$0x0] =	vst.idx.msk $0xffff, v15  }
0x28c: {  	v48 =	vadd.s32 v5, v8;
	v47 =	vld [tilespmem:s22+$0x2010];
	[tilespmem:v38+s16+$0x0] =	vst.idx.msk $0xffff, v37  }
0x28d: {  	v49 =	vadd.s32 v2, v12;
	[tilespmem:v44+s16+$0x0] =	vst.idx.msk $0xffff, v43;
	v17 =	vld [tilespmem:s24+$0x1060]  }
0x28e: {  	v54 =	vadd.s32 v2, v20;
	[tilespmem:v40+s16+$0x0] =	vst.idx.msk $0xffff, v39;
	v53 =	vld [tilespmem:s24+$0x1000]  }
0x28f: {  	v50 =	vadd.s32 v2, v23;
	v25 =	vld [tilespmem:s24+$0x1020];
	[tilespmem:v42+s16+$0x0] =	vst.idx.msk $0xffff, v41  }
0x290: {  	v52 =	vadd.s32 v2, v24;
	[tilespmem:v46+s16+$0x0] =	vst.idx.msk $0xffff, v45;
	v51 =	vld [tilespmem:s24+$0x1040]  }
0x291: {  	v58 =	vadd.s32 v5, v10;
	v57 =	vld [tilespmem:s22+$0x2030];
	[tilespmem:v48+s16+$0x0] =	vst.idx.msk $0xffff, v47  }
0x292: {  	v31 =	vadd.s32 v5, v9;
	v30 =	vld [tilespmem:s22+$0x2050];
	[tilespmem:v49+s16+$0x0] =	vst.idx.msk $0xffff, v17  }
0x293: {  	v59 =	vadd.s32 v3, v12;
	[tilespmem:v54+s16+$0x0] =	vst.idx.msk $0xffff, v53;
	v17 =	vld [tilespmem:s24+$0x1070]  }
0x294: {  	v63 =	vadd.s32 v3, v20;
	[tilespmem:v50+s16+$0x0] =	vst.idx.msk $0xffff, v25;
	v62 =	vld [tilespmem:s24+$0x1010]  }
0x295: {  	v60 =	vadd.s32 v3, v23;
	v25 =	vld [tilespmem:s24+$0x1030];
	[tilespmem:v52+s16+$0x0] =	vst.idx.msk $0xffff, v51  }
0x296: {  	v61 =	vadd.s32 v3, v24;
	[tilespmem:v58+s16+$0x0] =	vst.idx.msk $0xffff, v57;
	v13 =	vld [tilespmem:s24+$0x1050]  }
0x297: {  	v56 =	vadd.s32 v6, v11;
	v55 =	vld [tilespmem:s22+$0x3060];
	[tilespmem:v31+s16+$0x0] =	vst.idx.msk $0xffff, v30  }
0x298: {  	v48 =	vadd.s32 v6, v8;
	v47 =	vld [tilespmem:s22+$0x3000];
	[tilespmem:v59+s16+$0x0] =	vst.idx.msk $0xffff, v17  }
0x299: {  	v32 =	vadd.s32 v4, v12;
	[tilespmem:v63+s16+$0x0] =	vst.idx.msk $0xffff, v62;
	v17 =	vld [tilespmem:s24+$0x2060]  }
0x29a: {  	v36 =	vadd.s32 v4, v20;
	[tilespmem:v60+s16+$0x0] =	vst.idx.msk $0xffff, v25;
	v35 =	vld [tilespmem:s24+$0x2000]  }
0x29b: {  	v33 =	vadd.s32 v4, v23;
	v25 =	vld [tilespmem:s24+$0x2020];
	[tilespmem:v61+s16+$0x0] =	vst.idx.msk $0xffff, v13  }
0x29c: {  	v34 =	vadd.s32 v4, v24;
	[tilespmem:v56+s16+$0x0] =	vst.idx.msk $0xffff, v55;
	v13 =	vld [tilespmem:s24+$0x2040]  }
0x29d: {  	v29 =	vadd.s32 v7, v11;
	v28 =	vld [tilespmem:s22+$0x3070];
	[tilespmem:v48+s16+$0x0] =	vst.idx.msk $0xffff, v47  }
0x29e: {  	v37 =	vld [tilespmem:s22+$0x3020];
	v38 =	vadd.s32 v6, v10;
	[tilespmem:v32+s16+$0x0] =	vst.idx.msk $0xffff, v17  }
0x29f: {  	v40 =	vadd.s32 v5, v12;
	[tilespmem:v36+s16+$0x0] =	vst.idx.msk $0xffff, v35;
	v17 =	vld [tilespmem:s24+$0x2070]  }
0x2a0: {  	v46 =	vadd.s32 v5, v20;
	[tilespmem:v33+s16+$0x0] =	vst.idx.msk $0xffff, v25;
	v45 =	vld [tilespmem:s24+$0x2010]  }
0x2a1: {  	v42 =	vadd.s32 v5, v23;
	[tilespmem:v34+s16+$0x0] =	vst.idx.msk $0xffff, v13;
	v41 =	vld [tilespmem:s24+$0x2030]  }
0x2a2: {  	v44 =	vadd.s32 v5, v24;
	[tilespmem:v29+s16+$0x0] =	vst.idx.msk $0xffff, v28;
	v43 =	vld [tilespmem:s24+$0x2050]  }
0x2a3: {  	v8 =	vadd.s32 v7, v8;
	v57 =	vld [tilespmem:s22+$0x3010];
	[tilespmem:v38+s16+$0x0] =	vst.idx.msk $0xffff, v37  }
0x2a4: {  	v21 =	vld [tilespmem:s22+$0x3040];
	v39 =	vadd.s32 v6, v9;
	[tilespmem:v40+s16+$0x0] =	vst.idx.msk $0xffff, v17  }
0x2a5: {  	v51 =	vadd.s32 v6, v12;
	[tilespmem:v46+s16+$0x0] =	vst.idx.msk $0xffff, v45;
	v17 =	vld [tilespmem:s24+$0x3060]  }
0x2a6: {  	v54 =	vadd.s32 v6, v20;
	[tilespmem:v42+s16+$0x0] =	vst.idx.msk $0xffff, v41;
	v16 =	vld [tilespmem:s24+$0x3000]  }
0x2a7: {  	v52 =	vadd.s32 v6, v23;
	v13 =	vld [tilespmem:s24+$0x3020];
	[tilespmem:v44+s16+$0x0] =	vst.idx.msk $0xffff, v43  }
0x2a8: {  	[tilespmem:v8+s16+$0x0] =	vst.idx.msk $0xffff, v57;
	v53 =	vadd.s32 v6, v24;
	v11 =	vld [tilespmem:s24+$0x3040]  }
0x2a9: {  	[tilespmem:v39+s16+$0x0] =	vst.idx.msk $0xffff, v21;
	v49 =	vld [tilespmem:s22+$0x3030];
	v50 =	vadd.s32 v7, v10  }
0x2aa: {  	v56 =	vadd.s32 v7, v9;
	v55 =	vld [tilespmem:s22+$0x3050];
	[tilespmem:v51+s16+$0x0] =	vst.idx.msk $0xffff, v17  }
0x2ab: {  	v12 =	vadd.s32 v7, v12;
	[tilespmem:v54+s16+$0x0] =	vst.idx.msk $0xffff, v16;
	v17 =	vld [tilespmem:s24+$0x3070]  }
0x2ac: {  	v63 =	vadd.s32 v7, v20;
	[tilespmem:v52+s16+$0x0] =	vst.idx.msk $0xffff, v13;
	v62 =	vld [tilespmem:s24+$0x3010]  }
0x2ad: {  	v59 =	vadd.s32 v7, v23;
	[tilespmem:v53+s16+$0x0] =	vst.idx.msk $0xffff, v11;
	v58 =	vld [tilespmem:s24+$0x3030]  }
0x2ae: {  	[tilespmem:v50+s16+$0x0] =	vst.idx.msk $0xffff, v49;
	v61 =	vadd.s32 v7, v24;
	v60 =	vld [tilespmem:s24+$0x3050]  }
0x2af: {  	[tilespmem:v56+s16+$0x0] =	vst.idx.msk $0xffff, v55  }
0x2b0: {  	[tilespmem:v12+s16+$0x0] =	vst.idx.msk $0xffff, v17  }
0x2b1: {  	[tilespmem:v63+s16+$0x0] =	vst.idx.msk $0xffff, v62  }
0x2b2: {  	[tilespmem:v59+s16+$0x0] =	vst.idx.msk $0xffff, v58  }
0x2b3: {  	s21 =	sadd.s32 s20, s12;
	[tilespmem:v61+s16+$0x0] =	vst.idx.msk $0xffff, v60  }
0x2b4: {  	[hbm4b:s21+s4] =	stream.linear.scatter [tilespmem:s16], [sflag:$0x4], $0x80, $0x38;
	[tilespmem:$0x14A00] =	vst v63  }
0x2b5: {  	s25 =	simm.s32 $0xF588;
	s24 =	sadd.s32 $0x10, s21  }
0x2b6: {  	[hbm4b:s24+s4] =	stream.linear.scatter [tilespmem:s25], [sflag:$0x4], $0x80, $0x38;
	[tilespmem:$0x14A00] =	vst v63  }
0x2b7: {  	s24 =	sadd.s32 $0x20, s21;
	s25 =	simm.s32 $0xF610  }
0x2b8: {  	[hbm4b:s24+s4] =	stream.linear.scatter [tilespmem:s25], [sflag:$0x4], $0x80, $0x38;
	[tilespmem:$0x14A00] =	vst v63  }
0x2b9: {  	s24 =	sadd.s32 $0x30, s21;
	s25 =	simm.s32 $0xF698  }
0x2ba: {  	[hbm4b:s24+s4] =	stream.linear.scatter [tilespmem:s25], [sflag:$0x4], $0x80, $0x38;
	[tilespmem:$0x14A00] =	vst v63  }
0x2bb: {  	s24 =	sadd.s32 $0x40, s21;
	s25 =	simm.s32 $0xF720  }
0x2bc: {  	[hbm4b:s24+s4] =	stream.linear.scatter [tilespmem:s25], [sflag:$0x4], $0x80, $0x38;
	[tilespmem:$0x14A00] =	vst v63  }
0x2bd: {  	s24 =	sadd.s32 $0x50, s21;
	s25 =	simm.s32 $0xF7A8  }
0x2be: {  	[hbm4b:s24+s4] =	stream.linear.scatter [tilespmem:s25], [sflag:$0x4], $0x80, $0x38;
	[tilespmem:$0x14A00] =	vst v63  }
0x2bf: {  	s24 =	sadd.s32 $0x60, s21;
	s25 =	simm.s32 $0xF830  }
0x2c0: {  	[hbm4b:s24+s4] =	stream.linear.scatter [tilespmem:s25], [sflag:$0x4], $0x80, $0x38;
	[tilespmem:$0x14A00] =	vst v63  }
0x2c1: {  	s24 =	sadd.s32 $0x70, s21;
	s25 =	simm.s32 $0xF8B8  }
0x2c2: {  	[hbm4b:s24+s4] =	stream.linear.scatter [tilespmem:s25], [sflag:$0x4], $0x80, $0x38;
	[tilespmem:$0x14A00] =	vst v63  }
0x2c3: {  	s24 =	sadd.s32 $0x80, s21;
	s25 =	simm.s32 $0xFA50  }
0x2c4: {  	[hbm4b:s24+s4] =	stream.linear.scatter [tilespmem:s25], [sflag:$0x4], $0x80, $0x38;
	[tilespmem:$0x14A00] =	vst v63  }
0x2c5: {  	s24 =	sadd.s32 $0x90, s21;
	s25 =	simm.s32 $0xFAD8  }
0x2c6: {  	[hbm4b:s24+s4] =	stream.linear.scatter [tilespmem:s25], [sflag:$0x4], $0x80, $0x38;
	[tilespmem:$0x14A00] =	vst v63  }
0x2c7: {  	s24 =	sadd.s32 $0xA0, s21;
	s25 =	simm.s32 $0xFB60  }
0x2c8: {  	[hbm4b:s24+s4] =	stream.linear.scatter [tilespmem:s25], [sflag:$0x4], $0x80, $0x38;
	[tilespmem:$0x14A00] =	vst v63  }
0x2c9: {  	s24 =	sadd.s32 $0xB0, s21;
	s25 =	simm.s32 $0xFBE8  }
0x2ca: {  	[hbm4b:s24+s4] =	stream.linear.scatter [tilespmem:s25], [sflag:$0x4], $0x80, $0x38;
	[tilespmem:$0x14A00] =	vst v63  }
0x2cb: {  	s24 =	sadd.s32 $0xC0, s21;
	s25 =	simm.s32 $0xFC70  }
0x2cc: {  	[hbm4b:s24+s4] =	stream.linear.scatter [tilespmem:s25], [sflag:$0x4], $0x80, $0x38;
	[tilespmem:$0x14A00] =	vst v63  }
0x2cd: {  	s24 =	sadd.s32 $0xD0, s21;
	s25 =	simm.s32 $0xFCF8  }
0x2ce: {  	[hbm4b:s24+s4] =	stream.linear.scatter [tilespmem:s25], [sflag:$0x4], $0x80, $0x38;
	[tilespmem:$0x14A00] =	vst v63  }
0x2cf: {  	s24 =	sadd.s32 $0xE0, s21;
	s25 =	simm.s32 $0xFD80  }
0x2d0: {  	[hbm4b:s24+s4] =	stream.linear.scatter [tilespmem:s25], [sflag:$0x4], $0x80, $0x38;
	[tilespmem:$0x14A00] =	vst v63  }
0x2d1: {  	s24 =	sadd.s32 $0xF0, s21;
	s25 =	simm.s32 $0xFE08  }
0x2d2: {  	[hbm4b:s24+s4] =	stream.linear.scatter [tilespmem:s25], [sflag:$0x4], $0x80, $0x38;
	[tilespmem:$0x14A00] =	vst v63  }
0x2d3: {  	s24 =	sadd.s32 $0x100, s21;
	s25 =	simm.s32 $0xFFA0  }
0x2d4: {  	[hbm4b:s24+s4] =	stream.linear.scatter [tilespmem:s25], [sflag:$0x4], $0x80, $0x38;
	[tilespmem:$0x14A00] =	vst v63  }
0x2d5: {  	s24 =	sadd.s32 $0x110, s21;
	s25 =	simm.s32 $0x10028  }
0x2d6: {  	[hbm4b:s24+s4] =	stream.linear.scatter [tilespmem:s25], [sflag:$0x4], $0x80, $0x38;
	[tilespmem:$0x14A00] =	vst v63  }
0x2d7: {  	s24 =	sadd.s32 $0x120, s21;
	s25 =	simm.s32 $0x100B0  }
0x2d8: {  	[hbm4b:s24+s4] =	stream.linear.scatter [tilespmem:s25], [sflag:$0x4], $0x80, $0x38;
	[tilespmem:$0x14A00] =	vst v63  }
0x2d9: {  	s24 =	sadd.s32 $0x130, s21;
	s25 =	simm.s32 $0x10138  }
0x2da: {  	[hbm4b:s24+s4] =	stream.linear.scatter [tilespmem:s25], [sflag:$0x4], $0x80, $0x38;
	[tilespmem:$0x14A00] =	vst v63  }
0x2db: {  	s24 =	sadd.s32 $0x140, s21;
	s25 =	simm.s32 $0x101C0  }
0x2dc: {  	[hbm4b:s24+s4] =	stream.linear.scatter [tilespmem:s25], [sflag:$0x4], $0x80, $0x38;
	[tilespmem:$0x14A00] =	vst v63  }
0x2dd: {  	s24 =	sadd.s32 $0x150, s21;
	s25 =	simm.s32 $0x10248  }
0x2de: {  	[hbm4b:s24+s4] =	stream.linear.scatter [tilespmem:s25], [sflag:$0x4], $0x80, $0x38;
	[tilespmem:$0x14A00] =	vst v63  }
0x2df: {  	s24 =	sadd.s32 $0x160, s21;
	s25 =	simm.s32 $0x102D0  }
0x2e0: {  	[hbm4b:s24+s4] =	stream.linear.scatter [tilespmem:s25], [sflag:$0x4], $0x80, $0x38;
	[tilespmem:$0x14A00] =	vst v63  }
0x2e1: {  	s24 =	sadd.s32 $0x170, s21;
	s25 =	simm.s32 $0x10358  }
0x2e2: {  	[hbm4b:s24+s4] =	stream.linear.scatter [tilespmem:s25], [sflag:$0x4], $0x80, $0x38;
	[tilespmem:$0x14A00] =	vst v63  }
0x2e3: {  	s24 =	sadd.s32 $0x180, s21;
	s25 =	simm.s32 $0x104F0  }
0x2e4: {  	[hbm4b:s24+s4] =	stream.linear.scatter [tilespmem:s25], [sflag:$0x4], $0x80, $0x38;
	[tilespmem:$0x14A00] =	vst v63  }
0x2e5: {  	s24 =	sadd.s32 $0x190, s21;
	s25 =	simm.s32 $0x10578  }
0x2e6: {  	[hbm4b:s24+s4] =	stream.linear.scatter [tilespmem:s25], [sflag:$0x4], $0x80, $0x38;
	[tilespmem:$0x14A00] =	vst v63  }
0x2e7: {  	s24 =	sadd.s32 $0x1A0, s21;
	s25 =	simm.s32 $0x10600  }
0x2e8: {  	[hbm4b:s24+s4] =	stream.linear.scatter [tilespmem:s25], [sflag:$0x4], $0x80, $0x38;
	[tilespmem:$0x14A00] =	vst v63  }
0x2e9: {  	s24 =	sadd.s32 $0x1B0, s21;
	s25 =	simm.s32 $0x10688  }
0x2ea: {  	[hbm4b:s24+s4] =	stream.linear.scatter [tilespmem:s25], [sflag:$0x4], $0x80, $0x38;
	[tilespmem:$0x14A00] =	vst v63  }
0x2eb: {  	s24 =	sadd.s32 $0x1C0, s21;
	s25 =	simm.s32 $0x10710  }
0x2ec: {  	[hbm4b:s24+s4] =	stream.linear.scatter [tilespmem:s25], [sflag:$0x4], $0x80, $0x38;
	[tilespmem:$0x14A00] =	vst v63  }
0x2ed: {  	s24 =	sadd.s32 $0x1D0, s21;
	s25 =	simm.s32 $0x10798  }
0x2ee: {  	[hbm4b:s24+s4] =	stream.linear.scatter [tilespmem:s25], [sflag:$0x4], $0x80, $0x38;
	[tilespmem:$0x14A00] =	vst v63  }
0x2ef: {  	s23 =	sadd.s32 $0x1E0, s21;
	s24 =	simm.s32 $0x10820  }
0x2f0: {  	[hbm4b:s23+s4] =	stream.linear.scatter [tilespmem:s24], [sflag:$0x4], $0x80, $0x38;
	[tilespmem:$0x14A00] =	vst v63  }
0x2f1: {  	s21 =	sadd.s32 $0x1F0, s21;
	s25 =	simm.s32 $0x108A8  }
0x2f2: {  	[hbm4b:s21+s4] =	stream.linear.scatter [tilespmem:s25], [sflag:$0x4], $0x80, $0x38;
	[tilespmem:$0x14A00] =	vst v63  }
0x2f3: {  	s23 =	simm.s32 $0x10A40;
	s21 =	sadd.s32 s20, s13  }
0x2f4: {  	[hbm4b:s21+s4] =	stream.linear.scatter [tilespmem:s23], [sflag:$0x4], $0x80, $0x38;
	[tilespmem:$0x14A00] =	vst v63  }
0x2f5: {  	s25 =	simm.s32 $0x10AC8;
	s24 =	sadd.s32 $0x10, s21  }
0x2f6: {  	[hbm4b:s24+s4] =	stream.linear.scatter [tilespmem:s25], [sflag:$0x4], $0x80, $0x38;
	[tilespmem:$0x14A00] =	vst v63  }
0x2f7: {  	s24 =	sadd.s32 $0x20, s21;
	s25 =	simm.s32 $0x10B50  }
0x2f8: {  	[hbm4b:s24+s4] =	stream.linear.scatter [tilespmem:s25], [sflag:$0x4], $0x80, $0x38;
	[tilespmem:$0x14A00] =	vst v63  }
0x2f9: {  	s24 =	sadd.s32 $0x30, s21;
	s25 =	simm.s32 $0x10BD8  }
0x2fa: {  	[hbm4b:s24+s4] =	stream.linear.scatter [tilespmem:s25], [sflag:$0x4], $0x80, $0x38;
	[tilespmem:$0x14A00] =	vst v63  }
0x2fb: {  	s24 =	sadd.s32 $0x40, s21;
	s25 =	simm.s32 $0x10C60  }
0x2fc: {  	[hbm4b:s24+s4] =	stream.linear.scatter [tilespmem:s25], [sflag:$0x4], $0x80, $0x38;
	[tilespmem:$0x14A00] =	vst v63  }
0x2fd: {  	s24 =	sadd.s32 $0x50, s21;
	s25 =	simm.s32 $0x10CE8  }
0x2fe: {  	[hbm4b:s24+s4] =	stream.linear.scatter [tilespmem:s25], [sflag:$0x4], $0x80, $0x38;
	[tilespmem:$0x14A00] =	vst v63  }
0x2ff: {  	s24 =	sadd.s32 $0x60, s21;
	s25 =	simm.s32 $0x10D70  }
0x300: {  	[hbm4b:s24+s4] =	stream.linear.scatter [tilespmem:s25], [sflag:$0x4], $0x80, $0x38;
	[tilespmem:$0x14A00] =	vst v63  }
0x301: {  	s24 =	sadd.s32 $0x70, s21;
	s25 =	simm.s32 $0x10DF8  }
0x302: {  	[hbm4b:s24+s4] =	stream.linear.scatter [tilespmem:s25], [sflag:$0x4], $0x80, $0x38;
	[tilespmem:$0x14A00] =	vst v63  }
0x303: {  	s24 =	sadd.s32 $0x80, s21;
	s25 =	simm.s32 $0x10F90  }
0x304: {  	[hbm4b:s24+s4] =	stream.linear.scatter [tilespmem:s25], [sflag:$0x4], $0x80, $0x38;
	[tilespmem:$0x14A00] =	vst v63  }
0x305: {  	s24 =	sadd.s32 $0x90, s21;
	s25 =	simm.s32 $0x11018  }
0x306: {  	[hbm4b:s24+s4] =	stream.linear.scatter [tilespmem:s25], [sflag:$0x4], $0x80, $0x38;
	[tilespmem:$0x14A00] =	vst v63  }
0x307: {  	s24 =	sadd.s32 $0xA0, s21;
	s25 =	simm.s32 $0x110A0  }
0x308: {  	[hbm4b:s24+s4] =	stream.linear.scatter [tilespmem:s25], [sflag:$0x4], $0x80, $0x38;
	[tilespmem:$0x14A00] =	vst v63  }
0x309: {  	s24 =	sadd.s32 $0xB0, s21;
	s25 =	simm.s32 $0x11128  }
0x30a: {  	[hbm4b:s24+s4] =	stream.linear.scatter [tilespmem:s25], [sflag:$0x4], $0x80, $0x38;
	[tilespmem:$0x14A00] =	vst v63  }
0x30b: {  	s24 =	sadd.s32 $0xC0, s21;
	s25 =	simm.s32 $0x111B0  }
0x30c: {  	[hbm4b:s24+s4] =	stream.linear.scatter [tilespmem:s25], [sflag:$0x4], $0x80, $0x38;
	[tilespmem:$0x14A00] =	vst v63  }
0x30d: {  	s24 =	sadd.s32 $0xD0, s21;
	s25 =	simm.s32 $0x11238  }
0x30e: {  	[hbm4b:s24+s4] =	stream.linear.scatter [tilespmem:s25], [sflag:$0x4], $0x80, $0x38;
	[tilespmem:$0x14A00] =	vst v63  }
0x30f: {  	s24 =	sadd.s32 $0xE0, s21;
	s25 =	simm.s32 $0x112C0  }
0x310: {  	[hbm4b:s24+s4] =	stream.linear.scatter [tilespmem:s25], [sflag:$0x4], $0x80, $0x38;
	[tilespmem:$0x14A00] =	vst v63  }
0x311: {  	s24 =	sadd.s32 $0xF0, s21;
	s25 =	simm.s32 $0x11348  }
0x312: {  	[hbm4b:s24+s4] =	stream.linear.scatter [tilespmem:s25], [sflag:$0x4], $0x80, $0x38;
	[tilespmem:$0x14A00] =	vst v63  }
0x313: {  	s24 =	sadd.s32 $0x100, s21;
	s25 =	simm.s32 $0x114E0  }
0x314: {  	[hbm4b:s24+s4] =	stream.linear.scatter [tilespmem:s25], [sflag:$0x4], $0x80, $0x38;
	[tilespmem:$0x14A00] =	vst v63  }
0x315: {  	s24 =	sadd.s32 $0x110, s21;
	s25 =	simm.s32 $0x11568  }
0x316: {  	[hbm4b:s24+s4] =	stream.linear.scatter [tilespmem:s25], [sflag:$0x4], $0x80, $0x38;
	[tilespmem:$0x14A00] =	vst v63  }
0x317: {  	s24 =	sadd.s32 $0x120, s21;
	s25 =	simm.s32 $0x115F0  }
0x318: {  	[hbm4b:s24+s4] =	stream.linear.scatter [tilespmem:s25], [sflag:$0x4], $0x80, $0x38;
	[tilespmem:$0x14A00] =	vst v63  }
0x319: {  	s24 =	sadd.s32 $0x130, s21;
	s25 =	simm.s32 $0x11678  }
0x31a: {  	[hbm4b:s24+s4] =	stream.linear.scatter [tilespmem:s25], [sflag:$0x4], $0x80, $0x38;
	[tilespmem:$0x14A00] =	vst v63  }
0x31b: {  	s24 =	sadd.s32 $0x140, s21;
	s25 =	simm.s32 $0x11700  }
0x31c: {  	[hbm4b:s24+s4] =	stream.linear.scatter [tilespmem:s25], [sflag:$0x4], $0x80, $0x38;
	[tilespmem:$0x14A00] =	vst v63  }
0x31d: {  	s24 =	sadd.s32 $0x150, s21;
	s25 =	simm.s32 $0x11788  }
0x31e: {  	[hbm4b:s24+s4] =	stream.linear.scatter [tilespmem:s25], [sflag:$0x4], $0x80, $0x38;
	[tilespmem:$0x14A00] =	vst v63  }
0x31f: {  	s24 =	sadd.s32 $0x160, s21;
	s25 =	simm.s32 $0x11810  }
0x320: {  	[hbm4b:s24+s4] =	stream.linear.scatter [tilespmem:s25], [sflag:$0x4], $0x80, $0x38;
	[tilespmem:$0x14A00] =	vst v63  }
0x321: {  	s24 =	sadd.s32 $0x170, s21;
	s25 =	simm.s32 $0x11898  }
0x322: {  	[hbm4b:s24+s4] =	stream.linear.scatter [tilespmem:s25], [sflag:$0x4], $0x80, $0x38;
	[tilespmem:$0x14A00] =	vst v63  }
0x323: {  	s24 =	sadd.s32 $0x180, s21;
	s25 =	simm.s32 $0x11A30  }
0x324: {  	[hbm4b:s24+s4] =	stream.linear.scatter [tilespmem:s25], [sflag:$0x4], $0x80, $0x38;
	[tilespmem:$0x14A00] =	vst v63  }
0x325: {  	s24 =	sadd.s32 $0x190, s21;
	s25 =	simm.s32 $0x11AB8  }
0x326: {  	[hbm4b:s24+s4] =	stream.linear.scatter [tilespmem:s25], [sflag:$0x4], $0x80, $0x38;
	[tilespmem:$0x14A00] =	vst v63  }
0x327: {  	s24 =	sadd.s32 $0x1A0, s21;
	s25 =	simm.s32 $0x11B40  }
0x328: {  	[hbm4b:s24+s4] =	stream.linear.scatter [tilespmem:s25], [sflag:$0x4], $0x80, $0x38;
	[tilespmem:$0x14A00] =	vst v63  }
0x329: {  	s24 =	sadd.s32 $0x1B0, s21;
	s25 =	simm.s32 $0x11BC8  }
0x32a: {  	[hbm4b:s24+s4] =	stream.linear.scatter [tilespmem:s25], [sflag:$0x4], $0x80, $0x38;
	[tilespmem:$0x14A00] =	vst v63  }
0x32b: {  	s24 =	sadd.s32 $0x1C0, s21;
	s25 =	simm.s32 $0x11C50  }
0x32c: {  	[hbm4b:s24+s4] =	stream.linear.scatter [tilespmem:s25], [sflag:$0x4], $0x80, $0x38;
	[tilespmem:$0x14A00] =	vst v63  }
0x32d: {  	s24 =	sadd.s32 $0x1D0, s21;
	s25 =	simm.s32 $0x11CD8  }
0x32e: {  	[hbm4b:s24+s4] =	stream.linear.scatter [tilespmem:s25], [sflag:$0x4], $0x80, $0x38;
	[tilespmem:$0x14A00] =	vst v63  }
0x32f: {  	s23 =	sadd.s32 $0x1E0, s21;
	s24 =	simm.s32 $0x11D60  }
0x330: {  	[hbm4b:s23+s4] =	stream.linear.scatter [tilespmem:s24], [sflag:$0x4], $0x80, $0x38;
	[tilespmem:$0x14A00] =	vst v63  }
0x331: {  	s21 =	sadd.s32 $0x1F0, s21;
	s25 =	simm.s32 $0x11DE8  }
0x332: {  	[hbm4b:s21+s4] =	stream.linear.scatter [tilespmem:s25], [sflag:$0x4], $0x80, $0x38;
	[tilespmem:$0x14A00] =	vst v63  }
0x333: {  	s23 =	simm.s32 $0x11F80;
	s21 =	sadd.s32 s20, s14  }
0x334: {  	[hbm4b:s21+s4] =	stream.linear.scatter [tilespmem:s23], [sflag:$0x4], $0x80, $0x38;
	[tilespmem:$0x14A00] =	vst v63  }
0x335: {  	s25 =	simm.s32 $0x12008;
	s24 =	sadd.s32 $0x10, s21  }
0x336: {  	[hbm4b:s24+s4] =	stream.linear.scatter [tilespmem:s25], [sflag:$0x4], $0x80, $0x38;
	[tilespmem:$0x14A00] =	vst v63  }
0x337: {  	s24 =	sadd.s32 $0x20, s21;
	s25 =	simm.s32 $0x12090  }
0x338: {  	[hbm4b:s24+s4] =	stream.linear.scatter [tilespmem:s25], [sflag:$0x4], $0x80, $0x38;
	[tilespmem:$0x14A00] =	vst v63  }
0x339: {  	s24 =	sadd.s32 $0x30, s21;
	s25 =	simm.s32 $0x12118  }
0x33a: {  	[hbm4b:s24+s4] =	stream.linear.scatter [tilespmem:s25], [sflag:$0x4], $0x80, $0x38;
	[tilespmem:$0x14A00] =	vst v63  }
0x33b: {  	s24 =	sadd.s32 $0x40, s21;
	s25 =	simm.s32 $0x121A0  }
0x33c: {  	[hbm4b:s24+s4] =	stream.linear.scatter [tilespmem:s25], [sflag:$0x4], $0x80, $0x38;
	[tilespmem:$0x14A00] =	vst v63  }
0x33d: {  	s24 =	sadd.s32 $0x50, s21;
	s25 =	simm.s32 $0x12228  }
0x33e: {  	[hbm4b:s24+s4] =	stream.linear.scatter [tilespmem:s25], [sflag:$0x4], $0x80, $0x38;
	[tilespmem:$0x14A00] =	vst v63  }
0x33f: {  	s24 =	sadd.s32 $0x60, s21;
	s25 =	simm.s32 $0x122B0  }
0x340: {  	[hbm4b:s24+s4] =	stream.linear.scatter [tilespmem:s25], [sflag:$0x4], $0x80, $0x38;
	[tilespmem:$0x14A00] =	vst v63  }
0x341: {  	s24 =	sadd.s32 $0x70, s21;
	s25 =	simm.s32 $0x12338  }
0x342: {  	[hbm4b:s24+s4] =	stream.linear.scatter [tilespmem:s25], [sflag:$0x4], $0x80, $0x38;
	[tilespmem:$0x14A00] =	vst v63  }
0x343: {  	s24 =	sadd.s32 $0x80, s21;
	s25 =	simm.s32 $0x124D0  }
0x344: {  	[hbm4b:s24+s4] =	stream.linear.scatter [tilespmem:s25], [sflag:$0x4], $0x80, $0x38;
	[tilespmem:$0x14A00] =	vst v63  }
0x345: {  	s24 =	sadd.s32 $0x90, s21;
	s25 =	simm.s32 $0x12558  }
0x346: {  	[hbm4b:s24+s4] =	stream.linear.scatter [tilespmem:s25], [sflag:$0x4], $0x80, $0x38;
	[tilespmem:$0x14A00] =	vst v63  }
0x347: {  	s24 =	sadd.s32 $0xA0, s21;
	s25 =	simm.s32 $0x125E0  }
0x348: {  	[hbm4b:s24+s4] =	stream.linear.scatter [tilespmem:s25], [sflag:$0x4], $0x80, $0x38;
	[tilespmem:$0x14A00] =	vst v63  }
0x349: {  	s24 =	sadd.s32 $0xB0, s21;
	s25 =	simm.s32 $0x12668  }
0x34a: {  	[hbm4b:s24+s4] =	stream.linear.scatter [tilespmem:s25], [sflag:$0x4], $0x80, $0x38;
	[tilespmem:$0x14A00] =	vst v63  }
0x34b: {  	s24 =	sadd.s32 $0xC0, s21;
	s25 =	simm.s32 $0x126F0  }
0x34c: {  	[hbm4b:s24+s4] =	stream.linear.scatter [tilespmem:s25], [sflag:$0x4], $0x80, $0x38;
	[tilespmem:$0x14A00] =	vst v63  }
0x34d: {  	s24 =	sadd.s32 $0xD0, s21;
	s25 =	simm.s32 $0x12778  }
0x34e: {  	[hbm4b:s24+s4] =	stream.linear.scatter [tilespmem:s25], [sflag:$0x4], $0x80, $0x38;
	[tilespmem:$0x14A00] =	vst v63  }
0x34f: {  	s24 =	sadd.s32 $0xE0, s21;
	s25 =	simm.s32 $0x12800  }
0x350: {  	[hbm4b:s24+s4] =	stream.linear.scatter [tilespmem:s25], [sflag:$0x4], $0x80, $0x38;
	[tilespmem:$0x14A00] =	vst v63  }
0x351: {  	s24 =	sadd.s32 $0xF0, s21;
	s25 =	simm.s32 $0x12888  }
0x352: {  	[hbm4b:s24+s4] =	stream.linear.scatter [tilespmem:s25], [sflag:$0x4], $0x80, $0x38;
	[tilespmem:$0x14A00] =	vst v63  }
0x353: {  	s24 =	sadd.s32 $0x100, s21;
	s25 =	simm.s32 $0x12A20  }
0x354: {  	[hbm4b:s24+s4] =	stream.linear.scatter [tilespmem:s25], [sflag:$0x4], $0x80, $0x38;
	[tilespmem:$0x14A00] =	vst v63  }
0x355: {  	s24 =	sadd.s32 $0x110, s21;
	s25 =	simm.s32 $0x12AA8  }
0x356: {  	[hbm4b:s24+s4] =	stream.linear.scatter [tilespmem:s25], [sflag:$0x4], $0x80, $0x38;
	[tilespmem:$0x14A00] =	vst v63  }
0x357: {  	s24 =	sadd.s32 $0x120, s21;
	s25 =	simm.s32 $0x12B30  }
0x358: {  	[hbm4b:s24+s4] =	stream.linear.scatter [tilespmem:s25], [sflag:$0x4], $0x80, $0x38;
	[tilespmem:$0x14A00] =	vst v63  }
0x359: {  	s24 =	sadd.s32 $0x130, s21;
	s25 =	simm.s32 $0x12BB8  }
0x35a: {  	[hbm4b:s24+s4] =	stream.linear.scatter [tilespmem:s25], [sflag:$0x4], $0x80, $0x38;
	[tilespmem:$0x14A00] =	vst v63  }
0x35b: {  	s24 =	sadd.s32 $0x140, s21;
	s25 =	simm.s32 $0x12C40  }
0x35c: {  	[hbm4b:s24+s4] =	stream.linear.scatter [tilespmem:s25], [sflag:$0x4], $0x80, $0x38;
	[tilespmem:$0x14A00] =	vst v63  }
0x35d: {  	s24 =	sadd.s32 $0x150, s21;
	s25 =	simm.s32 $0x12CC8  }
0x35e: {  	[hbm4b:s24+s4] =	stream.linear.scatter [tilespmem:s25], [sflag:$0x4], $0x80, $0x38;
	[tilespmem:$0x14A00] =	vst v63  }
0x35f: {  	s24 =	sadd.s32 $0x160, s21;
	s25 =	simm.s32 $0x12D50  }
0x360: {  	[hbm4b:s24+s4] =	stream.linear.scatter [tilespmem:s25], [sflag:$0x4], $0x80, $0x38;
	[tilespmem:$0x14A00] =	vst v63  }
0x361: {  	s24 =	sadd.s32 $0x170, s21;
	s25 =	simm.s32 $0x12DD8  }
0x362: {  	[hbm4b:s24+s4] =	stream.linear.scatter [tilespmem:s25], [sflag:$0x4], $0x80, $0x38;
	[tilespmem:$0x14A00] =	vst v63  }
0x363: {  	s24 =	sadd.s32 $0x180, s21;
	s25 =	simm.s32 $0x12F70  }
0x364: {  	[hbm4b:s24+s4] =	stream.linear.scatter [tilespmem:s25], [sflag:$0x4], $0x80, $0x38;
	[tilespmem:$0x14A00] =	vst v63  }
0x365: {  	s24 =	sadd.s32 $0x190, s21;
	s25 =	simm.s32 $0x12FF8  }
0x366: {  	[hbm4b:s24+s4] =	stream.linear.scatter [tilespmem:s25], [sflag:$0x4], $0x80, $0x38;
	[tilespmem:$0x14A00] =	vst v63  }
0x367: {  	s24 =	sadd.s32 $0x1A0, s21;
	s25 =	simm.s32 $0x13080  }
0x368: {  	[hbm4b:s24+s4] =	stream.linear.scatter [tilespmem:s25], [sflag:$0x4], $0x80, $0x38;
	[tilespmem:$0x14A00] =	vst v63  }
0x369: {  	s24 =	sadd.s32 $0x1B0, s21;
	s25 =	simm.s32 $0x13108  }
0x36a: {  	[hbm4b:s24+s4] =	stream.linear.scatter [tilespmem:s25], [sflag:$0x4], $0x80, $0x38;
	[tilespmem:$0x14A00] =	vst v63  }
0x36b: {  	s24 =	sadd.s32 $0x1C0, s21;
	s25 =	simm.s32 $0x13190  }
0x36c: {  	[hbm4b:s24+s4] =	stream.linear.scatter [tilespmem:s25], [sflag:$0x4], $0x80, $0x38;
	[tilespmem:$0x14A00] =	vst v63  }
0x36d: {  	s24 =	sadd.s32 $0x1D0, s21;
	s25 =	simm.s32 $0x13218  }
0x36e: {  	[hbm4b:s24+s4] =	stream.linear.scatter [tilespmem:s25], [sflag:$0x4], $0x80, $0x38;
	[tilespmem:$0x14A00] =	vst v63  }
0x36f: {  	s23 =	sadd.s32 $0x1E0, s21;
	s24 =	simm.s32 $0x132A0  }
0x370: {  	[hbm4b:s23+s4] =	stream.linear.scatter [tilespmem:s24], [sflag:$0x4], $0x80, $0x38;
	[tilespmem:$0x14A00] =	vst v63  }
0x371: {  	s21 =	sadd.s32 $0x1F0, s21;
	s25 =	simm.s32 $0x13328  }
0x372: {  	[hbm4b:s21+s4] =	stream.linear.scatter [tilespmem:s25], [sflag:$0x4], $0x80, $0x38;
	[tilespmem:$0x14A00] =	vst v63  }
0x373: {  	s20 =	sadd.s32 s20, s15;
	s23 =	simm.s32 $0x134C0  }
0x374: {  	[hbm4b:s20+s4] =	stream.linear.scatter [tilespmem:s23], [sflag:$0x4], $0x80, $0x38;
	[tilespmem:$0x14A00] =	vst v63  }
0x375: {  	s24 =	sadd.s32 $0x10, s20;
	s25 =	simm.s32 $0x13548  }
0x376: {  	[hbm4b:s24+s4] =	stream.linear.scatter [tilespmem:s25], [sflag:$0x4], $0x80, $0x38;
	[tilespmem:$0x14A00] =	vst v63  }
0x377: {  	s22 =	sadd.s32 $0x20, s20;
	s23 =	simm.s32 $0x135D0  }
0x378: {  	[hbm4b:s22+s4] =	stream.linear.scatter [tilespmem:s23], [sflag:$0x4], $0x80, $0x38;
	[tilespmem:$0x14A00] =	vst v63  }
0x379: {  	s24 =	sadd.s32 $0x30, s20;
	s25 =	simm.s32 $0x13658  }
0x37a: {  	[hbm4b:s24+s4] =	stream.linear.scatter [tilespmem:s25], [sflag:$0x4], $0x80, $0x38;
	[tilespmem:$0x14A00] =	vst v63  }
0x37b: {  	s22 =	sadd.s32 $0x40, s20;
	s23 =	simm.s32 $0x136E0  }
0x37c: {  	[hbm4b:s22+s4] =	stream.linear.scatter [tilespmem:s23], [sflag:$0x4], $0x80, $0x38;
	[tilespmem:$0x14A00] =	vst v63  }
0x37d: {  	s24 =	sadd.s32 $0x50, s20;
	s25 =	simm.s32 $0x13768  }
0x37e: {  	[hbm4b:s24+s4] =	stream.linear.scatter [tilespmem:s25], [sflag:$0x4], $0x80, $0x38;
	[tilespmem:$0x14A00] =	vst v63  }
0x37f: {  	s22 =	sadd.s32 $0x60, s20;
	s23 =	simm.s32 $0x137F0  }
0x380: {  	[hbm4b:s22+s4] =	stream.linear.scatter [tilespmem:s23], [sflag:$0x4], $0x80, $0x38;
	[tilespmem:$0x14A00] =	vst v63  }
0x381: {  	s24 =	sadd.s32 $0x70, s20;
	s25 =	simm.s32 $0x13878  }
0x382: {  	[hbm4b:s24+s4] =	stream.linear.scatter [tilespmem:s25], [sflag:$0x4], $0x80, $0x38;
	[tilespmem:$0x14A00] =	vst v63  }
0x383: {  	s22 =	sadd.s32 $0x80, s20;
	s23 =	simm.s32 $0x13A10  }
0x384: {  	[hbm4b:s22+s4] =	stream.linear.scatter [tilespmem:s23], [sflag:$0x4], $0x80, $0x38;
	[tilespmem:$0x14A00] =	vst v63  }
0x385: {  	s24 =	sadd.s32 $0x90, s20;
	s25 =	simm.s32 $0x13A98  }
0x386: {  	[hbm4b:s24+s4] =	stream.linear.scatter [tilespmem:s25], [sflag:$0x4], $0x80, $0x38;
	[tilespmem:$0x14A00] =	vst v63  }
0x387: {  	s22 =	sadd.s32 $0xA0, s20;
	s23 =	simm.s32 $0x13B20  }
0x388: {  	[hbm4b:s22+s4] =	stream.linear.scatter [tilespmem:s23], [sflag:$0x4], $0x80, $0x38;
	[tilespmem:$0x14A00] =	vst v63  }
0x389: {  	s24 =	sadd.s32 $0xB0, s20;
	s25 =	simm.s32 $0x13BA8  }
0x38a: {  	[hbm4b:s24+s4] =	stream.linear.scatter [tilespmem:s25], [sflag:$0x4], $0x80, $0x38;
	[tilespmem:$0x14A00] =	vst v63  }
0x38b: {  	s22 =	sadd.s32 $0xC0, s20;
	s23 =	simm.s32 $0x13C30  }
0x38c: {  	[hbm4b:s22+s4] =	stream.linear.scatter [tilespmem:s23], [sflag:$0x4], $0x80, $0x38;
	[tilespmem:$0x14A00] =	vst v63  }
0x38d: {  	s24 =	sadd.s32 $0xD0, s20;
	s25 =	simm.s32 $0x13CB8  }
0x38e: {  	[hbm4b:s24+s4] =	stream.linear.scatter [tilespmem:s25], [sflag:$0x4], $0x80, $0x38;
	[tilespmem:$0x14A00] =	vst v63  }
0x38f: {  	s22 =	sadd.s32 $0xE0, s20;
	s23 =	simm.s32 $0x13D40  }
0x390: {  	[hbm4b:s22+s4] =	stream.linear.scatter [tilespmem:s23], [sflag:$0x4], $0x80, $0x38;
	[tilespmem:$0x14A00] =	vst v63  }
0x391: {  	s24 =	sadd.s32 $0xF0, s20;
	s25 =	simm.s32 $0x13DC8  }
0x392: {  	[hbm4b:s24+s4] =	stream.linear.scatter [tilespmem:s25], [sflag:$0x4], $0x80, $0x38;
	[tilespmem:$0x14A00] =	vst v63  }
0x393: {  	s22 =	sadd.s32 $0x100, s20;
	s23 =	simm.s32 $0x13F60  }
0x394: {  	[hbm4b:s22+s4] =	stream.linear.scatter [tilespmem:s23], [sflag:$0x4], $0x80, $0x38;
	[tilespmem:$0x14A00] =	vst v63  }
0x395: {  	s24 =	sadd.s32 $0x110, s20;
	s25 =	simm.s32 $0x13FE8  }
0x396: {  	[hbm4b:s24+s4] =	stream.linear.scatter [tilespmem:s25], [sflag:$0x4], $0x80, $0x38;
	[tilespmem:$0x14A00] =	vst v63  }
0x397: {  	s22 =	sadd.s32 $0x120, s20;
	s23 =	simm.s32 $0x14070  }
0x398: {  	[hbm4b:s22+s4] =	stream.linear.scatter [tilespmem:s23], [sflag:$0x4], $0x80, $0x38;
	[tilespmem:$0x14A00] =	vst v63  }
0x399: {  	s24 =	sadd.s32 $0x130, s20;
	s25 =	simm.s32 $0x140F8  }
0x39a: {  	[hbm4b:s24+s4] =	stream.linear.scatter [tilespmem:s25], [sflag:$0x4], $0x80, $0x38;
	[tilespmem:$0x14A00] =	vst v63  }
0x39b: {  	s22 =	sadd.s32 $0x140, s20  }
0x39c: {  	[hbm4b:s22+s4] =	stream.linear.scatter [tilespmem:s17], [sflag:$0x4], $0x80, $0x38;
	[tilespmem:$0x14A00] =	vst v63  }
0x39d: {  	s23 =	sadd.s32 $0x150, s20  }
0x39e: {  	[hbm4b:s23+s4] =	stream.linear.scatter [tilespmem:s1], [sflag:$0x4], $0x80, $0x38;
	[tilespmem:$0x14A00] =	vst v63  }
0x39f: {  	s24 =	sadd.s32 $0x160, s20  }
0x3a0: {  	[hbm4b:s24+s4] =	stream.linear.scatter [tilespmem:s3], [sflag:$0x4], $0x80, $0x38;
	[tilespmem:$0x14A00] =	vst v63  }
0x3a1: {  	s25 =	sadd.s32 $0x170, s20  }
0x3a2: {  	[hbm4b:s25+s4] =	stream.linear.scatter [tilespmem:s26], [sflag:$0x4], $0x80, $0x38;
	[tilespmem:$0x14A00] =	vst v63  }
0x3a3: {  	s22 =	sadd.s32 $0x180, s20  }
0x3a4: {  	[hbm4b:s22+s4] =	stream.linear.scatter [tilespmem:s28], [sflag:$0x4], $0x80, $0x38;
	[tilespmem:$0x14A00] =	vst v63  }
0x3a5: {  	s23 =	sadd.s32 $0x190, s20  }
0x3a6: {  	[hbm4b:s23+s4] =	stream.linear.scatter [tilespmem:s29], [sflag:$0x4], $0x80, $0x38;
	[tilespmem:$0x14A00] =	vst v63  }
0x3a7: {  	s24 =	sadd.s32 $0x1A0, s20;
	s25 =	simm.s32 $0x145C0  }
0x3a8: {  	[hbm4b:s24+s4] =	stream.linear.scatter [tilespmem:s25], [sflag:$0x4], $0x80, $0x38;
	[tilespmem:$0x14A00] =	vst v63  }
0x3a9: {  	s22 =	sadd.s32 $0x1B0, s20;
	s23 =	simm.s32 $0x14648  }
0x3aa: {  	[hbm4b:s22+s4] =	stream.linear.scatter [tilespmem:s23], [sflag:$0x4], $0x80, $0x38;
	[tilespmem:$0x14A00] =	vst v63  }
0x3ab: {  	s19 =	sadd.s32 $0x1, s19;
	s24 =	sadd.s32 $0x1C0, s20;
	s25 =	simm.s32 $0x146D0  }
0x3ac: {  	[hbm4b:s24+s4] =	stream.linear.scatter [tilespmem:s25], [sflag:$0x4], $0x80, $0x38;
	[tilespmem:$0x14A00] =	vst v63  }
0x3ad: {  	p0 =	sne.s32 s19, $0x64;
	s22 =	sadd.s32 $0x1D0, s20;
	s23 =	simm.s32 $0x14758  }
0x3ae: {  	[hbm4b:s22+s4] =	stream.linear.scatter [tilespmem:s23], [sflag:$0x4], $0x80, $0x38;
	[tilespmem:$0x14A00] =	vst v63  }
.Ltmp2:
0x3af: {  	_ = 	snop;
	(pc) =	sbr.rel @p0 .LBB2_2-.Ltmp2, $4  }
0x3b0: {  	s24 =	sadd.s32 $0x1E0, s20;
	s25 =	simm.s32 $0x147E0  }
0x3b1: {  	[hbm4b:s24+s4] =	stream.linear.scatter [tilespmem:s25], [sflag:$0x4], $0x80, $0x38;
	[tilespmem:$0x14A00] =	vst v63  }
0x3b2: {  	s20 =	sadd.s32 $0x1F0, s20  }
0x3b3: {  	[hbm4b:s20+s4] =	stream.linear.scatter [tilespmem:s30], [sflag:$0x4], $0x80, $0x38;
	[tilespmem:$0x14A00] =	vst v63  }
0x3b4: {  	_ =	swait.ge [sflag:s2], $0x1000  }
0x3b5: {  	[sflag:s2] =	ssyncset.done $0x0  }
0x3b6: {  	[sflag:s2] =	ssyncadd.s32 $0xFFFFF000  }
0x3b7: {  	_ =	swait.ge [sflag:s2], $0x1000  }
0x3b8: {  	[sflag:s2] =	ssyncset.done $0x0  }
0x3b9: {  	[sflag:s2] =	ssyncadd.s32 $0xFFFFF000  }
0x3ba: {  	_ =	swait.ge [sflag:s2], $0x1000  }
0x3bb: {  	[sflag:s2] =	ssyncset.done $0x0  }
0x3bc: {  	[sflag:s2] =	ssyncadd.s32 $0xFFFFF000  }
0x3bd: {  	_ =	swait.ge [sflag:s2], $0x1000  }
0x3be: {  	[sflag:s2] =	ssyncset.done $0x0  }
0x3bf: {  	[sflag:s2] =	ssyncadd.s32 $0xFFFFF000  }
0x3c0: {  	_ =	swait.ge [sflag:s2], $0x1000  }
0x3c1: {  	[sflag:s2] =	ssyncset.done $0x0  }
0x3c2: {  	[sflag:s2] =	ssyncadd.s32 $0xFFFFF000  }
0x3c3: {  	_ =	swait.ge [sflag:s2], $0x1000  }
0x3c4: {  	[sflag:s2] =	ssyncset.done $0x0  }
0x3c5: {  	[sflag:s2] =	ssyncadd.s32 $0xFFFFF000  }
0x3c6: {  	_ =	swait.ge [sflag:s2], $0x1000  }
0x3c7: {  	[sflag:s2] =	ssyncset.done $0x0  }
0x3c8: {  	[sflag:s2] =	ssyncadd.s32 $0xFFFFF000  }
0x3c9: {  	_ =	swait.ge [sflag:s2], $0x1000  }
0x3ca: {  	s20 =	rddreg [dreg:$0x6]  }
0x3cb: {  	s19 =	rddreg [dreg:$0x5];
	s20 =	sadd.s32 $0x1, s20  }
0x3cc: {  	p0 =	sne.s32 s20, s19  }
.Ltmp3:
0x3cd: {  	_ = 	snop;
	(pc) =	sbr.rel @p0 .LBB2_1-.Ltmp3, $3  }
0x3ce: {  	_ =	sdelay $0x1  }
0x3cf: {  	[sflag:s2] =	ssyncset.done $0x0  }
0x3d0: {  	[sflag:s2] =	ssyncadd.s32 $0xFFFFF000  }
0x3d1: {  	_ =	sfence.sel $0x180000  }
0x3d2: {  	[bflag:$0x0] =	sbarrier.arrive $0xFFFF  }
0x3d3: {  	_ =	strace $0x90000047  }
0x3d4: {  	s0 =	stileid.u32;
	[bflag:$0x2] =	sbarrier.arrive $0xFFFF  }
0x3d5: {  	p0 =	sne.s32 s0, $0x0;
	s0 =	rddreg [dreg:$0x3]  }
0x3d6: {  	s0 =	sadd.s32 @!p0 $0x100000, s0  }
0x3d7: {  	[sflag:s0] =	ssyncadd.tile.s32 @!p0 $0x1;
	_ =	shalt  }
.Lfunc_end2:
_tile_overlayer_lowered:
.L_overlay_start_2:
0x3d8: {  	(tag) =	ssettag $0x2  }
0x3d9: {  	s0 =	rddreg [dreg:$0x0];
	s2 =	stileid.u32  }
0x3da: {  	s1 =	rddreg [dreg:$0x1];
	p0 =	sne.s32 s2, $0x0  }
0x3db: {  	s3 =	rddreg [dreg:$0x2];
	[bflag:$0x3] =	sbarrier.arrive $0xFFFF;
	s2 =	simm.s32 @!p0 $0x1C05  }
0x3dc: {  	[timem:s3], [sflag:s2] =	dma.local @!p0 [hbm:s0], s1  }
0x3dd: {  	s0 =	simm.s32 @!p0 $0x5  }
0x3de: {  	_ =	swait.ge @!p0 [sflag:s0], s1  }
0x3df: {  	s1 =	ssub.s32 @!p0 $0x0, s1;
	[sflag:s0] =	ssyncset.done @!p0 $0x0  }
0x3e0: {  	[sflag:s0] =	ssyncadd.s32 @!p0 s1  }
0x3e1: {  	[bflag:$0x3] =	sbarrier.arrive $0xFFFF  }
0x3e2: {  	_ =	shalt  }

</sc_bundles>
